<compile_context>
chip_gen: v7x
topology: tpu7x:2x2x1
jax: 0.10.2.dev20260603
libtpu: 0.0.44.dev20260713+nightly
codegen_flags: <defaults>
</compile_context>

<pallas_src>
import functools

import jax
import jax.numpy as jnp
from jax import lax
from jax.experimental import pallas as pl
from jax.experimental.pallas import tpu as pltpu
from jax.experimental.pallas import tpu_sc as plsc

N_NODES = 10000
N_EDGES = 320000
D_IN = 256
D_HID = 128

NC = 2
NS = 16
NW = NC * NS

NPAD = 10240
EPAD = 327680
EPT = EPAD // NW
GPT = EPT // 128
ROWS_PT = NPAD // NS

MB = 2048
GRID_M = NPAD // MB

_mesh = plsc.VectorSubcoreMesh(
    core_axis_name="c", subcore_axis_name="s", num_cores=NC, num_subcores=NS)


@functools.partial(
    pl.kernel,
    out_type=jax.ShapeDtypeStruct((NW, NPAD // 16, 16), jnp.float32),
    mesh=_mesh,
    compiler_params=pltpu.CompilerParams(needs_layout_passes=False),
    scratch_types=[
        pltpu.VMEM((NPAD // 16, 16), jnp.float32),
        pltpu.VMEM((2048,), jnp.int32),
    ],
)
def _deg_kernel(dst_hbm, out_hbm, acc, idxb):
    cid = lax.axis_index("c")
    sid = lax.axis_index("s")
    wid = cid * NS + sid

    z16 = jnp.zeros((16,), jnp.float32)

    def zero_body(i, _):
        acc[i, pl.ds(0, 16)] = z16
        return 0

    lax.fori_loop(0, NPAD // 16, zero_body, 0)

    ones16 = jnp.ones((16,), jnp.float32)

    def chunk_body(c, _):
        pltpu.sync_copy(dst_hbm.at[pl.ds(wid * EPT + c * 2048, 2048)], idxb)

        def grp_body(i, _):
            idx = idxb[pl.ds(i * 16, 16)]
            plsc.addupdate_scatter(
                acc, [lax.shift_right_logical(idx, 4),
                      jnp.bitwise_and(idx, 15)], ones16)
            return 0

        lax.fori_loop(0, 128, grp_body, 0)
        return 0

    lax.fori_loop(0, EPT // 2048, chunk_body, 0)
    pltpu.sync_copy(acc, out_hbm.at[wid])


G_SC0 = 152
G_SC1 = 2 * GPT - G_SC0


@functools.partial(
    pl.kernel,
    out_type=jax.ShapeDtypeStruct((NC, NPAD, D_HID), jnp.float32),
    mesh=_mesh,
    compiler_params=pltpu.CompilerParams(needs_layout_passes=False),
    scratch_types=[
        pltpu.VMEM((16, 128), jnp.int32),
        pltpu.VMEM((16, 128), jnp.int32),
        pltpu.VMEM((256, D_HID), jnp.float32),
        pltpu.VMEM_SHARED((NPAD, D_HID), jnp.float32),
        pltpu.SemaphoreType.DMA,
        pltpu.SemaphoreType.DMA,
        pltpu.SemaphoreType.DMA,
    ],
)
def _scatter_kernel(hs_hbm, src_hbm, dst_hbm, out_hbm,
                    sidx, didx, bufs, acc, gsem, ssem, isem):
    cid = lax.axis_index("c")
    sid = lax.axis_index("s")
    gcnt = jnp.where(cid == 0, G_SC0, G_SC1)
    gbase = jnp.where(cid == 0, sid * G_SC0, NS * G_SC0 + sid * G_SC1)
    nblk = gcnt // 8

    z16 = jnp.zeros((16,), jnp.float32)

    def zero_body(i, _):
        bufs[i >> 3, pl.ds((i & 7) * 16, 16)] = z16
        return 0

    lax.fori_loop(0, 128 * (D_HID // 16), zero_body, 0)

    def zcopy_body(z, _):
        pltpu.sync_copy(bufs.at[pl.ds(0, 128)],
                        acc.at[pl.ds(sid * ROWS_PT + z * 128, 128)])
        return 0

    lax.fori_loop(0, ROWS_PT // 128, zcopy_body, 0)
    plsc.subcore_barrier()

    pltpu.sync_copy(src_hbm.at[pl.ds(gbase, 8)], sidx.at[pl.ds(0, 8)])
    pltpu.sync_copy(dst_hbm.at[pl.ds(gbase, 8)], didx.at[pl.ds(0, 8)])
    pltpu.async_copy(hs_hbm.at[sidx.at[0]], bufs.at[pl.ds(0, 128)], gsem)

    def body(j, _):
        u = (j % 2) * 128
        blk = j // 8
        r = j - blk * 8
        slot = (blk % 2) * 8

        pltpu.make_async_copy(hs_hbm.at[sidx.at[0]],
                              bufs.at[pl.ds(u, 128)], gsem).wait()

        @pl.when(j >= 1)
        def _():
            pltpu.make_async_copy(bufs.at[pl.ds(128 - u, 128)],
                                  acc.at[didx.at[0]], ssem).wait()

        @pl.when(jnp.logical_and(r == 0, blk + 1 < nblk))
        def _():
            pltpu.async_copy(src_hbm.at[pl.ds(gbase + (blk + 1) * 8, 8)],
                             sidx.at[pl.ds(8 - slot, 8)], isem)
            pltpu.async_copy(dst_hbm.at[pl.ds(gbase + (blk + 1) * 8, 8)],
                             didx.at[pl.ds(8 - slot, 8)], isem)

        @pl.when(jnp.logical_and(r == 7, j + 1 < gcnt))
        def _():
            pltpu.make_async_copy(src_hbm.at[pl.ds(gbase, 8)],
                                  sidx.at[pl.ds(0, 8)], isem).wait()
            pltpu.make_async_copy(dst_hbm.at[pl.ds(gbase, 8)],
                                  didx.at[pl.ds(0, 8)], isem).wait()

        @pl.when(j + 1 < gcnt)
        def _():
            blk1 = (j + 1) // 8
            srow = (blk1 % 2) * 8 + (j + 1 - blk1 * 8)
            pltpu.async_copy(hs_hbm.at[sidx.at[srow]],
                             bufs.at[pl.ds(128 - u, 128)], gsem)

        pltpu.async_copy(bufs.at[pl.ds(u, 128)],
                         acc.at[didx.at[slot + r]], ssem, add=True)
        return 0

    lax.fori_loop(0, gcnt, body, 0)
    pltpu.make_async_copy(bufs.at[pl.ds(128, 128)],
                          acc.at[didx.at[0]], ssem).wait()

    plsc.subcore_barrier()

    def wb_body(z, _):
        r0 = sid * ROWS_PT + z * 128
        pltpu.sync_copy(acc.at[pl.ds(r0, 128)], bufs.at[pl.ds(0, 128)])
        pltpu.sync_copy(bufs.at[pl.ds(0, 128)],
                        out_hbm.at[cid].at[pl.ds(r0, 128)])
        return 0

    lax.fori_loop(0, ROWS_PT // 128, wb_body, 0)


def _dis_dinv(degp):
    deg = jnp.sum(degp, axis=0) + 1.0
    dis = lax.rsqrt(deg)[:, None]
    dinv = (1.0 / deg)[:, None]
    return dis, dinv


def _mm1_body(x_ref, w_ref, degp_ref, h_ref, hs_ref):
    dis, _ = _dis_dinv(degp_ref[...])
    h = jnp.dot(x_ref[...], w_ref[...], preferred_element_type=jnp.float32)
    h_ref[...] = h
    hs_ref[...] = h * dis


def _mid_body(s_ref, h_ref, degp_ref, w_ref, b_ref, h2_ref, hs2_ref):
    dis, dinv = _dis_dinv(degp_ref[...])
    s = s_ref[0] + s_ref[1]
    a = jnp.maximum(s * dis + h_ref[...] * dinv + b_ref[...], 0.0)
    h2 = jnp.dot(a, w_ref[...], preferred_element_type=jnp.float32)
    h2_ref[...] = h2
    hs2_ref[...] = h2 * dis


def _out_body(s_ref, h_ref, degp_ref, b_ref, o_ref):
    dis, dinv = _dis_dinv(degp_ref[...])
    s = s_ref[0] + s_ref[1]
    o_ref[...] = jnp.maximum(s * dis + h_ref[...] * dinv + b_ref[...], 0.0)


def _row_spec(width):
    return pl.BlockSpec((MB, width), lambda i: (i, 0))


_degp_spec = pl.BlockSpec((NW, MB), lambda i: (0, i))
_s_spec = pl.BlockSpec((NC, MB, D_HID), lambda i: (0, i, 0))
_b_spec = pl.BlockSpec((1, D_HID), lambda i: (0, 0))


def _mm1(x, w1, degp):
    return pl.pallas_call(
        _mm1_body,
        grid=(GRID_M,),
        in_specs=[_row_spec(D_IN),
                  pl.BlockSpec((D_IN, D_HID), lambda i: (0, 0)),
                  _degp_spec],
        out_specs=[_row_spec(D_HID), _row_spec(D_HID)],
        out_shape=[jax.ShapeDtypeStruct((N_NODES, D_HID), jnp.float32),
                   jax.ShapeDtypeStruct((N_NODES, D_HID), jnp.float32)],
    )(x, w1, degp)


def _mid(s, h, degp, w2, b1):
    return pl.pallas_call(
        _mid_body,
        grid=(GRID_M,),
        in_specs=[_s_spec, _row_spec(D_HID), _degp_spec,
                  pl.BlockSpec((D_HID, D_HID), lambda i: (0, 0)), _b_spec],
        out_specs=[_row_spec(D_HID), _row_spec(D_HID)],
        out_shape=[jax.ShapeDtypeStruct((N_NODES, D_HID), jnp.float32),
                   jax.ShapeDtypeStruct((N_NODES, D_HID), jnp.float32)],
    )(s, h, degp, w2, b1)


def _out(s, h, degp, b2):
    return pl.pallas_call(
        _out_body,
        grid=(GRID_M,),
        in_specs=[_s_spec, _row_spec(D_HID), _degp_spec, _b_spec],
        out_specs=_row_spec(D_HID),
        out_shape=jax.ShapeDtypeStruct((N_NODES, D_HID), jnp.float32),
    )(s, h, degp, b2)


def kernel(x, edge_index, y, W1, b1, W2, b2):
    del y
    src = edge_index[0].astype(jnp.int32)
    dst = edge_index[1].astype(jnp.int32)
    pad_e = EPAD - N_EDGES
    src_p = jnp.concatenate([src, jnp.zeros((pad_e,), jnp.int32)])
    dst_p = jnp.concatenate([dst, jnp.full((pad_e,), NPAD - 1, jnp.int32)])
    src_m = src_p.reshape(EPAD // 128, 128)
    dst_m = dst_p.reshape(EPAD // 128, 128)

    b1r = b1.reshape(1, D_HID)
    b2r = b2.reshape(1, D_HID)

    degp = _deg_kernel(dst_p).reshape(NW, NPAD)
    h1, hs1 = _mm1(x, W1, degp)
    s1 = _scatter_kernel(hs1, src_m, dst_m)
    h2, hs2 = _mid(s1, h1, degp, W2, b1r)
    s2 = _scatter_kernel(hs2, src_m, dst_m)
    return _out(s2, h2, degp, b2r)

# --- scband reference (transcript-rebuilt; emitter-appended) ---
"""Pipeline reference for scband-mix-palm-model-57930518889107 (READ-ONLY COPY).

The authoritative reference and input builder live on the scoring server;
editing this copy changes nothing except your own understanding.
"""

import jax, jax.numpy as jnp
import numpy as np

N_NODES = 10000
N_EDGES = 320000
D_IN = 256
D_HID = 128


def setup_inputs(seed: int = 0) -> dict:
    key = jax.random.key(seed)
    k1, k2, k3, k4, k5, k6, k7 = jax.random.split(key, 7)
    x = jax.random.normal(k1, (N_NODES, D_IN), dtype=jnp.float32)
    edge_index = jax.random.randint(k2, (2, N_EDGES), 0, N_NODES, dtype=jnp.int64)
    y = jax.random.randint(k3, (N_NODES,), 0, 40, dtype=jnp.int64)
    # GCN layer params (glorot-ish scaling)
    W1 = jax.random.normal(k4, (D_IN, D_HID), dtype=jnp.float32) * (1.0 / np.sqrt(D_IN))
    b1 = jnp.zeros((D_HID,), dtype=jnp.float32)
    W2 = jax.random.normal(k5, (D_HID, D_HID), dtype=jnp.float32) * (1.0 / np.sqrt(D_HID))
    b2 = jnp.zeros((D_HID,), dtype=jnp.float32)
    return {"x": x, "edge_index": edge_index, "y": y, "W1": W1, "b1": b1, "W2": W2, "b2": b2}


def _gcn_conv(x, edge_index, W, b):
    n = x.shape[0]
    src = edge_index[0]
    dst = edge_index[1]
    # add self loops (PyG GCNConv default)
    loop = jnp.arange(n, dtype=src.dtype)
    src = jnp.concatenate([src, loop])
    dst = jnp.concatenate([dst, loop])
    # symmetric normalization: deg computed on dst with self loops
    deg = jnp.zeros((n,), dtype=jnp.float32).at[dst].add(1.0)
    deg_inv_sqrt = jnp.where(deg > 0, 1.0 / jnp.sqrt(deg), 0.0)
    norm = deg_inv_sqrt[src] * deg_inv_sqrt[dst]
    h = x @ W
    msg = h[src] * norm[:, None]
    out = jnp.zeros((n, W.shape[1]), dtype=jnp.float32).at[dst].add(msg)
    return out + b


def reference(x, edge_index, y, W1, b1, W2, b2):
    # EnsGNN with encoder=True: relu + dropout(eval->identity) after every conv
    h = _gcn_conv(x, edge_index, W1, b1)
    h = jax.nn.relu(h)
    h = _gcn_conv(h, edge_index, W2, b2)
    h = jax.nn.relu(h)
    return h

if __name__ == "__main__":
    import jax
    _d = setup_inputs()
    print(jax.jit(kernel)(*tuple(_d.values())))

</pallas_src>

<mosaic_0001>
#map = affine_map<(d0, d1) -> (0)>
#map1 = affine_map<(d0, d1) -> (0, 0, 0)>
module attributes {stable_mosaic.version = 14 : i64} {
  func.func @_deg_kernel(%arg0: i32, %arg1: i32, %arg2: memref<327680xi32, #tpu.memory_space<hbm>>, %arg3: memref<32x640x16xf32, #tpu.memory_space<hbm>>, %arg4: memref<640x16xf32, #tpu.memory_space<vmem>>, %arg5: memref<2048xi32, #tpu.memory_space<vmem>>) attributes {dimension_semantics = [#tpu.dimension_semantics<core_parallel>, #tpu.dimension_semantics<subcore_parallel>], iteration_bounds = array<i64: 2, 16>, scalar_prefetch = 0 : i64, scratch_operands = 2 : i64, tpu.core_type = #tpu.core_type<sc_vector_subcore>, window_params = [{transform_indices = #map}, {transform_indices = #map1}]} {
    %mul3A = arith.constant 16 : i32
    %mul3A_0 = arith.muli %arg0, %mul3A : i32
    %add3A = arith.addi %mul3A_0, %arg1 : i32
    %broadcast_in_dim3A = arith.constant 0.000000e+00 : f32
    %broadcast_in_dim3A_1 = vector.broadcast %broadcast_in_dim3A : f32 to vector<16xf32>
    %scan3A = arith.constant 0 : i32
    %scan3A_2 = arith.constant 0 : i32
    %scan3A_3 = arith.constant 640 : i32
    %scan3A_4 = arith.addi %scan3A_2, %scan3A_3 : i32
    %scan3A_5 = arith.constant 1 : i32
    %scan3A_6 = scf.for %scan3A_17 = %scan3A_2 to %scan3A_4 step %scan3A_5 iter_args(%scan3A_18 = %scan3A) -> (i32)  : i32 {
      %swap3A = arith.index_cast %scan3A_17 : i32 to index
      %swap3A_19 = arith.constant 0 : index
      %swap3A_20 = tpu.vector_load %arg4[%swap3A, %swap3A_19] {strides = array<i32>} : memref<640x16xf32, #tpu.memory_space<vmem>>, vector<16xf32>,
      tpu.vector_store %arg4[%swap3A, %swap3A_19], %broadcast_in_dim3A_1 {strides = array<i32>} : memref<640x16xf32, #tpu.memory_space<vmem>>, vector<16xf32>,
      %scan3A_21 = arith.constant 0 : i32
      scf.yield %scan3A_21 : i32
    }
    %scan3A_7 = arith.constant 640 : i32
    %broadcast_in_dim3A_8 = arith.constant 1.000000e+00 : f32
    %broadcast_in_dim3A_9 = vector.broadcast %broadcast_in_dim3A_8 : f32 to vector<16xf32>
    %scan3A_10 = arith.constant 0 : i32
    %scan3A_11 = arith.constant 0 : i32
    %scan3A_12 = arith.constant 5 : i32
    %scan3A_13 = arith.addi %scan3A_11, %scan3A_12 : i32
    %scan3A_14 = arith.constant 1 : i32
    %scan3A_15 = scf.for %scan3A_17 = %scan3A_11 to %scan3A_13 step %scan3A_14 iter_args(%scan3A_18 = %scan3A_10) -> (i32)  : i32 {
      %mul3A_19 = arith.constant 10240 : i32
      %mul3A_20 = arith.muli %add3A, %mul3A_19 : i32
      %mul3A_21 = arith.constant 2048 : i32
      %mul3A_22 = arith.muli %scan3A_17, %mul3A_21 : i32
      %add3A_23 = arith.addi %mul3A_20, %mul3A_22 : i32
      "tpu.region"() ({
        %run_scoped3A = tpu.sem_alloc : memref<!tpu.dma_semaphore, #tpu.memory_space<semaphore_mem>>
        %dma_start3A = tpu.memref_slice %arg2[%add3A_23] : memref<327680xi32, #tpu.memory_space<hbm>> -> memref<2048xi32, #tpu.memory_space<hbm>>
        %dma_start3A_32 = tpu.memref_slice %arg2[%add3A_23] : memref<327680xi32, #tpu.memory_space<hbm>> -> memref<2048xi32, #tpu.memory_space<hbm>>
        tpu.enqueue_dma source(%dma_start3A_32 : memref<2048xi32, #tpu.memory_space<hbm>>) target(%arg5 : memref<2048xi32, #tpu.memory_space<vmem>>) target_semaphore(%run_scoped3A : memref<!tpu.dma_semaphore, #tpu.memory_space<semaphore_mem>>)
        %dma_wait3A = tpu.memref_slice %arg2[%add3A_23] : memref<327680xi32, #tpu.memory_space<hbm>> -> memref<2048xi32, #tpu.memory_space<hbm>>
        %dma_wait3A_33 = tpu.memref_slice %arg2[%add3A_23] : memref<327680xi32, #tpu.memory_space<hbm>> -> memref<2048xi32, #tpu.memory_space<hbm>>
        tpu.wait_dma2 semaphore(%run_scoped3A : memref<!tpu.dma_semaphore, #tpu.memory_space<semaphore_mem>>) src(%dma_wait3A_33 : memref<2048xi32, #tpu.memory_space<hbm>>) dst(%arg5 : memref<2048xi32, #tpu.memory_space<vmem>>)
        tpu.yield
      }) : () -> ()
      %scan3A_24 = arith.constant 0 : i32
      %scan3A_25 = arith.constant 0 : i32
      %scan3A_26 = arith.constant 128 : i32
      %scan3A_27 = arith.addi %scan3A_25, %scan3A_26 : i32
      %scan3A_28 = arith.constant 1 : i32
      %scan3A_29 = scf.for %scan3A_32 = %scan3A_25 to %scan3A_27 step %scan3A_28 iter_args(%scan3A_33 = %scan3A_24) -> (i32)  : i32 {
        %mul3A_34 = arith.constant 16 : i32
        %mul3A_35 = arith.muli %scan3A_32, %mul3A_34 : i32
        %get3A = arith.index_cast %mul3A_35 : i32 to index
        %get3A_36 = tpu.vector_load %arg5[%get3A] {strides = array<i32>} : memref<2048xi32, #tpu.memory_space<vmem>>, vector<16xi32>,
        %shift_right_logical3A = arith.constant 4 : i32
        %shift_right_logical3A_37 = vector.broadcast %shift_right_logical3A : i32 to vector<16xi32>
        %shift_right_logical3A_38 = arith.shrui %get3A_36, %shift_right_logical3A_37 : vector<16xi32>
        %and3A = arith.constant 15 : i32
        %and3A_39 = vector.broadcast %and3A : i32 to vector<16xi32>
        %and3A_40 = arith.andi %get3A_36, %and3A_39 : vector<16xi32>
        tpu.vector_store_idx %arg4[%shift_right_logical3A_38, %and3A_40], %broadcast_in_dim3A_9 {add = true} : memref<640x16xf32, #tpu.memory_space<vmem>>[vector<16xi32>, vector<16xi32>], vector<16xf32>,
        %scan3A_41 = arith.constant 0 : i32
        scf.yield %scan3A_41 : i32
      }
      %scan3A_30 = arith.constant 128 : i32
      %scan3A_31 = arith.constant 0 : i32
      scf.yield %scan3A_31 : i32
    }
    %scan3A_16 = arith.constant 5 : i32
    "tpu.region"() ({
      %run_scoped3A = tpu.sem_alloc : memref<!tpu.dma_semaphore, #tpu.memory_space<semaphore_mem>>
      %dma_start3A = arith.constant 0 : i32
      %dma_start3A_17 = arith.constant 0 : i32
      %dma_start3A_18 = tpu.memref_slice %arg3[%add3A, %dma_start3A, %dma_start3A_17] : memref<32x640x16xf32, #tpu.memory_space<hbm>> -> memref<1x640x16xf32, #tpu.memory_space<hbm>>
      %dma_start3A_19 = tpu.memref_squeeze %dma_start3A_18 : memref<1x640x16xf32, #tpu.memory_space<hbm>> -> memref<640x16xf32, #tpu.memory_space<hbm>>
      %dma_start3A_20 = arith.constant 0 : i32
      %dma_start3A_21 = arith.constant 0 : i32
      %dma_start3A_22 = tpu.memref_slice %arg3[%add3A, %dma_start3A_20, %dma_start3A_21] : memref<32x640x16xf32, #tpu.memory_space<hbm>> -> memref<1x640x16xf32, #tpu.memory_space<hbm>>
      %dma_start3A_23 = tpu.memref_squeeze %dma_start3A_22 : memref<1x640x16xf32, #tpu.memory_space<hbm>> -> memref<640x16xf32, #tpu.memory_space<hbm>>
      tpu.enqueue_dma source(%arg4 : memref<640x16xf32, #tpu.memory_space<vmem>>) target(%dma_start3A_23 : memref<640x16xf32, #tpu.memory_space<hbm>>) target_semaphore(%run_scoped3A : memref<!tpu.dma_semaphore, #tpu.memory_space<semaphore_mem>>)
      %dma_wait3A = arith.constant 0 : i32
      %dma_wait3A_24 = arith.constant 0 : i32
      %dma_wait3A_25 = tpu.memref_slice %arg3[%add3A, %dma_wait3A, %dma_wait3A_24] : memref<32x640x16xf32, #tpu.memory_space<hbm>> -> memref<1x640x16xf32, #tpu.memory_space<hbm>>
      %dma_wait3A_26 = tpu.memref_squeeze %dma_wait3A_25 : memref<1x640x16xf32, #tpu.memory_space<hbm>> -> memref<640x16xf32, #tpu.memory_space<hbm>>
      %dma_wait3A_27 = arith.constant 0 : i32
      %dma_wait3A_28 = arith.constant 0 : i32
      %dma_wait3A_29 = tpu.memref_slice %arg3[%add3A, %dma_wait3A_27, %dma_wait3A_28] : memref<32x640x16xf32, #tpu.memory_space<hbm>> -> memref<1x640x16xf32, #tpu.memory_space<hbm>>
      %dma_wait3A_30 = tpu.memref_squeeze %dma_wait3A_29 : memref<1x640x16xf32, #tpu.memory_space<hbm>> -> memref<640x16xf32, #tpu.memory_space<hbm>>
      tpu.wait_dma2 semaphore(%run_scoped3A : memref<!tpu.dma_semaphore, #tpu.memory_space<semaphore_mem>>) src(%arg4 : memref<640x16xf32, #tpu.memory_space<vmem>>) dst(%dma_wait3A_30 : memref<640x16xf32, #tpu.memory_space<hbm>>)
      tpu.yield
    }) : () -> ()
    return
  }
}

#map = affine_map<(d0, d1) -> (0, 0)>
#map1 = affine_map<(d0, d1) -> (0, 0, 0)>
module attributes {stable_mosaic.version = 14 : i64} {
  func.func @_scatter_kernel(%arg0: i32, %arg1: i32, %arg2: memref<10000x128xf32, #tpu.memory_space<hbm>>, %arg3: memref<2560x128xi32, #tpu.memory_space<hbm>>, %arg4: memref<2560x128xi32, #tpu.memory_space<hbm>>, %arg5: memref<2x10240x128xf32, #tpu.memory_space<hbm>>, %arg6: memref<16x128xi32, #tpu.memory_space<vmem>>, %arg7: memref<16x128xi32, #tpu.memory_space<vmem>>, %arg8: memref<256x128xf32, #tpu.memory_space<vmem>>, %arg9: memref<10240x128xf32, #tpu.memory_space<vmem_shared>>, %arg10: memref<!tpu.dma_semaphore, #tpu.memory_space<semaphore_mem>>, %arg11: memref<!tpu.dma_semaphore, #tpu.memory_space<semaphore_mem>>, %arg12: memref<!tpu.dma_semaphore, #tpu.memory_space<semaphore_mem>>) attributes {dimension_semantics = [#tpu.dimension_semantics<core_parallel>, #tpu.dimension_semantics<subcore_parallel>], iteration_bounds = array<i64: 2, 16>, scalar_prefetch = 0 : i64, scratch_operands = 7 : i64, tpu.core_type = #tpu.core_type<sc_vector_subcore>, window_params = [{transform_indices = #map}, {transform_indices = #map}, {transform_indices = #map}, {transform_indices = #map1}]} {
    %eq3A = arith.constant 0 : i32
    %eq3A_0 = arith.cmpi eq, %arg0, %eq3A : i32
    %jit3A = arith.constant 152 : i32
    %jit3A_1 = arith.constant 8 : i32
    %select_n3A = arith.select %eq3A_0, %jit3A, %jit3A_1 : i32
    %eq3A_2 = arith.constant 0 : i32
    %eq3A_3 = arith.cmpi eq, %arg0, %eq3A_2 : i32
    %mul3A = arith.constant 152 : i32
    %mul3A_4 = arith.muli %arg1, %mul3A : i32
    %mul3A_5 = arith.constant 8 : i32
    %mul3A_6 = arith.muli %arg1, %mul3A_5 : i32
    %add3A = arith.constant 2432 : i32
    %add3A_7 = arith.addi %add3A, %mul3A_6 : i32
    %select_n3A_8 = arith.select %eq3A_3, %mul3A_4, %add3A_7 : i32
    %jit3A_9 = arith.constant 8 : i32
    %div3A = arith.divsi %select_n3A, %jit3A_9 : i32
    %sign3A = arith.constant 0 : i32
    %sign3A_10 = arith.cmpi sgt, %select_n3A, %sign3A : i32
    %sign3A_11 = arith.extui %sign3A_10 : i1 to i32
    %sign3A_12 = arith.constant 0 : i32
    %sign3A_13 = arith.cmpi slt, %select_n3A, %sign3A_12 : i32
    %sign3A_14 = arith.extui %sign3A_13 : i1 to i32
    %sign3A_15 = arith.subi %sign3A_11, %sign3A_14 : i32
    %sign3A_16 = arith.constant 0 : i32
    %sign3A_17 = arith.cmpi sgt, %jit3A_9, %sign3A_16 : i32
    %sign3A_18 = arith.extui %sign3A_17 : i1 to i32
    %sign3A_19 = arith.constant 0 : i32
    %sign3A_20 = arith.cmpi slt, %jit3A_9, %sign3A_19 : i32
    %sign3A_21 = arith.extui %sign3A_20 : i1 to i32
    %sign3A_22 = arith.subi %sign3A_18, %sign3A_21 : i32
    %ne3A = arith.cmpi ne, %sign3A_15, %sign3A_22 : i32
    %rem3A = arith.remsi %select_n3A, %jit3A_9 : i32
    %ne3A_23 = arith.constant 0 : i32
    %ne3A_24 = arith.cmpi ne, %rem3A, %ne3A_23 : i32
    %and3A = arith.andi %ne3A, %ne3A_24 : i1
    %sub3A = arith.constant 1 : i32
    %sub3A_25 = arith.subi %div3A, %sub3A : i32
    %select_n3A_26 = arith.select %and3A, %sub3A_25, %div3A : i32
    %broadcast_in_dim3A = arith.constant 0.000000e+00 : f32
    %broadcast_in_dim3A_27 = vector.broadcast %broadcast_in_dim3A : f32 to vector<16xf32>
    %scan3A = arith.constant 0 : i32
    %scan3A_28 = arith.constant 0 : i32
    %scan3A_29 = arith.constant 1024 : i32
    %scan3A_30 = arith.addi %scan3A_28, %scan3A_29 : i32
    %scan3A_31 = arith.constant 1 : i32
    %scan3A_32 = scf.for %scan3A_78 = %scan3A_28 to %scan3A_30 step %scan3A_31 iter_args(%scan3A_79 = %scan3A) -> (i32)  : i32 {
      %shift_right_arithmetic3A = arith.constant 3 : i32
      %shift_right_arithmetic3A_80 = arith.shrsi %scan3A_78, %shift_right_arithmetic3A : i32
      %and3A_81 = arith.constant 7 : i32
      %and3A_82 = arith.andi %scan3A_78, %and3A_81 : i32
      %mul3A_83 = arith.constant 16 : i32
      %mul3A_84 = arith.muli %and3A_82, %mul3A_83 : i32
      %swap3A = arith.index_cast %shift_right_arithmetic3A_80 : i32 to index
      %swap3A_85 = arith.index_cast %mul3A_84 : i32 to index
      %swap3A_86 = tpu.vector_load %arg8[%swap3A, %swap3A_85] {strides = array<i32>} : memref<256x128xf32, #tpu.memory_space<vmem>>, vector<16xf32>,
      tpu.vector_store %arg8[%swap3A, %swap3A_85], %broadcast_in_dim3A_27 {strides = array<i32>} : memref<256x128xf32, #tpu.memory_space<vmem>>, vector<16xf32>,
      %scan3A_87 = arith.constant 0 : i32
      scf.yield %scan3A_87 : i32
    }
    %scan3A_33 = arith.constant 1024 : i32
    %scan3A_34 = arith.constant 0 : i32
    %scan3A_35 = arith.constant 0 : i32
    %scan3A_36 = arith.constant 5 : i32
    %scan3A_37 = arith.addi %scan3A_35, %scan3A_36 : i32
    %scan3A_38 = arith.constant 1 : i32
    %scan3A_39 = scf.for %scan3A_78 = %scan3A_35 to %scan3A_37 step %scan3A_38 iter_args(%scan3A_79 = %scan3A_34) -> (i32)  : i32 {
      %mul3A_80 = arith.constant 640 : i32
      %mul3A_81 = arith.muli %arg1, %mul3A_80 : i32
      %mul3A_82 = arith.constant 128 : i32
      %mul3A_83 = arith.muli %scan3A_78, %mul3A_82 : i32
      %add3A_84 = arith.addi %mul3A_81, %mul3A_83 : i32
      "tpu.region"() ({
        %run_scoped3A = tpu.sem_alloc : memref<!tpu.dma_semaphore, #tpu.memory_space<semaphore_mem>>
        %dma_start3A_86 = arith.constant 0 : i32
        %dma_start3A_87 = arith.constant 0 : i32
        %dma_start3A_88 = tpu.memref_slice %arg8[%dma_start3A_86, %dma_start3A_87] : memref<256x128xf32, #tpu.memory_space<vmem>> -> memref<128x128xf32, #tpu.memory_space<vmem>>
        %dma_start3A_89 = arith.constant 0 : i32
        %dma_start3A_90 = tpu.memref_slice %arg9[%add3A_84, %dma_start3A_89] : memref<10240x128xf32, #tpu.memory_space<vmem_shared>> -> memref<128x128xf32, #tpu.memory_space<vmem_shared>>
        %dma_start3A_91 = arith.constant 0 : i32
        %dma_start3A_92 = tpu.memref_slice %arg9[%add3A_84, %dma_start3A_91] : memref<10240x128xf32, #tpu.memory_space<vmem_shared>> -> memref<128x128xf32, #tpu.memory_space<vmem_shared>>
        %dma_start3A_93 = arith.constant 0 : i32
        %dma_start3A_94 = arith.constant 0 : i32
        %dma_start3A_95 = tpu.memref_slice %arg8[%dma_start3A_93, %dma_start3A_94] : memref<256x128xf32, #tpu.memory_space<vmem>> -> memref<128x128xf32, #tpu.memory_space<vmem>>
        tpu.enqueue_dma source(%dma_start3A_95 : memref<128x128xf32, #tpu.memory_space<vmem>>) target(%dma_start3A_92 : memref<128x128xf32, #tpu.memory_space<vmem_shared>>) target_semaphore(%run_scoped3A : memref<!tpu.dma_semaphore, #tpu.memory_space<semaphore_mem>>)
        %dma_wait3A_96 = arith.constant 0 : i32
        %dma_wait3A_97 = arith.constant 0 : i32
        %dma_wait3A_98 = tpu.memref_slice %arg8[%dma_wait3A_96, %dma_wait3A_97] : memref<256x128xf32, #tpu.memory_space<vmem>> -> memref<128x128xf32, #tpu.memory_space<vmem>>
        %dma_wait3A_99 = arith.constant 0 : i32
        %dma_wait3A_100 = tpu.memref_slice %arg9[%add3A_84, %dma_wait3A_99] : memref<10240x128xf32, #tpu.memory_space<vmem_shared>> -> memref<128x128xf32, #tpu.memory_space<vmem_shared>>
        %dma_wait3A_101 = arith.constant 0 : i32
        %dma_wait3A_102 = tpu.memref_slice %arg9[%add3A_84, %dma_wait3A_101] : memref<10240x128xf32, #tpu.memory_space<vmem_shared>> -> memref<128x128xf32, #tpu.memory_space<vmem_shared>>
        %dma_wait3A_103 = arith.constant 0 : i32
        %dma_wait3A_104 = arith.constant 0 : i32
        %dma_wait3A_105 = tpu.memref_slice %arg8[%dma_wait3A_103, %dma_wait3A_104] : memref<256x128xf32, #tpu.memory_space<vmem>> -> memref<128x128xf32, #tpu.memory_space<vmem>>
        tpu.wait_dma2 semaphore(%run_scoped3A : memref<!tpu.dma_semaphore, #tpu.memory_space<semaphore_mem>>) src(%dma_wait3A_105 : memref<128x128xf32, #tpu.memory_space<vmem>>) dst(%dma_wait3A_102 : memref<128x128xf32, #tpu.memory_space<vmem_shared>>)
        tpu.yield
      }) : () -> ()
      %scan3A_85 = arith.constant 0 : i32
      scf.yield %scan3A_85 : i32
    }
    %scan3A_40 = arith.constant 5 : i32
    %barrier3A = arith.constant 0 : index
    tpu.barrier barrier_id(%barrier3A)
    "tpu.region"() ({
      %run_scoped3A = tpu.sem_alloc : memref<!tpu.dma_semaphore, #tpu.memory_space<semaphore_mem>>
      %dma_start3A_78 = arith.constant 0 : i32
      %dma_start3A_79 = arith.constant 0 : i32
      %dma_start3A_80 = tpu.memref_slice %arg6[%dma_start3A_78, %dma_start3A_79] : memref<16x128xi32, #tpu.memory_space<vmem>> -> memref<8x128xi32, #tpu.memory_space<vmem>>
      %dma_start3A_81 = arith.constant 0 : i32
      %dma_start3A_82 = tpu.memref_slice %arg3[%select_n3A_8, %dma_start3A_81] : memref<2560x128xi32, #tpu.memory_space<hbm>> -> memref<8x128xi32, #tpu.memory_space<hbm>>
      %dma_start3A_83 = arith.constant 0 : i32
      %dma_start3A_84 = arith.constant 0 : i32
      %dma_start3A_85 = tpu.memref_slice %arg6[%dma_start3A_83, %dma_start3A_84] : memref<16x128xi32, #tpu.memory_space<vmem>> -> memref<8x128xi32, #tpu.memory_space<vmem>>
      %dma_start3A_86 = arith.constant 0 : i32
      %dma_start3A_87 = tpu.memref_slice %arg3[%select_n3A_8, %dma_start3A_86] : memref<2560x128xi32, #tpu.memory_space<hbm>> -> memref<8x128xi32, #tpu.memory_space<hbm>>
      tpu.enqueue_dma source(%dma_start3A_87 : memref<8x128xi32, #tpu.memory_space<hbm>>) target(%dma_start3A_85 : memref<8x128xi32, #tpu.memory_space<vmem>>) target_semaphore(%run_scoped3A : memref<!tpu.dma_semaphore, #tpu.memory_space<semaphore_mem>>)
      %dma_wait3A_88 = arith.constant 0 : i32
      %dma_wait3A_89 = arith.constant 0 : i32
      %dma_wait3A_90 = tpu.memref_slice %arg6[%dma_wait3A_88, %dma_wait3A_89] : memref<16x128xi32, #tpu.memory_space<vmem>> -> memref<8x128xi32, #tpu.memory_space<vmem>>
      %dma_wait3A_91 = arith.constant 0 : i32
      %dma_wait3A_92 = tpu.memref_slice %arg3[%select_n3A_8, %dma_wait3A_91] : memref<2560x128xi32, #tpu.memory_space<hbm>> -> memref<8x128xi32, #tpu.memory_space<hbm>>
      %dma_wait3A_93 = arith.constant 0 : i32
      %dma_wait3A_94 = arith.constant 0 : i32
      %dma_wait3A_95 = tpu.memref_slice %arg6[%dma_wait3A_93, %dma_wait3A_94] : memref<16x128xi32, #tpu.memory_space<vmem>> -> memref<8x128xi32, #tpu.memory_space<vmem>>
      %dma_wait3A_96 = arith.constant 0 : i32
      %dma_wait3A_97 = tpu.memref_slice %arg3[%select_n3A_8, %dma_wait3A_96] : memref<2560x128xi32, #tpu.memory_space<hbm>> -> memref<8x128xi32, #tpu.memory_space<hbm>>
      tpu.wait_dma2 semaphore(%run_scoped3A : memref<!tpu.dma_semaphore, #tpu.memory_space<semaphore_mem>>) src(%dma_wait3A_97 : memref<8x128xi32, #tpu.memory_space<hbm>>) dst(%dma_wait3A_95 : memref<8x128xi32, #tpu.memory_space<vmem>>)
      tpu.yield
    }) : () -> ()
    "tpu.region"() ({
      %run_scoped3A = tpu.sem_alloc : memref<!tpu.dma_semaphore, #tpu.memory_space<semaphore_mem>>
      %dma_start3A_78 = arith.constant 0 : i32
      %dma_start3A_79 = arith.constant 0 : i32
      %dma_start3A_80 = tpu.memref_slice %arg7[%dma_start3A_78, %dma_start3A_79] : memref<16x128xi32, #tpu.memory_space<vmem>> -> memref<8x128xi32, #tpu.memory_space<vmem>>
      %dma_start3A_81 = arith.constant 0 : i32
      %dma_start3A_82 = tpu.memref_slice %arg4[%select_n3A_8, %dma_start3A_81] : memref<2560x128xi32, #tpu.memory_space<hbm>> -> memref<8x128xi32, #tpu.memory_space<hbm>>
      %dma_start3A_83 = arith.constant 0 : i32
      %dma_start3A_84 = arith.constant 0 : i32
      %dma_start3A_85 = tpu.memref_slice %arg7[%dma_start3A_83, %dma_start3A_84] : memref<16x128xi32, #tpu.memory_space<vmem>> -> memref<8x128xi32, #tpu.memory_space<vmem>>
      %dma_start3A_86 = arith.constant 0 : i32
      %dma_start3A_87 = tpu.memref_slice %arg4[%select_n3A_8, %dma_start3A_86] : memref<2560x128xi32, #tpu.memory_space<hbm>> -> memref<8x128xi32, #tpu.memory_space<hbm>>
      tpu.enqueue_dma source(%dma_start3A_87 : memref<8x128xi32, #tpu.memory_space<hbm>>) target(%dma_start3A_85 : memref<8x128xi32, #tpu.memory_space<vmem>>) target_semaphore(%run_scoped3A : memref<!tpu.dma_semaphore, #tpu.memory_space<semaphore_mem>>)
      %dma_wait3A_88 = arith.constant 0 : i32
      %dma_wait3A_89 = arith.constant 0 : i32
      %dma_wait3A_90 = tpu.memref_slice %arg7[%dma_wait3A_88, %dma_wait3A_89] : memref<16x128xi32, #tpu.memory_space<vmem>> -> memref<8x128xi32, #tpu.memory_space<vmem>>
      %dma_wait3A_91 = arith.constant 0 : i32
      %dma_wait3A_92 = tpu.memref_slice %arg4[%select_n3A_8, %dma_wait3A_91] : memref<2560x128xi32, #tpu.memory_space<hbm>> -> memref<8x128xi32, #tpu.memory_space<hbm>>
      %dma_wait3A_93 = arith.constant 0 : i32
      %dma_wait3A_94 = arith.constant 0 : i32
      %dma_wait3A_95 = tpu.memref_slice %arg7[%dma_wait3A_93, %dma_wait3A_94] : memref<16x128xi32, #tpu.memory_space<vmem>> -> memref<8x128xi32, #tpu.memory_space<vmem>>
      %dma_wait3A_96 = arith.constant 0 : i32
      %dma_wait3A_97 = tpu.memref_slice %arg4[%select_n3A_8, %dma_wait3A_96] : memref<2560x128xi32, #tpu.memory_space<hbm>> -> memref<8x128xi32, #tpu.memory_space<hbm>>
      tpu.wait_dma2 semaphore(%run_scoped3A : memref<!tpu.dma_semaphore, #tpu.memory_space<semaphore_mem>>) src(%dma_wait3A_97 : memref<8x128xi32, #tpu.memory_space<hbm>>) dst(%dma_wait3A_95 : memref<8x128xi32, #tpu.memory_space<vmem>>)
      tpu.yield
    }) : () -> ()
    %dma_start3A = arith.constant 0 : i32
    %dma_start3A_41 = arith.constant 0 : i32
    %dma_start3A_42 = arith.constant 0 : i32
    %dma_start3A_43 = tpu.memref_slice %arg8[%dma_start3A_41, %dma_start3A_42] : memref<256x128xf32, #tpu.memory_space<vmem>> -> memref<128x128xf32, #tpu.memory_space<vmem>>
    %dma_start3A_44 = arith.constant 0 : i32
    %dma_start3A_45 = tpu.memref_slice %arg6[%dma_start3A, %dma_start3A_44] : memref<16x128xi32, #tpu.memory_space<vmem>> -> memref<1x128xi32, #tpu.memory_space<vmem>>
    %dma_start3A_46 = tpu.memref_squeeze %dma_start3A_45 : memref<1x128xi32, #tpu.memory_space<vmem>> -> memref<128xi32, #tpu.memory_space<vmem>>
    %dma_start3A_47 = arith.constant 0 : i32
    %dma_start3A_48 = arith.constant 0 : i32
    %dma_start3A_49 = tpu.memref_slice %arg2[%dma_start3A_47, %dma_start3A_48] : memref<10000x128xf32, #tpu.memory_space<hbm>> -> memref<10000x128xf32, #tpu.memory_space<hbm>>
    tpu.enqueue_indirect_dma source(%dma_start3A_49 : memref<10000x128xf32, #tpu.memory_space<hbm>>) target(%dma_start3A_43 : memref<128x128xf32, #tpu.memory_space<vmem>>) offsets(%dma_start3A_46 : memref<128xi32, #tpu.memory_space<vmem>>) semaphore(%arg10 : memref<!tpu.dma_semaphore, #tpu.memory_space<semaphore_mem>>)
    %while3A = arith.constant 0 : i32
    %while3A_50 = arith.constant 0 : i32
    %while3A_51 = arith.subi %select_n3A, %while3A : i32
    %while3A_52 = arith.addi %while3A, %while3A_51 : i32
    %while3A_53 = arith.constant 1 : i32
    %while3A_54 = arith.divsi %while3A_51, %while3A_53 : i32
    %while3A_55 = arith.muli %while3A_54, %while3A_53 : i32
    %while3A_56 = arith.addi %while3A, %while3A_55 : i32
    %while3A_57 = arith.constant 1 : i32
    %while3A_58 = scf.for %while3A_78 = %while3A to %while3A_56 step %while3A_57 iter_args(%while3A_79 = %while3A_50) -> (i32)  : i32 {
      %jit3A_80 = arith.constant 2 : i32
      %eq3A_81 = arith.constant 0 : i32
      %eq3A_82 = arith.cmpi eq, %jit3A_80, %eq3A_81 : i32
      %jit3A_83 = arith.constant 1 : i32
      %select_n3A_84 = arith.select %eq3A_82, %jit3A_83, %jit3A_80 : i32
      %rem3A_85 = arith.remsi %while3A_78, %select_n3A_84 : i32
      %ne3A_86 = arith.constant 0 : i32
      %ne3A_87 = arith.cmpi ne, %rem3A_85, %ne3A_86 : i32
      %lt3A = arith.constant 0 : i32
      %lt3A_88 = arith.cmpi slt, %rem3A_85, %lt3A : i32
      %lt3A_89 = arith.constant 0 : i32
      %lt3A_90 = arith.cmpi slt, %select_n3A_84, %lt3A_89 : i32
      %ne3A_91 = arith.xori %lt3A_88, %lt3A_90 : i1
      %and3A_92 = arith.andi %ne3A_91, %ne3A_87 : i1
      %add3A_93 = arith.addi %rem3A_85, %select_n3A_84 : i32
      %select_n3A_94 = arith.select %and3A_92, %add3A_93, %rem3A_85 : i32
      %mul3A_95 = arith.constant 128 : i32
      %mul3A_96 = arith.muli %select_n3A_94, %mul3A_95 : i32
      %jit3A_97 = arith.constant 8 : i32
      %div3A_98 = arith.divsi %while3A_78, %jit3A_97 : i32
      %sign3A_99 = arith.constant 0 : i32
      %sign3A_100 = arith.cmpi sgt, %while3A_78, %sign3A_99 : i32
      %sign3A_101 = arith.extui %sign3A_100 : i1 to i32
      %sign3A_102 = arith.constant 0 : i32
      %sign3A_103 = arith.cmpi slt, %while3A_78, %sign3A_102 : i32
      %sign3A_104 = arith.extui %sign3A_103 : i1 to i32
      %sign3A_105 = arith.subi %sign3A_101, %sign3A_104 : i32
      %sign3A_106 = arith.constant 0 : i32
      %sign3A_107 = arith.cmpi sgt, %jit3A_97, %sign3A_106 : i32
      %sign3A_108 = arith.extui %sign3A_107 : i1 to i32
      %sign3A_109 = arith.constant 0 : i32
      %sign3A_110 = arith.cmpi slt, %jit3A_97, %sign3A_109 : i32
      %sign3A_111 = arith.extui %sign3A_110 : i1 to i32
      %sign3A_112 = arith.subi %sign3A_108, %sign3A_111 : i32
      %ne3A_113 = arith.cmpi ne, %sign3A_105, %sign3A_112 : i32
      %rem3A_114 = arith.remsi %while3A_78, %jit3A_97 : i32
      %ne3A_115 = arith.constant 0 : i32
      %ne3A_116 = arith.cmpi ne, %rem3A_114, %ne3A_115 : i32
      %and3A_117 = arith.andi %ne3A_113, %ne3A_116 : i1
      %sub3A_118 = arith.constant 1 : i32
      %sub3A_119 = arith.subi %div3A_98, %sub3A_118 : i32
      %select_n3A_120 = arith.select %and3A_117, %sub3A_119, %div3A_98 : i32
      %mul3A_121 = arith.constant 8 : i32
      %mul3A_122 = arith.muli %select_n3A_120, %mul3A_121 : i32
      %sub3A_123 = arith.subi %while3A_78, %mul3A_122 : i32
      %jit3A_124 = arith.constant 2 : i32
      %eq3A_125 = arith.constant 0 : i32
      %eq3A_126 = arith.cmpi eq, %jit3A_124, %eq3A_125 : i32
      %jit3A_127 = arith.constant 1 : i32
      %select_n3A_128 = arith.select %eq3A_126, %jit3A_127, %jit3A_124 : i32
      %rem3A_129 = arith.remsi %select_n3A_120, %select_n3A_128 : i32
      %ne3A_130 = arith.constant 0 : i32
      %ne3A_131 = arith.cmpi ne, %rem3A_129, %ne3A_130 : i32
      %lt3A_132 = arith.constant 0 : i32
      %lt3A_133 = arith.cmpi slt, %rem3A_129, %lt3A_132 : i32
      %lt3A_134 = arith.constant 0 : i32
      %lt3A_135 = arith.cmpi slt, %select_n3A_128, %lt3A_134 : i32
      %ne3A_136 = arith.xori %lt3A_133, %lt3A_135 : i1
      %and3A_137 = arith.andi %ne3A_136, %ne3A_131 : i1
      %add3A_138 = arith.addi %rem3A_129, %select_n3A_128 : i32
      %select_n3A_139 = arith.select %and3A_137, %add3A_138, %rem3A_129 : i32
      %mul3A_140 = arith.constant 8 : i32
      %mul3A_141 = arith.muli %select_n3A_139, %mul3A_140 : i32
      %dma_wait3A_142 = arith.constant 0 : i32
      %dma_wait3A_143 = arith.constant 0 : i32
      %dma_wait3A_144 = tpu.memref_slice %arg8[%mul3A_96, %dma_wait3A_143] : memref<256x128xf32, #tpu.memory_space<vmem>> -> memref<128x128xf32, #tpu.memory_space<vmem>>
      %dma_wait3A_145 = arith.constant 0 : i32
      %dma_wait3A_146 = tpu.memref_slice %arg6[%dma_wait3A_142, %dma_wait3A_145] : memref<16x128xi32, #tpu.memory_space<vmem>> -> memref<1x128xi32, #tpu.memory_space<vmem>>
      %dma_wait3A_147 = tpu.memref_squeeze %dma_wait3A_146 : memref<1x128xi32, #tpu.memory_space<vmem>> -> memref<128xi32, #tpu.memory_space<vmem>>
      %dma_wait3A_148 = arith.constant 0 : i32
      %dma_wait3A_149 = arith.constant 0 : i32
      %dma_wait3A_150 = tpu.memref_slice %arg2[%dma_wait3A_148, %dma_wait3A_149] : memref<10000x128xf32, #tpu.memory_space<hbm>> -> memref<10000x128xf32, #tpu.memory_space<hbm>>
      tpu.wait_indirect_dma semaphore(%arg10 : memref<!tpu.dma_semaphore, #tpu.memory_space<semaphore_mem>>) src(%dma_wait3A_150 : memref<10000x128xf32, #tpu.memory_space<hbm>>) dst(%dma_wait3A_144 : memref<128x128xf32, #tpu.memory_space<vmem>>)
      %ge3A = arith.constant 1 : i32
      %ge3A_151 = arith.cmpi sge, %while3A_78, %ge3A : i32
      %convert_element_type3A = arith.extui %ge3A_151 : i1 to i32
      %cond3A = arith.constant 0 : i32
      %cond3A_152 = arith.cmpi ne, %convert_element_type3A, %cond3A : i32
      scf.if %cond3A_152 {
        %sub3A_187 = arith.constant 128 : i32
        %sub3A_188 = arith.subi %sub3A_187, %mul3A_96 : i32
        %dma_wait3A_189 = arith.constant 0 : i32
        %dma_wait3A_190 = arith.constant 0 : i32
        %dma_wait3A_191 = tpu.memref_slice %arg8[%sub3A_188, %dma_wait3A_190] : memref<256x128xf32, #tpu.memory_space<vmem>> -> memref<128x128xf32, #tpu.memory_space<vmem>>
        %dma_wait3A_192 = arith.constant 0 : i32
        %dma_wait3A_193 = tpu.memref_slice %arg7[%dma_wait3A_189, %dma_wait3A_192] : memref<16x128xi32, #tpu.memory_space<vmem>> -> memref<1x128xi32, #tpu.memory_space<vmem>>
        %dma_wait3A_194 = tpu.memref_squeeze %dma_wait3A_193 : memref<1x128xi32, #tpu.memory_space<vmem>> -> memref<128xi32, #tpu.memory_space<vmem>>
        %dma_wait3A_195 = arith.constant 0 : i32
        %dma_wait3A_196 = arith.constant 0 : i32
        %dma_wait3A_197 = tpu.memref_slice %arg9[%dma_wait3A_195, %dma_wait3A_196] : memref<10240x128xf32, #tpu.memory_space<vmem_shared>> -> memref<10240x128xf32, #tpu.memory_space<vmem_shared>>
        tpu.wait_indirect_dma semaphore(%arg11 : memref<!tpu.dma_semaphore, #tpu.memory_space<semaphore_mem>>) src(%dma_wait3A_191 : memref<128x128xf32, #tpu.memory_space<vmem>>) dst(%dma_wait3A_197 : memref<10240x128xf32, #tpu.memory_space<vmem_shared>>)
      } else {
      }
      %eq3A_153 = arith.constant 0 : i32
      %eq3A_154 = arith.cmpi eq, %sub3A_123, %eq3A_153 : i32
      %add3A_155 = arith.constant 1 : i32
      %add3A_156 = arith.addi %select_n3A_120, %add3A_155 : i32
      %lt3A_157 = arith.cmpi slt, %add3A_156, %select_n3A_26 : i32
      %and3A_158 = arith.andi %eq3A_154, %lt3A_157 : i1
      %convert_element_type3A_159 = arith.extui %and3A_158 : i1 to i32
      %cond3A_160 = arith.constant 0 : i32
      %cond3A_161 = arith.cmpi ne, %convert_element_type3A_159, %cond3A_160 : i32
      scf.if %cond3A_161 {
        %add3A_187 = arith.constant 1 : i32
        %add3A_188 = arith.addi %select_n3A_120, %add3A_187 : i32
        %mul3A_189 = arith.constant 8 : i32
        %mul3A_190 = arith.muli %add3A_188, %mul3A_189 : i32
        %add3A_191 = arith.addi %select_n3A_8, %mul3A_190 : i32
        %sub3A_192 = arith.constant 8 : i32
        %sub3A_193 = arith.subi %sub3A_192, %mul3A_141 : i32
        %dma_start3A_194 = arith.constant 0 : i32
        %dma_start3A_195 = tpu.memref_slice %arg6[%sub3A_193, %dma_start3A_194] : memref<16x128xi32, #tpu.memory_space<vmem>> -> memref<8x128xi32, #tpu.memory_space<vmem>>
        %dma_start3A_196 = arith.constant 0 : i32
        %dma_start3A_197 = tpu.memref_slice %arg3[%add3A_191, %dma_start3A_196] : memref<2560x128xi32, #tpu.memory_space<hbm>> -> memref<8x128xi32, #tpu.memory_space<hbm>>
        %dma_start3A_198 = arith.constant 0 : i32
        %dma_start3A_199 = tpu.memref_slice %arg6[%sub3A_193, %dma_start3A_198] : memref<16x128xi32, #tpu.memory_space<vmem>> -> memref<8x128xi32, #tpu.memory_space<vmem>>
        %dma_start3A_200 = arith.constant 0 : i32
        %dma_start3A_201 = tpu.memref_slice %arg3[%add3A_191, %dma_start3A_200] : memref<2560x128xi32, #tpu.memory_space<hbm>> -> memref<8x128xi32, #tpu.memory_space<hbm>>
        tpu.enqueue_dma source(%dma_start3A_201 : memref<8x128xi32, #tpu.memory_space<hbm>>) target(%dma_start3A_199 : memref<8x128xi32, #tpu.memory_space<vmem>>) target_semaphore(%arg12 : memref<!tpu.dma_semaphore, #tpu.memory_space<semaphore_mem>>)
        %add3A_202 = arith.constant 1 : i32
        %add3A_203 = arith.addi %select_n3A_120, %add3A_202 : i32
        %mul3A_204 = arith.constant 8 : i32
        %mul3A_205 = arith.muli %add3A_203, %mul3A_204 : i32
        %add3A_206 = arith.addi %select_n3A_8, %mul3A_205 : i32
        %sub3A_207 = arith.constant 8 : i32
        %sub3A_208 = arith.subi %sub3A_207, %mul3A_141 : i32
        %dma_start3A_209 = arith.constant 0 : i32
        %dma_start3A_210 = tpu.memref_slice %arg7[%sub3A_208, %dma_start3A_209] : memref<16x128xi32, #tpu.memory_space<vmem>> -> memref<8x128xi32, #tpu.memory_space<vmem>>
        %dma_start3A_211 = arith.constant 0 : i32
        %dma_start3A_212 = tpu.memref_slice %arg4[%add3A_206, %dma_start3A_211] : memref<2560x128xi32, #tpu.memory_space<hbm>> -> memref<8x128xi32, #tpu.memory_space<hbm>>
        %dma_start3A_213 = arith.constant 0 : i32
        %dma_start3A_214 = tpu.memref_slice %arg7[%sub3A_208, %dma_start3A_213] : memref<16x128xi32, #tpu.memory_space<vmem>> -> memref<8x128xi32, #tpu.memory_space<vmem>>
        %dma_start3A_215 = arith.constant 0 : i32
        %dma_start3A_216 = tpu.memref_slice %arg4[%add3A_206, %dma_start3A_215] : memref<2560x128xi32, #tpu.memory_space<hbm>> -> memref<8x128xi32, #tpu.memory_space<hbm>>
        tpu.enqueue_dma source(%dma_start3A_216 : memref<8x128xi32, #tpu.memory_space<hbm>>) target(%dma_start3A_214 : memref<8x128xi32, #tpu.memory_space<vmem>>) target_semaphore(%arg12 : memref<!tpu.dma_semaphore, #tpu.memory_space<semaphore_mem>>)
      } else {
      }
      %eq3A_162 = arith.constant 7 : i32
      %eq3A_163 = arith.cmpi eq, %sub3A_123, %eq3A_162 : i32
      %add3A_164 = arith.constant 1 : i32
      %add3A_165 = arith.addi %while3A_78, %add3A_164 : i32
      %lt3A_166 = arith.cmpi slt, %add3A_165, %select_n3A : i32
      %and3A_167 = arith.andi %eq3A_163, %lt3A_166 : i1
      %convert_element_type3A_168 = arith.extui %and3A_167 : i1 to i32
      %cond3A_169 = arith.constant 0 : i32
      %cond3A_170 = arith.cmpi ne, %convert_element_type3A_168, %cond3A_169 : i32
      scf.if %cond3A_170 {
        %dma_wait3A_187 = arith.constant 0 : i32
        %dma_wait3A_188 = arith.constant 0 : i32
        %dma_wait3A_189 = tpu.memref_slice %arg6[%dma_wait3A_187, %dma_wait3A_188] : memref<16x128xi32, #tpu.memory_space<vmem>> -> memref<8x128xi32, #tpu.memory_space<vmem>>
        %dma_wait3A_190 = arith.constant 0 : i32
        %dma_wait3A_191 = tpu.memref_slice %arg3[%select_n3A_8, %dma_wait3A_190] : memref<2560x128xi32, #tpu.memory_space<hbm>> -> memref<8x128xi32, #tpu.memory_space<hbm>>
        %dma_wait3A_192 = arith.constant 0 : i32
        %dma_wait3A_193 = arith.constant 0 : i32
        %dma_wait3A_194 = tpu.memref_slice %arg6[%dma_wait3A_192, %dma_wait3A_193] : memref<16x128xi32, #tpu.memory_space<vmem>> -> memref<8x128xi32, #tpu.memory_space<vmem>>
        %dma_wait3A_195 = arith.constant 0 : i32
        %dma_wait3A_196 = tpu.memref_slice %arg3[%select_n3A_8, %dma_wait3A_195] : memref<2560x128xi32, #tpu.memory_space<hbm>> -> memref<8x128xi32, #tpu.memory_space<hbm>>
        tpu.wait_dma2 semaphore(%arg12 : memref<!tpu.dma_semaphore, #tpu.memory_space<semaphore_mem>>) src(%dma_wait3A_196 : memref<8x128xi32, #tpu.memory_space<hbm>>) dst(%dma_wait3A_194 : memref<8x128xi32, #tpu.memory_space<vmem>>)
        %dma_wait3A_197 = arith.constant 0 : i32
        %dma_wait3A_198 = arith.constant 0 : i32
        %dma_wait3A_199 = tpu.memref_slice %arg7[%dma_wait3A_197, %dma_wait3A_198] : memref<16x128xi32, #tpu.memory_space<vmem>> -> memref<8x128xi32, #tpu.memory_space<vmem>>
        %dma_wait3A_200 = arith.constant 0 : i32
        %dma_wait3A_201 = tpu.memref_slice %arg4[%select_n3A_8, %dma_wait3A_200] : memref<2560x128xi32, #tpu.memory_space<hbm>> -> memref<8x128xi32, #tpu.memory_space<hbm>>
        %dma_wait3A_202 = arith.constant 0 : i32
        %dma_wait3A_203 = arith.constant 0 : i32
        %dma_wait3A_204 = tpu.memref_slice %arg7[%dma_wait3A_202, %dma_wait3A_203] : memref<16x128xi32, #tpu.memory_space<vmem>> -> memref<8x128xi32, #tpu.memory_space<vmem>>
        %dma_wait3A_205 = arith.constant 0 : i32
        %dma_wait3A_206 = tpu.memref_slice %arg4[%select_n3A_8, %dma_wait3A_205] : memref<2560x128xi32, #tpu.memory_space<hbm>> -> memref<8x128xi32, #tpu.memory_space<hbm>>
        tpu.wait_dma2 semaphore(%arg12 : memref<!tpu.dma_semaphore, #tpu.memory_space<semaphore_mem>>) src(%dma_wait3A_206 : memref<8x128xi32, #tpu.memory_space<hbm>>) dst(%dma_wait3A_204 : memref<8x128xi32, #tpu.memory_space<vmem>>)
      } else {
      }
      %add3A_171 = arith.constant 1 : i32
      %add3A_172 = arith.addi %while3A_78, %add3A_171 : i32
      %lt3A_173 = arith.cmpi slt, %add3A_172, %select_n3A : i32
      %convert_element_type3A_174 = arith.extui %lt3A_173 : i1 to i32
      %cond3A_175 = arith.constant 0 : i32
      %cond3A_176 = arith.cmpi ne, %convert_element_type3A_174, %cond3A_175 : i32
      scf.if %cond3A_176 {
        %add3A_187 = arith.constant 1 : i32
        %add3A_188 = arith.addi %while3A_78, %add3A_187 : i32
        %jit3A_189 = arith.constant 8 : i32
        %div3A_190 = arith.divsi %add3A_188, %jit3A_189 : i32
        %sign3A_191 = arith.constant 0 : i32
        %sign3A_192 = arith.cmpi sgt, %add3A_188, %sign3A_191 : i32
        %sign3A_193 = arith.extui %sign3A_192 : i1 to i32
        %sign3A_194 = arith.constant 0 : i32
        %sign3A_195 = arith.cmpi slt, %add3A_188, %sign3A_194 : i32
        %sign3A_196 = arith.extui %sign3A_195 : i1 to i32
        %sign3A_197 = arith.subi %sign3A_193, %sign3A_196 : i32
        %sign3A_198 = arith.constant 0 : i32
        %sign3A_199 = arith.cmpi sgt, %jit3A_189, %sign3A_198 : i32
        %sign3A_200 = arith.extui %sign3A_199 : i1 to i32
        %sign3A_201 = arith.constant 0 : i32
        %sign3A_202 = arith.cmpi slt, %jit3A_189, %sign3A_201 : i32
        %sign3A_203 = arith.extui %sign3A_202 : i1 to i32
        %sign3A_204 = arith.subi %sign3A_200, %sign3A_203 : i32
        %ne3A_205 = arith.cmpi ne, %sign3A_197, %sign3A_204 : i32
        %rem3A_206 = arith.remsi %add3A_188, %jit3A_189 : i32
        %ne3A_207 = arith.constant 0 : i32
        %ne3A_208 = arith.cmpi ne, %rem3A_206, %ne3A_207 : i32
        %and3A_209 = arith.andi %ne3A_205, %ne3A_208 : i1
        %sub3A_210 = arith.constant 1 : i32
        %sub3A_211 = arith.subi %div3A_190, %sub3A_210 : i32
        %select_n3A_212 = arith.select %and3A_209, %sub3A_211, %div3A_190 : i32
        %jit3A_213 = arith.constant 2 : i32
        %eq3A_214 = arith.constant 0 : i32
        %eq3A_215 = arith.cmpi eq, %jit3A_213, %eq3A_214 : i32
        %jit3A_216 = arith.constant 1 : i32
        %select_n3A_217 = arith.select %eq3A_215, %jit3A_216, %jit3A_213 : i32
        %rem3A_218 = arith.remsi %select_n3A_212, %select_n3A_217 : i32
        %ne3A_219 = arith.constant 0 : i32
        %ne3A_220 = arith.cmpi ne, %rem3A_218, %ne3A_219 : i32
        %lt3A_221 = arith.constant 0 : i32
        %lt3A_222 = arith.cmpi slt, %rem3A_218, %lt3A_221 : i32
        %lt3A_223 = arith.constant 0 : i32
        %lt3A_224 = arith.cmpi slt, %select_n3A_217, %lt3A_223 : i32
        %ne3A_225 = arith.xori %lt3A_222, %lt3A_224 : i1
        %and3A_226 = arith.andi %ne3A_225, %ne3A_220 : i1
        %add3A_227 = arith.addi %rem3A_218, %select_n3A_217 : i32
        %select_n3A_228 = arith.select %and3A_226, %add3A_227, %rem3A_218 : i32
        %mul3A_229 = arith.constant 8 : i32
        %mul3A_230 = arith.muli %select_n3A_228, %mul3A_229 : i32
        %add3A_231 = arith.constant 1 : i32
        %add3A_232 = arith.addi %while3A_78, %add3A_231 : i32
        %mul3A_233 = arith.constant 8 : i32
        %mul3A_234 = arith.muli %select_n3A_212, %mul3A_233 : i32
        %sub3A_235 = arith.subi %add3A_232, %mul3A_234 : i32
        %add3A_236 = arith.addi %mul3A_230, %sub3A_235 : i32
        %sub3A_237 = arith.constant 128 : i32
        %sub3A_238 = arith.subi %sub3A_237, %mul3A_96 : i32
        %dma_start3A_239 = arith.constant 0 : i32
        %dma_start3A_240 = tpu.memref_slice %arg8[%sub3A_238, %dma_start3A_239] : memref<256x128xf32, #tpu.memory_space<vmem>> -> memref<128x128xf32, #tpu.memory_space<vmem>>
        %dma_start3A_241 = arith.constant 0 : i32
        %dma_start3A_242 = tpu.memref_slice %arg6[%add3A_236, %dma_start3A_241] : memref<16x128xi32, #tpu.memory_space<vmem>> -> memref<1x128xi32, #tpu.memory_space<vmem>>
        %dma_start3A_243 = tpu.memref_squeeze %dma_start3A_242 : memref<1x128xi32, #tpu.memory_space<vmem>> -> memref<128xi32, #tpu.memory_space<vmem>>
        %dma_start3A_244 = arith.constant 0 : i32
        %dma_start3A_245 = arith.constant 0 : i32
        %dma_start3A_246 = tpu.memref_slice %arg2[%dma_start3A_244, %dma_start3A_245] : memref<10000x128xf32, #tpu.memory_space<hbm>> -> memref<10000x128xf32, #tpu.memory_space<hbm>>
        tpu.enqueue_indirect_dma source(%dma_start3A_246 : memref<10000x128xf32, #tpu.memory_space<hbm>>) target(%dma_start3A_240 : memref<128x128xf32, #tpu.memory_space<vmem>>) offsets(%dma_start3A_243 : memref<128xi32, #tpu.memory_space<vmem>>) semaphore(%arg10 : memref<!tpu.dma_semaphore, #tpu.memory_space<semaphore_mem>>)
      } else {
      }
      %add3A_177 = arith.addi %mul3A_141, %sub3A_123 : i32
      %dma_start3A_178 = arith.constant 0 : i32
      %dma_start3A_179 = tpu.memref_slice %arg8[%mul3A_96, %dma_start3A_178] : memref<256x128xf32, #tpu.memory_space<vmem>> -> memref<128x128xf32, #tpu.memory_space<vmem>>
      %dma_start3A_180 = arith.constant 0 : i32
      %dma_start3A_181 = tpu.memref_slice %arg7[%add3A_177, %dma_start3A_180] : memref<16x128xi32, #tpu.memory_space<vmem>> -> memref<1x128xi32, #tpu.memory_space<vmem>>
      %dma_start3A_182 = tpu.memref_squeeze %dma_start3A_181 : memref<1x128xi32, #tpu.memory_space<vmem>> -> memref<128xi32, #tpu.memory_space<vmem>>
      %dma_start3A_183 = arith.constant 0 : i32
      %dma_start3A_184 = arith.constant 0 : i32
      %dma_start3A_185 = tpu.memref_slice %arg9[%dma_start3A_183, %dma_start3A_184] : memref<10240x128xf32, #tpu.memory_space<vmem_shared>> -> memref<10240x128xf32, #tpu.memory_space<vmem_shared>>
      tpu.enqueue_indirect_dma source(%dma_start3A_179 : memref<128x128xf32, #tpu.memory_space<vmem>>) target(%dma_start3A_185 : memref<10240x128xf32, #tpu.memory_space<vmem_shared>>) offsets(%dma_start3A_182 : memref<128xi32, #tpu.memory_space<vmem>>) semaphore(%arg11 : memref<!tpu.dma_semaphore, #tpu.memory_space<semaphore_mem>>) {add = true}
      %while3A_186 = arith.constant 0 : i32
      scf.yield %while3A_186 : i32
    }
    %while3A_59 = arith.constant 1 : i32
    %while3A_60 = scf.for %while3A_78 = %while3A_56 to %while3A_52 step %while3A_59 iter_args(%while3A_79 = %while3A_58) -> (i32)  : i32 {
      %jit3A_80 = arith.constant 2 : i32
      %eq3A_81 = arith.constant 0 : i32
      %eq3A_82 = arith.cmpi eq, %jit3A_80, %eq3A_81 : i32
      %jit3A_83 = arith.constant 1 : i32
      %select_n3A_84 = arith.select %eq3A_82, %jit3A_83, %jit3A_80 : i32
      %rem3A_85 = arith.remsi %while3A_78, %select_n3A_84 : i32
      %ne3A_86 = arith.constant 0 : i32
      %ne3A_87 = arith.cmpi ne, %rem3A_85, %ne3A_86 : i32
      %lt3A = arith.constant 0 : i32
      %lt3A_88 = arith.cmpi slt, %rem3A_85, %lt3A : i32
      %lt3A_89 = arith.constant 0 : i32
      %lt3A_90 = arith.cmpi slt, %select_n3A_84, %lt3A_89 : i32
      %ne3A_91 = arith.xori %lt3A_88, %lt3A_90 : i1
      %and3A_92 = arith.andi %ne3A_91, %ne3A_87 : i1
      %add3A_93 = arith.addi %rem3A_85, %select_n3A_84 : i32
      %select_n3A_94 = arith.select %and3A_92, %add3A_93, %rem3A_85 : i32
      %mul3A_95 = arith.constant 128 : i32
      %mul3A_96 = arith.muli %select_n3A_94, %mul3A_95 : i32
      %jit3A_97 = arith.constant 8 : i32
      %div3A_98 = arith.divsi %while3A_78, %jit3A_97 : i32
      %sign3A_99 = arith.constant 0 : i32
      %sign3A_100 = arith.cmpi sgt, %while3A_78, %sign3A_99 : i32
      %sign3A_101 = arith.extui %sign3A_100 : i1 to i32
      %sign3A_102 = arith.constant 0 : i32
      %sign3A_103 = arith.cmpi slt, %while3A_78, %sign3A_102 : i32
      %sign3A_104 = arith.extui %sign3A_103 : i1 to i32
      %sign3A_105 = arith.subi %sign3A_101, %sign3A_104 : i32
      %sign3A_106 = arith.constant 0 : i32
      %sign3A_107 = arith.cmpi sgt, %jit3A_97, %sign3A_106 : i32
      %sign3A_108 = arith.extui %sign3A_107 : i1 to i32
      %sign3A_109 = arith.constant 0 : i32
      %sign3A_110 = arith.cmpi slt, %jit3A_97, %sign3A_109 : i32
      %sign3A_111 = arith.extui %sign3A_110 : i1 to i32
      %sign3A_112 = arith.subi %sign3A_108, %sign3A_111 : i32
      %ne3A_113 = arith.cmpi ne, %sign3A_105, %sign3A_112 : i32
      %rem3A_114 = arith.remsi %while3A_78, %jit3A_97 : i32
      %ne3A_115 = arith.constant 0 : i32
      %ne3A_116 = arith.cmpi ne, %rem3A_114, %ne3A_115 : i32
      %and3A_117 = arith.andi %ne3A_113, %ne3A_116 : i1
      %sub3A_118 = arith.constant 1 : i32
      %sub3A_119 = arith.subi %div3A_98, %sub3A_118 : i32
      %select_n3A_120 = arith.select %and3A_117, %sub3A_119, %div3A_98 : i32
      %mul3A_121 = arith.constant 8 : i32
      %mul3A_122 = arith.muli %select_n3A_120, %mul3A_121 : i32
      %sub3A_123 = arith.subi %while3A_78, %mul3A_122 : i32
      %jit3A_124 = arith.constant 2 : i32
      %eq3A_125 = arith.constant 0 : i32
      %eq3A_126 = arith.cmpi eq, %jit3A_124, %eq3A_125 : i32
      %jit3A_127 = arith.constant 1 : i32
      %select_n3A_128 = arith.select %eq3A_126, %jit3A_127, %jit3A_124 : i32
      %rem3A_129 = arith.remsi %select_n3A_120, %select_n3A_128 : i32
      %ne3A_130 = arith.constant 0 : i32
      %ne3A_131 = arith.cmpi ne, %rem3A_129, %ne3A_130 : i32
      %lt3A_132 = arith.constant 0 : i32
      %lt3A_133 = arith.cmpi slt, %rem3A_129, %lt3A_132 : i32
      %lt3A_134 = arith.constant 0 : i32
      %lt3A_135 = arith.cmpi slt, %select_n3A_128, %lt3A_134 : i32
      %ne3A_136 = arith.xori %lt3A_133, %lt3A_135 : i1
      %and3A_137 = arith.andi %ne3A_136, %ne3A_131 : i1
      %add3A_138 = arith.addi %rem3A_129, %select_n3A_128 : i32
      %select_n3A_139 = arith.select %and3A_137, %add3A_138, %rem3A_129 : i32
      %mul3A_140 = arith.constant 8 : i32
      %mul3A_141 = arith.muli %select_n3A_139, %mul3A_140 : i32
      %dma_wait3A_142 = arith.constant 0 : i32
      %dma_wait3A_143 = arith.constant 0 : i32
      %dma_wait3A_144 = tpu.memref_slice %arg8[%mul3A_96, %dma_wait3A_143] : memref<256x128xf32, #tpu.memory_space<vmem>> -> memref<128x128xf32, #tpu.memory_space<vmem>>
      %dma_wait3A_145 = arith.constant 0 : i32
      %dma_wait3A_146 = tpu.memref_slice %arg6[%dma_wait3A_142, %dma_wait3A_145] : memref<16x128xi32, #tpu.memory_space<vmem>> -> memref<1x128xi32, #tpu.memory_space<vmem>>
      %dma_wait3A_147 = tpu.memref_squeeze %dma_wait3A_146 : memref<1x128xi32, #tpu.memory_space<vmem>> -> memref<128xi32, #tpu.memory_space<vmem>>
      %dma_wait3A_148 = arith.constant 0 : i32
      %dma_wait3A_149 = arith.constant 0 : i32
      %dma_wait3A_150 = tpu.memref_slice %arg2[%dma_wait3A_148, %dma_wait3A_149] : memref<10000x128xf32, #tpu.memory_space<hbm>> -> memref<10000x128xf32, #tpu.memory_space<hbm>>
      tpu.wait_indirect_dma semaphore(%arg10 : memref<!tpu.dma_semaphore, #tpu.memory_space<semaphore_mem>>) src(%dma_wait3A_150 : memref<10000x128xf32, #tpu.memory_space<hbm>>) dst(%dma_wait3A_144 : memref<128x128xf32, #tpu.memory_space<vmem>>)
      %ge3A = arith.constant 1 : i32
      %ge3A_151 = arith.cmpi sge, %while3A_78, %ge3A : i32
      %convert_element_type3A = arith.extui %ge3A_151 : i1 to i32
      %cond3A = arith.constant 0 : i32
      %cond3A_152 = arith.cmpi ne, %convert_element_type3A, %cond3A : i32
      scf.if %cond3A_152 {
        %sub3A_187 = arith.constant 128 : i32
        %sub3A_188 = arith.subi %sub3A_187, %mul3A_96 : i32
        %dma_wait3A_189 = arith.constant 0 : i32
        %dma_wait3A_190 = arith.constant 0 : i32
        %dma_wait3A_191 = tpu.memref_slice %arg8[%sub3A_188, %dma_wait3A_190] : memref<256x128xf32, #tpu.memory_space<vmem>> -> memref<128x128xf32, #tpu.memory_space<vmem>>
        %dma_wait3A_192 = arith.constant 0 : i32
        %dma_wait3A_193 = tpu.memref_slice %arg7[%dma_wait3A_189, %dma_wait3A_192] : memref<16x128xi32, #tpu.memory_space<vmem>> -> memref<1x128xi32, #tpu.memory_space<vmem>>
        %dma_wait3A_194 = tpu.memref_squeeze %dma_wait3A_193 : memref<1x128xi32, #tpu.memory_space<vmem>> -> memref<128xi32, #tpu.memory_space<vmem>>
        %dma_wait3A_195 = arith.constant 0 : i32
        %dma_wait3A_196 = arith.constant 0 : i32
        %dma_wait3A_197 = tpu.memref_slice %arg9[%dma_wait3A_195, %dma_wait3A_196] : memref<10240x128xf32, #tpu.memory_space<vmem_shared>> -> memref<10240x128xf32, #tpu.memory_space<vmem_shared>>
        tpu.wait_indirect_dma semaphore(%arg11 : memref<!tpu.dma_semaphore, #tpu.memory_space<semaphore_mem>>) src(%dma_wait3A_191 : memref<128x128xf32, #tpu.memory_space<vmem>>) dst(%dma_wait3A_197 : memref<10240x128xf32, #tpu.memory_space<vmem_shared>>)
      } else {
      }
      %eq3A_153 = arith.constant 0 : i32
      %eq3A_154 = arith.cmpi eq, %sub3A_123, %eq3A_153 : i32
      %add3A_155 = arith.constant 1 : i32
      %add3A_156 = arith.addi %select_n3A_120, %add3A_155 : i32
      %lt3A_157 = arith.cmpi slt, %add3A_156, %select_n3A_26 : i32
      %and3A_158 = arith.andi %eq3A_154, %lt3A_157 : i1
      %convert_element_type3A_159 = arith.extui %and3A_158 : i1 to i32
      %cond3A_160 = arith.constant 0 : i32
      %cond3A_161 = arith.cmpi ne, %convert_element_type3A_159, %cond3A_160 : i32
      scf.if %cond3A_161 {
        %add3A_187 = arith.constant 1 : i32
        %add3A_188 = arith.addi %select_n3A_120, %add3A_187 : i32
        %mul3A_189 = arith.constant 8 : i32
        %mul3A_190 = arith.muli %add3A_188, %mul3A_189 : i32
        %add3A_191 = arith.addi %select_n3A_8, %mul3A_190 : i32
        %sub3A_192 = arith.constant 8 : i32
        %sub3A_193 = arith.subi %sub3A_192, %mul3A_141 : i32
        %dma_start3A_194 = arith.constant 0 : i32
        %dma_start3A_195 = tpu.memref_slice %arg6[%sub3A_193, %dma_start3A_194] : memref<16x128xi32, #tpu.memory_space<vmem>> -> memref<8x128xi32, #tpu.memory_space<vmem>>
        %dma_start3A_196 = arith.constant 0 : i32
        %dma_start3A_197 = tpu.memref_slice %arg3[%add3A_191, %dma_start3A_196] : memref<2560x128xi32, #tpu.memory_space<hbm>> -> memref<8x128xi32, #tpu.memory_space<hbm>>
        %dma_start3A_198 = arith.constant 0 : i32
        %dma_start3A_199 = tpu.memref_slice %arg6[%sub3A_193, %dma_start3A_198] : memref<16x128xi32, #tpu.memory_space<vmem>> -> memref<8x128xi32, #tpu.memory_space<vmem>>
        %dma_start3A_200 = arith.constant 0 : i32
        %dma_start3A_201 = tpu.memref_slice %arg3[%add3A_191, %dma_start3A_200] : memref<2560x128xi32, #tpu.memory_space<hbm>> -> memref<8x128xi32, #tpu.memory_space<hbm>>
        tpu.enqueue_dma source(%dma_start3A_201 : memref<8x128xi32, #tpu.memory_space<hbm>>) target(%dma_start3A_199 : memref<8x128xi32, #tpu.memory_space<vmem>>) target_semaphore(%arg12 : memref<!tpu.dma_semaphore, #tpu.memory_space<semaphore_mem>>)
        %add3A_202 = arith.constant 1 : i32
        %add3A_203 = arith.addi %select_n3A_120, %add3A_202 : i32
        %mul3A_204 = arith.constant 8 : i32
        %mul3A_205 = arith.muli %add3A_203, %mul3A_204 : i32
        %add3A_206 = arith.addi %select_n3A_8, %mul3A_205 : i32
        %sub3A_207 = arith.constant 8 : i32
        %sub3A_208 = arith.subi %sub3A_207, %mul3A_141 : i32
        %dma_start3A_209 = arith.constant 0 : i32
        %dma_start3A_210 = tpu.memref_slice %arg7[%sub3A_208, %dma_start3A_209] : memref<16x128xi32, #tpu.memory_space<vmem>> -> memref<8x128xi32, #tpu.memory_space<vmem>>
        %dma_start3A_211 = arith.constant 0 : i32
        %dma_start3A_212 = tpu.memref_slice %arg4[%add3A_206, %dma_start3A_211] : memref<2560x128xi32, #tpu.memory_space<hbm>> -> memref<8x128xi32, #tpu.memory_space<hbm>>
        %dma_start3A_213 = arith.constant 0 : i32
        %dma_start3A_214 = tpu.memref_slice %arg7[%sub3A_208, %dma_start3A_213] : memref<16x128xi32, #tpu.memory_space<vmem>> -> memref<8x128xi32, #tpu.memory_space<vmem>>
        %dma_start3A_215 = arith.constant 0 : i32
        %dma_start3A_216 = tpu.memref_slice %arg4[%add3A_206, %dma_start3A_215] : memref<2560x128xi32, #tpu.memory_space<hbm>> -> memref<8x128xi32, #tpu.memory_space<hbm>>
        tpu.enqueue_dma source(%dma_start3A_216 : memref<8x128xi32, #tpu.memory_space<hbm>>) target(%dma_start3A_214 : memref<8x128xi32, #tpu.memory_space<vmem>>) target_semaphore(%arg12 : memref<!tpu.dma_semaphore, #tpu.memory_space<semaphore_mem>>)
      } else {
      }
      %eq3A_162 = arith.constant 7 : i32
      %eq3A_163 = arith.cmpi eq, %sub3A_123, %eq3A_162 : i32
      %add3A_164 = arith.constant 1 : i32
      %add3A_165 = arith.addi %while3A_78, %add3A_164 : i32
      %lt3A_166 = arith.cmpi slt, %add3A_165, %select_n3A : i32
      %and3A_167 = arith.andi %eq3A_163, %lt3A_166 : i1
      %convert_element_type3A_168 = arith.extui %and3A_167 : i1 to i32
      %cond3A_169 = arith.constant 0 : i32
      %cond3A_170 = arith.cmpi ne, %convert_element_type3A_168, %cond3A_169 : i32
      scf.if %cond3A_170 {
        %dma_wait3A_187 = arith.constant 0 : i32
        %dma_wait3A_188 = arith.constant 0 : i32
        %dma_wait3A_189 = tpu.memref_slice %arg6[%dma_wait3A_187, %dma_wait3A_188] : memref<16x128xi32, #tpu.memory_space<vmem>> -> memref<8x128xi32, #tpu.memory_space<vmem>>
        %dma_wait3A_190 = arith.constant 0 : i32
        %dma_wait3A_191 = tpu.memref_slice %arg3[%select_n3A_8, %dma_wait3A_190] : memref<2560x128xi32, #tpu.memory_space<hbm>> -> memref<8x128xi32, #tpu.memory_space<hbm>>
        %dma_wait3A_192 = arith.constant 0 : i32
        %dma_wait3A_193 = arith.constant 0 : i32
        %dma_wait3A_194 = tpu.memref_slice %arg6[%dma_wait3A_192, %dma_wait3A_193] : memref<16x128xi32, #tpu.memory_space<vmem>> -> memref<8x128xi32, #tpu.memory_space<vmem>>
        %dma_wait3A_195 = arith.constant 0 : i32
        %dma_wait3A_196 = tpu.memref_slice %arg3[%select_n3A_8, %dma_wait3A_195] : memref<2560x128xi32, #tpu.memory_space<hbm>> -> memref<8x128xi32, #tpu.memory_space<hbm>>
        tpu.wait_dma2 semaphore(%arg12 : memref<!tpu.dma_semaphore, #tpu.memory_space<semaphore_mem>>) src(%dma_wait3A_196 : memref<8x128xi32, #tpu.memory_space<hbm>>) dst(%dma_wait3A_194 : memref<8x128xi32, #tpu.memory_space<vmem>>)
        %dma_wait3A_197 = arith.constant 0 : i32
        %dma_wait3A_198 = arith.constant 0 : i32
        %dma_wait3A_199 = tpu.memref_slice %arg7[%dma_wait3A_197, %dma_wait3A_198] : memref<16x128xi32, #tpu.memory_space<vmem>> -> memref<8x128xi32, #tpu.memory_space<vmem>>
        %dma_wait3A_200 = arith.constant 0 : i32
        %dma_wait3A_201 = tpu.memref_slice %arg4[%select_n3A_8, %dma_wait3A_200] : memref<2560x128xi32, #tpu.memory_space<hbm>> -> memref<8x128xi32, #tpu.memory_space<hbm>>
        %dma_wait3A_202 = arith.constant 0 : i32
        %dma_wait3A_203 = arith.constant 0 : i32
        %dma_wait3A_204 = tpu.memref_slice %arg7[%dma_wait3A_202, %dma_wait3A_203] : memref<16x128xi32, #tpu.memory_space<vmem>> -> memref<8x128xi32, #tpu.memory_space<vmem>>
        %dma_wait3A_205 = arith.constant 0 : i32
        %dma_wait3A_206 = tpu.memref_slice %arg4[%select_n3A_8, %dma_wait3A_205] : memref<2560x128xi32, #tpu.memory_space<hbm>> -> memref<8x128xi32, #tpu.memory_space<hbm>>
        tpu.wait_dma2 semaphore(%arg12 : memref<!tpu.dma_semaphore, #tpu.memory_space<semaphore_mem>>) src(%dma_wait3A_206 : memref<8x128xi32, #tpu.memory_space<hbm>>) dst(%dma_wait3A_204 : memref<8x128xi32, #tpu.memory_space<vmem>>)
      } else {
      }
      %add3A_171 = arith.constant 1 : i32
      %add3A_172 = arith.addi %while3A_78, %add3A_171 : i32
      %lt3A_173 = arith.cmpi slt, %add3A_172, %select_n3A : i32
      %convert_element_type3A_174 = arith.extui %lt3A_173 : i1 to i32
      %cond3A_175 = arith.constant 0 : i32
      %cond3A_176 = arith.cmpi ne, %convert_element_type3A_174, %cond3A_175 : i32
      scf.if %cond3A_176 {
        %add3A_187 = arith.constant 1 : i32
        %add3A_188 = arith.addi %while3A_78, %add3A_187 : i32
        %jit3A_189 = arith.constant 8 : i32
        %div3A_190 = arith.divsi %add3A_188, %jit3A_189 : i32
        %sign3A_191 = arith.constant 0 : i32
        %sign3A_192 = arith.cmpi sgt, %add3A_188, %sign3A_191 : i32
        %sign3A_193 = arith.extui %sign3A_192 : i1 to i32
        %sign3A_194 = arith.constant 0 : i32
        %sign3A_195 = arith.cmpi slt, %add3A_188, %sign3A_194 : i32
        %sign3A_196 = arith.extui %sign3A_195 : i1 to i32
        %sign3A_197 = arith.subi %sign3A_193, %sign3A_196 : i32
        %sign3A_198 = arith.constant 0 : i32
        %sign3A_199 = arith.cmpi sgt, %jit3A_189, %sign3A_198 : i32
        %sign3A_200 = arith.extui %sign3A_199 : i1 to i32
        %sign3A_201 = arith.constant 0 : i32
        %sign3A_202 = arith.cmpi slt, %jit3A_189, %sign3A_201 : i32
        %sign3A_203 = arith.extui %sign3A_202 : i1 to i32
        %sign3A_204 = arith.subi %sign3A_200, %sign3A_203 : i32
        %ne3A_205 = arith.cmpi ne, %sign3A_197, %sign3A_204 : i32
        %rem3A_206 = arith.remsi %add3A_188, %jit3A_189 : i32
        %ne3A_207 = arith.constant 0 : i32
        %ne3A_208 = arith.cmpi ne, %rem3A_206, %ne3A_207 : i32
        %and3A_209 = arith.andi %ne3A_205, %ne3A_208 : i1
        %sub3A_210 = arith.constant 1 : i32
        %sub3A_211 = arith.subi %div3A_190, %sub3A_210 : i32
        %select_n3A_212 = arith.select %and3A_209, %sub3A_211, %div3A_190 : i32
        %jit3A_213 = arith.constant 2 : i32
        %eq3A_214 = arith.constant 0 : i32
        %eq3A_215 = arith.cmpi eq, %jit3A_213, %eq3A_214 : i32
        %jit3A_216 = arith.constant 1 : i32
        %select_n3A_217 = arith.select %eq3A_215, %jit3A_216, %jit3A_213 : i32
        %rem3A_218 = arith.remsi %select_n3A_212, %select_n3A_217 : i32
        %ne3A_219 = arith.constant 0 : i32
        %ne3A_220 = arith.cmpi ne, %rem3A_218, %ne3A_219 : i32
        %lt3A_221 = arith.constant 0 : i32
        %lt3A_222 = arith.cmpi slt, %rem3A_218, %lt3A_221 : i32
        %lt3A_223 = arith.constant 0 : i32
        %lt3A_224 = arith.cmpi slt, %select_n3A_217, %lt3A_223 : i32
        %ne3A_225 = arith.xori %lt3A_222, %lt3A_224 : i1
        %and3A_226 = arith.andi %ne3A_225, %ne3A_220 : i1
        %add3A_227 = arith.addi %rem3A_218, %select_n3A_217 : i32
        %select_n3A_228 = arith.select %and3A_226, %add3A_227, %rem3A_218 : i32
        %mul3A_229 = arith.constant 8 : i32
        %mul3A_230 = arith.muli %select_n3A_228, %mul3A_229 : i32
        %add3A_231 = arith.constant 1 : i32
        %add3A_232 = arith.addi %while3A_78, %add3A_231 : i32
        %mul3A_233 = arith.constant 8 : i32
        %mul3A_234 = arith.muli %select_n3A_212, %mul3A_233 : i32
        %sub3A_235 = arith.subi %add3A_232, %mul3A_234 : i32
        %add3A_236 = arith.addi %mul3A_230, %sub3A_235 : i32
        %sub3A_237 = arith.constant 128 : i32
        %sub3A_238 = arith.subi %sub3A_237, %mul3A_96 : i32
        %dma_start3A_239 = arith.constant 0 : i32
        %dma_start3A_240 = tpu.memref_slice %arg8[%sub3A_238, %dma_start3A_239] : memref<256x128xf32, #tpu.memory_space<vmem>> -> memref<128x128xf32, #tpu.memory_space<vmem>>
        %dma_start3A_241 = arith.constant 0 : i32
        %dma_start3A_242 = tpu.memref_slice %arg6[%add3A_236, %dma_start3A_241] : memref<16x128xi32, #tpu.memory_space<vmem>> -> memref<1x128xi32, #tpu.memory_space<vmem>>
        %dma_start3A_243 = tpu.memref_squeeze %dma_start3A_242 : memref<1x128xi32, #tpu.memory_space<vmem>> -> memref<128xi32, #tpu.memory_space<vmem>>
        %dma_start3A_244 = arith.constant 0 : i32
        %dma_start3A_245 = arith.constant 0 : i32
        %dma_start3A_246 = tpu.memref_slice %arg2[%dma_start3A_244, %dma_start3A_245] : memref<10000x128xf32, #tpu.memory_space<hbm>> -> memref<10000x128xf32, #tpu.memory_space<hbm>>
        tpu.enqueue_indirect_dma source(%dma_start3A_246 : memref<10000x128xf32, #tpu.memory_space<hbm>>) target(%dma_start3A_240 : memref<128x128xf32, #tpu.memory_space<vmem>>) offsets(%dma_start3A_243 : memref<128xi32, #tpu.memory_space<vmem>>) semaphore(%arg10 : memref<!tpu.dma_semaphore, #tpu.memory_space<semaphore_mem>>)
      } else {
      }
      %add3A_177 = arith.addi %mul3A_141, %sub3A_123 : i32
      %dma_start3A_178 = arith.constant 0 : i32
      %dma_start3A_179 = tpu.memref_slice %arg8[%mul3A_96, %dma_start3A_178] : memref<256x128xf32, #tpu.memory_space<vmem>> -> memref<128x128xf32, #tpu.memory_space<vmem>>
      %dma_start3A_180 = arith.constant 0 : i32
      %dma_start3A_181 = tpu.memref_slice %arg7[%add3A_177, %dma_start3A_180] : memref<16x128xi32, #tpu.memory_space<vmem>> -> memref<1x128xi32, #tpu.memory_space<vmem>>
      %dma_start3A_182 = tpu.memref_squeeze %dma_start3A_181 : memref<1x128xi32, #tpu.memory_space<vmem>> -> memref<128xi32, #tpu.memory_space<vmem>>
      %dma_start3A_183 = arith.constant 0 : i32
      %dma_start3A_184 = arith.constant 0 : i32
      %dma_start3A_185 = tpu.memref_slice %arg9[%dma_start3A_183, %dma_start3A_184] : memref<10240x128xf32, #tpu.memory_space<vmem_shared>> -> memref<10240x128xf32, #tpu.memory_space<vmem_shared>>
      tpu.enqueue_indirect_dma source(%dma_start3A_179 : memref<128x128xf32, #tpu.memory_space<vmem>>) target(%dma_start3A_185 : memref<10240x128xf32, #tpu.memory_space<vmem_shared>>) offsets(%dma_start3A_182 : memref<128xi32, #tpu.memory_space<vmem>>) semaphore(%arg11 : memref<!tpu.dma_semaphore, #tpu.memory_space<semaphore_mem>>) {add = true}
      %while3A_186 = arith.constant 0 : i32
      scf.yield %while3A_186 : i32
    }
    %dma_wait3A = arith.constant 0 : i32
    %dma_wait3A_61 = arith.constant 128 : i32
    %dma_wait3A_62 = arith.constant 0 : i32
    %dma_wait3A_63 = tpu.memref_slice %arg8[%dma_wait3A_61, %dma_wait3A_62] : memref<256x128xf32, #tpu.memory_space<vmem>> -> memref<128x128xf32, #tpu.memory_space<vmem>>
    %dma_wait3A_64 = arith.constant 0 : i32
    %dma_wait3A_65 = tpu.memref_slice %arg7[%dma_wait3A, %dma_wait3A_64] : memref<16x128xi32, #tpu.memory_space<vmem>> -> memref<1x128xi32, #tpu.memory_space<vmem>>
    %dma_wait3A_66 = tpu.memref_squeeze %dma_wait3A_65 : memref<1x128xi32, #tpu.memory_space<vmem>> -> memref<128xi32, #tpu.memory_space<vmem>>
    %dma_wait3A_67 = arith.constant 0 : i32
    %dma_wait3A_68 = arith.constant 0 : i32
    %dma_wait3A_69 = tpu.memref_slice %arg9[%dma_wait3A_67, %dma_wait3A_68] : memref<10240x128xf32, #tpu.memory_space<vmem_shared>> -> memref<10240x128xf32, #tpu.memory_space<vmem_shared>>
    tpu.wait_indirect_dma semaphore(%arg11 : memref<!tpu.dma_semaphore, #tpu.memory_space<semaphore_mem>>) src(%dma_wait3A_63 : memref<128x128xf32, #tpu.memory_space<vmem>>) dst(%dma_wait3A_69 : memref<10240x128xf32, #tpu.memory_space<vmem_shared>>)
    %barrier3A_70 = arith.constant 0 : index
    tpu.barrier barrier_id(%barrier3A_70)
    %scan3A_71 = arith.constant 0 : i32
    %scan3A_72 = arith.constant 0 : i32
    %scan3A_73 = arith.constant 5 : i32
    %scan3A_74 = arith.addi %scan3A_72, %scan3A_73 : i32
    %scan3A_75 = arith.constant 1 : i32
    %scan3A_76 = scf.for %scan3A_78 = %scan3A_72 to %scan3A_74 step %scan3A_75 iter_args(%scan3A_79 = %scan3A_71) -> (i32)  : i32 {
      %mul3A_80 = arith.constant 640 : i32
      %mul3A_81 = arith.muli %arg1, %mul3A_80 : i32
      %mul3A_82 = arith.constant 128 : i32
      %mul3A_83 = arith.muli %scan3A_78, %mul3A_82 : i32
      %add3A_84 = arith.addi %mul3A_81, %mul3A_83 : i32
      "tpu.region"() ({
        %run_scoped3A = tpu.sem_alloc : memref<!tpu.dma_semaphore, #tpu.memory_space<semaphore_mem>>
        %dma_start3A_86 = arith.constant 0 : i32
        %dma_start3A_87 = arith.constant 0 : i32
        %dma_start3A_88 = tpu.memref_slice %arg8[%dma_start3A_86, %dma_start3A_87] : memref<256x128xf32, #tpu.memory_space<vmem>> -> memref<128x128xf32, #tpu.memory_space<vmem>>
        %dma_start3A_89 = arith.constant 0 : i32
        %dma_start3A_90 = tpu.memref_slice %arg9[%add3A_84, %dma_start3A_89] : memref<10240x128xf32, #tpu.memory_space<vmem_shared>> -> memref<128x128xf32, #tpu.memory_space<vmem_shared>>
        %dma_start3A_91 = arith.constant 0 : i32
        %dma_start3A_92 = arith.constant 0 : i32
        %dma_start3A_93 = tpu.memref_slice %arg8[%dma_start3A_91, %dma_start3A_92] : memref<256x128xf32, #tpu.memory_space<vmem>> -> memref<128x128xf32, #tpu.memory_space<vmem>>
        %dma_start3A_94 = arith.constant 0 : i32
        %dma_start3A_95 = tpu.memref_slice %arg9[%add3A_84, %dma_start3A_94] : memref<10240x128xf32, #tpu.memory_space<vmem_shared>> -> memref<128x128xf32, #tpu.memory_space<vmem_shared>>
        tpu.enqueue_dma source(%dma_start3A_95 : memref<128x128xf32, #tpu.memory_space<vmem_shared>>) target(%dma_start3A_93 : memref<128x128xf32, #tpu.memory_space<vmem>>) target_semaphore(%run_scoped3A : memref<!tpu.dma_semaphore, #tpu.memory_space<semaphore_mem>>)
        %dma_wait3A_96 = arith.constant 0 : i32
        %dma_wait3A_97 = arith.constant 0 : i32
        %dma_wait3A_98 = tpu.memref_slice %arg8[%dma_wait3A_96, %dma_wait3A_97] : memref<256x128xf32, #tpu.memory_space<vmem>> -> memref<128x128xf32, #tpu.memory_space<vmem>>
        %dma_wait3A_99 = arith.constant 0 : i32
        %dma_wait3A_100 = tpu.memref_slice %arg9[%add3A_84, %dma_wait3A_99] : memref<10240x128xf32, #tpu.memory_space<vmem_shared>> -> memref<128x128xf32, #tpu.memory_space<vmem_shared>>
        %dma_wait3A_101 = arith.constant 0 : i32
        %dma_wait3A_102 = arith.constant 0 : i32
        %dma_wait3A_103 = tpu.memref_slice %arg8[%dma_wait3A_101, %dma_wait3A_102] : memref<256x128xf32, #tpu.memory_space<vmem>> -> memref<128x128xf32, #tpu.memory_space<vmem>>
        %dma_wait3A_104 = arith.constant 0 : i32
        %dma_wait3A_105 = tpu.memref_slice %arg9[%add3A_84, %dma_wait3A_104] : memref<10240x128xf32, #tpu.memory_space<vmem_shared>> -> memref<128x128xf32, #tpu.memory_space<vmem_shared>>
        tpu.wait_dma2 semaphore(%run_scoped3A : memref<!tpu.dma_semaphore, #tpu.memory_space<semaphore_mem>>) src(%dma_wait3A_105 : memref<128x128xf32, #tpu.memory_space<vmem_shared>>) dst(%dma_wait3A_103 : memref<128x128xf32, #tpu.memory_space<vmem>>)
        tpu.yield
      }) : () -> ()
      "tpu.region"() ({
        %run_scoped3A = tpu.sem_alloc : memref<!tpu.dma_semaphore, #tpu.memory_space<semaphore_mem>>
        %dma_start3A_86 = arith.constant 0 : i32
        %dma_start3A_87 = arith.constant 0 : i32
        %dma_start3A_88 = tpu.memref_slice %arg8[%dma_start3A_86, %dma_start3A_87] : memref<256x128xf32, #tpu.memory_space<vmem>> -> memref<128x128xf32, #tpu.memory_space<vmem>>
        %dma_start3A_89 = arith.constant 0 : i32
        %dma_start3A_90 = arith.constant 0 : i32
        %dma_start3A_91 = tpu.memref_slice %arg5[%arg0, %dma_start3A_89, %dma_start3A_90] : memref<2x10240x128xf32, #tpu.memory_space<hbm>> -> memref<1x10240x128xf32, #tpu.memory_space<hbm>>
        %dma_start3A_92 = tpu.memref_squeeze %dma_start3A_91 : memref<1x10240x128xf32, #tpu.memory_space<hbm>> -> memref<10240x128xf32, #tpu.memory_space<hbm>>
        %dma_start3A_93 = arith.constant 0 : i32
        %dma_start3A_94 = tpu.memref_slice %dma_start3A_92[%add3A_84, %dma_start3A_93] : memref<10240x128xf32, #tpu.memory_space<hbm>> -> memref<128x128xf32, #tpu.memory_space<hbm>>
        %dma_start3A_95 = arith.constant 0 : i32
        %dma_start3A_96 = arith.constant 0 : i32
        %dma_start3A_97 = tpu.memref_slice %arg5[%arg0, %dma_start3A_95, %dma_start3A_96] : memref<2x10240x128xf32, #tpu.memory_space<hbm>> -> memref<1x10240x128xf32, #tpu.memory_space<hbm>>
        %dma_start3A_98 = tpu.memref_squeeze %dma_start3A_97 : memref<1x10240x128xf32, #tpu.memory_space<hbm>> -> memref<10240x128xf32, #tpu.memory_space<hbm>>
        %dma_start3A_99 = arith.constant 0 : i32
        %dma_start3A_100 = tpu.memref_slice %dma_start3A_98[%add3A_84, %dma_start3A_99] : memref<10240x128xf32, #tpu.memory_space<hbm>> -> memref<128x128xf32, #tpu.memory_space<hbm>>
        %dma_start3A_101 = arith.constant 0 : i32
        %dma_start3A_102 = arith.constant 0 : i32
        %dma_start3A_103 = tpu.memref_slice %arg8[%dma_start3A_101, %dma_start3A_102] : memref<256x128xf32, #tpu.memory_space<vmem>> -> memref<128x128xf32, #tpu.memory_space<vmem>>
        tpu.enqueue_dma source(%dma_start3A_103 : memref<128x128xf32, #tpu.memory_space<vmem>>) target(%dma_start3A_100 : memref<128x128xf32, #tpu.memory_space<hbm>>) target_semaphore(%run_scoped3A : memref<!tpu.dma_semaphore, #tpu.memory_space<semaphore_mem>>)
        %dma_wait3A_104 = arith.constant 0 : i32
        %dma_wait3A_105 = arith.constant 0 : i32
        %dma_wait3A_106 = tpu.memref_slice %arg8[%dma_wait3A_104, %dma_wait3A_105] : memref<256x128xf32, #tpu.memory_space<vmem>> -> memref<128x128xf32, #tpu.memory_space<vmem>>
        %dma_wait3A_107 = arith.constant 0 : i32
        %dma_wait3A_108 = arith.constant 0 : i32
        %dma_wait3A_109 = tpu.memref_slice %arg5[%arg0, %dma_wait3A_107, %dma_wait3A_108] : memref<2x10240x128xf32, #tpu.memory_space<hbm>> -> memref<1x10240x128xf32, #tpu.memory_space<hbm>>
        %dma_wait3A_110 = tpu.memref_squeeze %dma_wait3A_109 : memref<1x10240x128xf32, #tpu.memory_space<hbm>> -> memref<10240x128xf32, #tpu.memory_space<hbm>>
        %dma_wait3A_111 = arith.constant 0 : i32
        %dma_wait3A_112 = tpu.memref_slice %dma_wait3A_110[%add3A_84, %dma_wait3A_111] : memref<10240x128xf32, #tpu.memory_space<hbm>> -> memref<128x128xf32, #tpu.memory_space<hbm>>
        %dma_wait3A_113 = arith.constant 0 : i32
        %dma_wait3A_114 = arith.constant 0 : i32
        %dma_wait3A_115 = tpu.memref_slice %arg5[%arg0, %dma_wait3A_113, %dma_wait3A_114] : memref<2x10240x128xf32, #tpu.memory_space<hbm>> -> memref<1x10240x128xf32, #tpu.memory_space<hbm>>
        %dma_wait3A_116 = tpu.memref_squeeze %dma_wait3A_115 : memref<1x10240x128xf32, #tpu.memory_space<hbm>> -> memref<10240x128xf32, #tpu.memory_space<hbm>>
        %dma_wait3A_117 = arith.constant 0 : i32
        %dma_wait3A_118 = tpu.memref_slice %dma_wait3A_116[%add3A_84, %dma_wait3A_117] : memref<10240x128xf32, #tpu.memory_space<hbm>> -> memref<128x128xf32, #tpu.memory_space<hbm>>
        %dma_wait3A_119 = arith.constant 0 : i32
        %dma_wait3A_120 = arith.constant 0 : i32
        %dma_wait3A_121 = tpu.memref_slice %arg8[%dma_wait3A_119, %dma_wait3A_120] : memref<256x128xf32, #tpu.memory_space<vmem>> -> memref<128x128xf32, #tpu.memory_space<vmem>>
        tpu.wait_dma2 semaphore(%run_scoped3A : memref<!tpu.dma_semaphore, #tpu.memory_space<semaphore_mem>>) src(%dma_wait3A_121 : memref<128x128xf32, #tpu.memory_space<vmem>>) dst(%dma_wait3A_118 : memref<128x128xf32, #tpu.memory_space<hbm>>)
        tpu.yield
      }) : () -> ()
      %scan3A_85 = arith.constant 0 : i32
      scf.yield %scan3A_85 : i32
    }
    %scan3A_77 = arith.constant 5 : i32
    return
  }
}

#map = affine_map<(d0, d1) -> (0, 0)>
#map1 = affine_map<(d0, d1) -> (0, 0, 0)>
module attributes {stable_mosaic.version = 14 : i64} {
  func.func @_scatter_kernel(%arg0: i32, %arg1: i32, %arg2: memref<10000x128xf32, #tpu.memory_space<hbm>>, %arg3: memref<2560x128xi32, #tpu.memory_space<hbm>>, %arg4: memref<2560x128xi32, #tpu.memory_space<hbm>>, %arg5: memref<2x10240x128xf32, #tpu.memory_space<hbm>>, %arg6: memref<16x128xi32, #tpu.memory_space<vmem>>, %arg7: memref<16x128xi32, #tpu.memory_space<vmem>>, %arg8: memref<256x128xf32, #tpu.memory_space<vmem>>, %arg9: memref<10240x128xf32, #tpu.memory_space<vmem_shared>>, %arg10: memref<!tpu.dma_semaphore, #tpu.memory_space<semaphore_mem>>, %arg11: memref<!tpu.dma_semaphore, #tpu.memory_space<semaphore_mem>>, %arg12: memref<!tpu.dma_semaphore, #tpu.memory_space<semaphore_mem>>) attributes {dimension_semantics = [#tpu.dimension_semantics<core_parallel>, #tpu.dimension_semantics<subcore_parallel>], iteration_bounds = array<i64: 2, 16>, scalar_prefetch = 0 : i64, scratch_operands = 7 : i64, tpu.core_type = #tpu.core_type<sc_vector_subcore>, window_params = [{transform_indices = #map}, {transform_indices = #map}, {transform_indices = #map}, {transform_indices = #map1}]} {
    %eq3A = arith.constant 0 : i32
    %eq3A_0 = arith.cmpi eq, %arg0, %eq3A : i32
    %jit3A = arith.constant 152 : i32
    %jit3A_1 = arith.constant 8 : i32
    %select_n3A = arith.select %eq3A_0, %jit3A, %jit3A_1 : i32
    %eq3A_2 = arith.constant 0 : i32
    %eq3A_3 = arith.cmpi eq, %arg0, %eq3A_2 : i32
    %mul3A = arith.constant 152 : i32
    %mul3A_4 = arith.muli %arg1, %mul3A : i32
    %mul3A_5 = arith.constant 8 : i32
    %mul3A_6 = arith.muli %arg1, %mul3A_5 : i32
    %add3A = arith.constant 2432 : i32
    %add3A_7 = arith.addi %add3A, %mul3A_6 : i32
    %select_n3A_8 = arith.select %eq3A_3, %mul3A_4, %add3A_7 : i32
    %jit3A_9 = arith.constant 8 : i32
    %div3A = arith.divsi %select_n3A, %jit3A_9 : i32
    %sign3A = arith.constant 0 : i32
    %sign3A_10 = arith.cmpi sgt, %select_n3A, %sign3A : i32
    %sign3A_11 = arith.extui %sign3A_10 : i1 to i32
    %sign3A_12 = arith.constant 0 : i32
    %sign3A_13 = arith.cmpi slt, %select_n3A, %sign3A_12 : i32
    %sign3A_14 = arith.extui %sign3A_13 : i1 to i32
    %sign3A_15 = arith.subi %sign3A_11, %sign3A_14 : i32
    %sign3A_16 = arith.constant 0 : i32
    %sign3A_17 = arith.cmpi sgt, %jit3A_9, %sign3A_16 : i32
    %sign3A_18 = arith.extui %sign3A_17 : i1 to i32
    %sign3A_19 = arith.constant 0 : i32
    %sign3A_20 = arith.cmpi slt, %jit3A_9, %sign3A_19 : i32
    %sign3A_21 = arith.extui %sign3A_20 : i1 to i32
    %sign3A_22 = arith.subi %sign3A_18, %sign3A_21 : i32
    %ne3A = arith.cmpi ne, %sign3A_15, %sign3A_22 : i32
    %rem3A = arith.remsi %select_n3A, %jit3A_9 : i32
    %ne3A_23 = arith.constant 0 : i32
    %ne3A_24 = arith.cmpi ne, %rem3A, %ne3A_23 : i32
    %and3A = arith.andi %ne3A, %ne3A_24 : i1
    %sub3A = arith.constant 1 : i32
    %sub3A_25 = arith.subi %div3A, %sub3A : i32
    %select_n3A_26 = arith.select %and3A, %sub3A_25, %div3A : i32
    %broadcast_in_dim3A = arith.constant 0.000000e+00 : f32
    %broadcast_in_dim3A_27 = vector.broadcast %broadcast_in_dim3A : f32 to vector<16xf32>
    %scan3A = arith.constant 0 : i32
    %scan3A_28 = arith.constant 0 : i32
    %scan3A_29 = arith.constant 1024 : i32
    %scan3A_30 = arith.addi %scan3A_28, %scan3A_29 : i32
    %scan3A_31 = arith.constant 1 : i32
    %scan3A_32 = scf.for %scan3A_78 = %scan3A_28 to %scan3A_30 step %scan3A_31 iter_args(%scan3A_79 = %scan3A) -> (i32)  : i32 {
      %shift_right_arithmetic3A = arith.constant 3 : i32
      %shift_right_arithmetic3A_80 = arith.shrsi %scan3A_78, %shift_right_arithmetic3A : i32
      %and3A_81 = arith.constant 7 : i32
      %and3A_82 = arith.andi %scan3A_78, %and3A_81 : i32
      %mul3A_83 = arith.constant 16 : i32
      %mul3A_84 = arith.muli %and3A_82, %mul3A_83 : i32
      %swap3A = arith.index_cast %shift_right_arithmetic3A_80 : i32 to index
      %swap3A_85 = arith.index_cast %mul3A_84 : i32 to index
      %swap3A_86 = tpu.vector_load %arg8[%swap3A, %swap3A_85] {strides = array<i32>} : memref<256x128xf32, #tpu.memory_space<vmem>>, vector<16xf32>,
      tpu.vector_store %arg8[%swap3A, %swap3A_85], %broadcast_in_dim3A_27 {strides = array<i32>} : memref<256x128xf32, #tpu.memory_space<vmem>>, vector<16xf32>,
      %scan3A_87 = arith.constant 0 : i32
      scf.yield %scan3A_87 : i32
    }
    %scan3A_33 = arith.constant 1024 : i32
    %scan3A_34 = arith.constant 0 : i32
    %scan3A_35 = arith.constant 0 : i32
    %scan3A_36 = arith.constant 5 : i32
    %scan3A_37 = arith.addi %scan3A_35, %scan3A_36 : i32
    %scan3A_38 = arith.constant 1 : i32
    %scan3A_39 = scf.for %scan3A_78 = %scan3A_35 to %scan3A_37 step %scan3A_38 iter_args(%scan3A_79 = %scan3A_34) -> (i32)  : i32 {
      %mul3A_80 = arith.constant 640 : i32
      %mul3A_81 = arith.muli %arg1, %mul3A_80 : i32
      %mul3A_82 = arith.constant 128 : i32
      %mul3A_83 = arith.muli %scan3A_78, %mul3A_82 : i32
      %add3A_84 = arith.addi %mul3A_81, %mul3A_83 : i32
      "tpu.region"() ({
        %run_scoped3A = tpu.sem_alloc : memref<!tpu.dma_semaphore, #tpu.memory_space<semaphore_mem>>
        %dma_start3A_86 = arith.constant 0 : i32
        %dma_start3A_87 = arith.constant 0 : i32
        %dma_start3A_88 = tpu.memref_slice %arg8[%dma_start3A_86, %dma_start3A_87] : memref<256x128xf32, #tpu.memory_space<vmem>> -> memref<128x128xf32, #tpu.memory_space<vmem>>
        %dma_start3A_89 = arith.constant 0 : i32
        %dma_start3A_90 = tpu.memref_slice %arg9[%add3A_84, %dma_start3A_89] : memref<10240x128xf32, #tpu.memory_space<vmem_shared>> -> memref<128x128xf32, #tpu.memory_space<vmem_shared>>
        %dma_start3A_91 = arith.constant 0 : i32
        %dma_start3A_92 = tpu.memref_slice %arg9[%add3A_84, %dma_start3A_91] : memref<10240x128xf32, #tpu.memory_space<vmem_shared>> -> memref<128x128xf32, #tpu.memory_space<vmem_shared>>
        %dma_start3A_93 = arith.constant 0 : i32
        %dma_start3A_94 = arith.constant 0 : i32
        %dma_start3A_95 = tpu.memref_slice %arg8[%dma_start3A_93, %dma_start3A_94] : memref<256x128xf32, #tpu.memory_space<vmem>> -> memref<128x128xf32, #tpu.memory_space<vmem>>
        tpu.enqueue_dma source(%dma_start3A_95 : memref<128x128xf32, #tpu.memory_space<vmem>>) target(%dma_start3A_92 : memref<128x128xf32, #tpu.memory_space<vmem_shared>>) target_semaphore(%run_scoped3A : memref<!tpu.dma_semaphore, #tpu.memory_space<semaphore_mem>>)
        %dma_wait3A_96 = arith.constant 0 : i32
        %dma_wait3A_97 = arith.constant 0 : i32
        %dma_wait3A_98 = tpu.memref_slice %arg8[%dma_wait3A_96, %dma_wait3A_97] : memref<256x128xf32, #tpu.memory_space<vmem>> -> memref<128x128xf32, #tpu.memory_space<vmem>>
        %dma_wait3A_99 = arith.constant 0 : i32
        %dma_wait3A_100 = tpu.memref_slice %arg9[%add3A_84, %dma_wait3A_99] : memref<10240x128xf32, #tpu.memory_space<vmem_shared>> -> memref<128x128xf32, #tpu.memory_space<vmem_shared>>
        %dma_wait3A_101 = arith.constant 0 : i32
        %dma_wait3A_102 = tpu.memref_slice %arg9[%add3A_84, %dma_wait3A_101] : memref<10240x128xf32, #tpu.memory_space<vmem_shared>> -> memref<128x128xf32, #tpu.memory_space<vmem_shared>>
        %dma_wait3A_103 = arith.constant 0 : i32
        %dma_wait3A_104 = arith.constant 0 : i32
        %dma_wait3A_105 = tpu.memref_slice %arg8[%dma_wait3A_103, %dma_wait3A_104] : memref<256x128xf32, #tpu.memory_space<vmem>> -> memref<128x128xf32, #tpu.memory_space<vmem>>
        tpu.wait_dma2 semaphore(%run_scoped3A : memref<!tpu.dma_semaphore, #tpu.memory_space<semaphore_mem>>) src(%dma_wait3A_105 : memref<128x128xf32, #tpu.memory_space<vmem>>) dst(%dma_wait3A_102 : memref<128x128xf32, #tpu.memory_space<vmem_shared>>)
        tpu.yield
      }) : () -> ()
      %scan3A_85 = arith.constant 0 : i32
      scf.yield %scan3A_85 : i32
    }
    %scan3A_40 = arith.constant 5 : i32
    %barrier3A = arith.constant 0 : index
    tpu.barrier barrier_id(%barrier3A)
    "tpu.region"() ({
      %run_scoped3A = tpu.sem_alloc : memref<!tpu.dma_semaphore, #tpu.memory_space<semaphore_mem>>
      %dma_start3A_78 = arith.constant 0 : i32
      %dma_start3A_79 = arith.constant 0 : i32
      %dma_start3A_80 = tpu.memref_slice %arg6[%dma_start3A_78, %dma_start3A_79] : memref<16x128xi32, #tpu.memory_space<vmem>> -> memref<8x128xi32, #tpu.memory_space<vmem>>
      %dma_start3A_81 = arith.constant 0 : i32
      %dma_start3A_82 = tpu.memref_slice %arg3[%select_n3A_8, %dma_start3A_81] : memref<2560x128xi32, #tpu.memory_space<hbm>> -> memref<8x128xi32, #tpu.memory_space<hbm>>
      %dma_start3A_83 = arith.constant 0 : i32
      %dma_start3A_84 = arith.constant 0 : i32
      %dma_start3A_85 = tpu.memref_slice %arg6[%dma_start3A_83, %dma_start3A_84] : memref<16x128xi32, #tpu.memory_space<vmem>> -> memref<8x128xi32, #tpu.memory_space<vmem>>
      %dma_start3A_86 = arith.constant 0 : i32
      %dma_start3A_87 = tpu.memref_slice %arg3[%select_n3A_8, %dma_start3A_86] : memref<2560x128xi32, #tpu.memory_space<hbm>> -> memref<8x128xi32, #tpu.memory_space<hbm>>
      tpu.enqueue_dma source(%dma_start3A_87 : memref<8x128xi32, #tpu.memory_space<hbm>>) target(%dma_start3A_85 : memref<8x128xi32, #tpu.memory_space<vmem>>) target_semaphore(%run_scoped3A : memref<!tpu.dma_semaphore, #tpu.memory_space<semaphore_mem>>)
      %dma_wait3A_88 = arith.constant 0 : i32
      %dma_wait3A_89 = arith.constant 0 : i32
      %dma_wait3A_90 = tpu.memref_slice %arg6[%dma_wait3A_88, %dma_wait3A_89] : memref<16x128xi32, #tpu.memory_space<vmem>> -> memref<8x128xi32, #tpu.memory_space<vmem>>
      %dma_wait3A_91 = arith.constant 0 : i32
      %dma_wait3A_92 = tpu.memref_slice %arg3[%select_n3A_8, %dma_wait3A_91] : memref<2560x128xi32, #tpu.memory_space<hbm>> -> memref<8x128xi32, #tpu.memory_space<hbm>>
      %dma_wait3A_93 = arith.constant 0 : i32
      %dma_wait3A_94 = arith.constant 0 : i32
      %dma_wait3A_95 = tpu.memref_slice %arg6[%dma_wait3A_93, %dma_wait3A_94] : memref<16x128xi32, #tpu.memory_space<vmem>> -> memref<8x128xi32, #tpu.memory_space<vmem>>
      %dma_wait3A_96 = arith.constant 0 : i32
      %dma_wait3A_97 = tpu.memref_slice %arg3[%select_n3A_8, %dma_wait3A_96] : memref<2560x128xi32, #tpu.memory_space<hbm>> -> memref<8x128xi32, #tpu.memory_space<hbm>>
      tpu.wait_dma2 semaphore(%run_scoped3A : memref<!tpu.dma_semaphore, #tpu.memory_space<semaphore_mem>>) src(%dma_wait3A_97 : memref<8x128xi32, #tpu.memory_space<hbm>>) dst(%dma_wait3A_95 : memref<8x128xi32, #tpu.memory_space<vmem>>)
      tpu.yield
    }) : () -> ()
    "tpu.region"() ({
      %run_scoped3A = tpu.sem_alloc : memref<!tpu.dma_semaphore, #tpu.memory_space<semaphore_mem>>
      %dma_start3A_78 = arith.constant 0 : i32
      %dma_start3A_79 = arith.constant 0 : i32
      %dma_start3A_80 = tpu.memref_slice %arg7[%dma_start3A_78, %dma_start3A_79] : memref<16x128xi32, #tpu.memory_space<vmem>> -> memref<8x128xi32, #tpu.memory_space<vmem>>
      %dma_start3A_81 = arith.constant 0 : i32
      %dma_start3A_82 = tpu.memref_slice %arg4[%select_n3A_8, %dma_start3A_81] : memref<2560x128xi32, #tpu.memory_space<hbm>> -> memref<8x128xi32, #tpu.memory_space<hbm>>
      %dma_start3A_83 = arith.constant 0 : i32
      %dma_start3A_84 = arith.constant 0 : i32
      %dma_start3A_85 = tpu.memref_slice %arg7[%dma_start3A_83, %dma_start3A_84] : memref<16x128xi32, #tpu.memory_space<vmem>> -> memref<8x128xi32, #tpu.memory_space<vmem>>
      %dma_start3A_86 = arith.constant 0 : i32
      %dma_start3A_87 = tpu.memref_slice %arg4[%select_n3A_8, %dma_start3A_86] : memref<2560x128xi32, #tpu.memory_space<hbm>> -> memref<8x128xi32, #tpu.memory_space<hbm>>
      tpu.enqueue_dma source(%dma_start3A_87 : memref<8x128xi32, #tpu.memory_space<hbm>>) target(%dma_start3A_85 : memref<8x128xi32, #tpu.memory_space<vmem>>) target_semaphore(%run_scoped3A : memref<!tpu.dma_semaphore, #tpu.memory_space<semaphore_mem>>)
      %dma_wait3A_88 = arith.constant 0 : i32
      %dma_wait3A_89 = arith.constant 0 : i32
      %dma_wait3A_90 = tpu.memref_slice %arg7[%dma_wait3A_88, %dma_wait3A_89] : memref<16x128xi32, #tpu.memory_space<vmem>> -> memref<8x128xi32, #tpu.memory_space<vmem>>
      %dma_wait3A_91 = arith.constant 0 : i32
      %dma_wait3A_92 = tpu.memref_slice %arg4[%select_n3A_8, %dma_wait3A_91] : memref<2560x128xi32, #tpu.memory_space<hbm>> -> memref<8x128xi32, #tpu.memory_space<hbm>>
      %dma_wait3A_93 = arith.constant 0 : i32
      %dma_wait3A_94 = arith.constant 0 : i32
      %dma_wait3A_95 = tpu.memref_slice %arg7[%dma_wait3A_93, %dma_wait3A_94] : memref<16x128xi32, #tpu.memory_space<vmem>> -> memref<8x128xi32, #tpu.memory_space<vmem>>
      %dma_wait3A_96 = arith.constant 0 : i32
      %dma_wait3A_97 = tpu.memref_slice %arg4[%select_n3A_8, %dma_wait3A_96] : memref<2560x128xi32, #tpu.memory_space<hbm>> -> memref<8x128xi32, #tpu.memory_space<hbm>>
      tpu.wait_dma2 semaphore(%run_scoped3A : memref<!tpu.dma_semaphore, #tpu.memory_space<semaphore_mem>>) src(%dma_wait3A_97 : memref<8x128xi32, #tpu.memory_space<hbm>>) dst(%dma_wait3A_95 : memref<8x128xi32, #tpu.memory_space<vmem>>)
      tpu.yield
    }) : () -> ()
    %dma_start3A = arith.constant 0 : i32
    %dma_start3A_41 = arith.constant 0 : i32
    %dma_start3A_42 = arith.constant 0 : i32
    %dma_start3A_43 = tpu.memref_slice %arg8[%dma_start3A_41, %dma_start3A_42] : memref<256x128xf32, #tpu.memory_space<vmem>> -> memref<128x128xf32, #tpu.memory_space<vmem>>
    %dma_start3A_44 = arith.constant 0 : i32
    %dma_start3A_45 = tpu.memref_slice %arg6[%dma_start3A, %dma_start3A_44] : memref<16x128xi32, #tpu.memory_space<vmem>> -> memref<1x128xi32, #tpu.memory_space<vmem>>
    %dma_start3A_46 = tpu.memref_squeeze %dma_start3A_45 : memref<1x128xi32, #tpu.memory_space<vmem>> -> memref<128xi32, #tpu.memory_space<vmem>>
    %dma_start3A_47 = arith.constant 0 : i32
    %dma_start3A_48 = arith.constant 0 : i32
    %dma_start3A_49 = tpu.memref_slice %arg2[%dma_start3A_47, %dma_start3A_48] : memref<10000x128xf32, #tpu.memory_space<hbm>> -> memref<10000x128xf32, #tpu.memory_space<hbm>>
    tpu.enqueue_indirect_dma source(%dma_start3A_49 : memref<10000x128xf32, #tpu.memory_space<hbm>>) target(%dma_start3A_43 : memref<128x128xf32, #tpu.memory_space<vmem>>) offsets(%dma_start3A_46 : memref<128xi32, #tpu.memory_space<vmem>>) semaphore(%arg10 : memref<!tpu.dma_semaphore, #tpu.memory_space<semaphore_mem>>)
    %while3A = arith.constant 0 : i32
    %while3A_50 = arith.constant 0 : i32
    %while3A_51 = arith.subi %select_n3A, %while3A : i32
    %while3A_52 = arith.addi %while3A, %while3A_51 : i32
    %while3A_53 = arith.constant 1 : i32
    %while3A_54 = arith.divsi %while3A_51, %while3A_53 : i32
    %while3A_55 = arith.muli %while3A_54, %while3A_53 : i32
    %while3A_56 = arith.addi %while3A, %while3A_55 : i32
    %while3A_57 = arith.constant 1 : i32
    %while3A_58 = scf.for %while3A_78 = %while3A to %while3A_56 step %while3A_57 iter_args(%while3A_79 = %while3A_50) -> (i32)  : i32 {
      %jit3A_80 = arith.constant 2 : i32
      %eq3A_81 = arith.constant 0 : i32
      %eq3A_82 = arith.cmpi eq, %jit3A_80, %eq3A_81 : i32
      %jit3A_83 = arith.constant 1 : i32
      %select_n3A_84 = arith.select %eq3A_82, %jit3A_83, %jit3A_80 : i32
      %rem3A_85 = arith.remsi %while3A_78, %select_n3A_84 : i32
      %ne3A_86 = arith.constant 0 : i32
      %ne3A_87 = arith.cmpi ne, %rem3A_85, %ne3A_86 : i32
      %lt3A = arith.constant 0 : i32
      %lt3A_88 = arith.cmpi slt, %rem3A_85, %lt3A : i32
      %lt3A_89 = arith.constant 0 : i32
      %lt3A_90 = arith.cmpi slt, %select_n3A_84, %lt3A_89 : i32
      %ne3A_91 = arith.xori %lt3A_88, %lt3A_90 : i1
      %and3A_92 = arith.andi %ne3A_91, %ne3A_87 : i1
      %add3A_93 = arith.addi %rem3A_85, %select_n3A_84 : i32
      %select_n3A_94 = arith.select %and3A_92, %add3A_93, %rem3A_85 : i32
      %mul3A_95 = arith.constant 128 : i32
      %mul3A_96 = arith.muli %select_n3A_94, %mul3A_95 : i32
      %jit3A_97 = arith.constant 8 : i32
      %div3A_98 = arith.divsi %while3A_78, %jit3A_97 : i32
      %sign3A_99 = arith.constant 0 : i32
      %sign3A_100 = arith.cmpi sgt, %while3A_78, %sign3A_99 : i32
      %sign3A_101 = arith.extui %sign3A_100 : i1 to i32
      %sign3A_102 = arith.constant 0 : i32
      %sign3A_103 = arith.cmpi slt, %while3A_78, %sign3A_102 : i32
      %sign3A_104 = arith.extui %sign3A_103 : i1 to i32
      %sign3A_105 = arith.subi %sign3A_101, %sign3A_104 : i32
      %sign3A_106 = arith.constant 0 : i32
      %sign3A_107 = arith.cmpi sgt, %jit3A_97, %sign3A_106 : i32
      %sign3A_108 = arith.extui %sign3A_107 : i1 to i32
      %sign3A_109 = arith.constant 0 : i32
      %sign3A_110 = arith.cmpi slt, %jit3A_97, %sign3A_109 : i32
      %sign3A_111 = arith.extui %sign3A_110 : i1 to i32
      %sign3A_112 = arith.subi %sign3A_108, %sign3A_111 : i32
      %ne3A_113 = arith.cmpi ne, %sign3A_105, %sign3A_112 : i32
      %rem3A_114 = arith.remsi %while3A_78, %jit3A_97 : i32
      %ne3A_115 = arith.constant 0 : i32
      %ne3A_116 = arith.cmpi ne, %rem3A_114, %ne3A_115 : i32
      %and3A_117 = arith.andi %ne3A_113, %ne3A_116 : i1
      %sub3A_118 = arith.constant 1 : i32
      %sub3A_119 = arith.subi %div3A_98, %sub3A_118 : i32
      %select_n3A_120 = arith.select %and3A_117, %sub3A_119, %div3A_98 : i32
      %mul3A_121 = arith.constant 8 : i32
      %mul3A_122 = arith.muli %select_n3A_120, %mul3A_121 : i32
      %sub3A_123 = arith.subi %while3A_78, %mul3A_122 : i32
      %jit3A_124 = arith.constant 2 : i32
      %eq3A_125 = arith.constant 0 : i32
      %eq3A_126 = arith.cmpi eq, %jit3A_124, %eq3A_125 : i32
      %jit3A_127 = arith.constant 1 : i32
      %select_n3A_128 = arith.select %eq3A_126, %jit3A_127, %jit3A_124 : i32
      %rem3A_129 = arith.remsi %select_n3A_120, %select_n3A_128 : i32
      %ne3A_130 = arith.constant 0 : i32
      %ne3A_131 = arith.cmpi ne, %rem3A_129, %ne3A_130 : i32
      %lt3A_132 = arith.constant 0 : i32
      %lt3A_133 = arith.cmpi slt, %rem3A_129, %lt3A_132 : i32
      %lt3A_134 = arith.constant 0 : i32
      %lt3A_135 = arith.cmpi slt, %select_n3A_128, %lt3A_134 : i32
      %ne3A_136 = arith.xori %lt3A_133, %lt3A_135 : i1
      %and3A_137 = arith.andi %ne3A_136, %ne3A_131 : i1
      %add3A_138 = arith.addi %rem3A_129, %select_n3A_128 : i32
      %select_n3A_139 = arith.select %and3A_137, %add3A_138, %rem3A_129 : i32
      %mul3A_140 = arith.constant 8 : i32
      %mul3A_141 = arith.muli %select_n3A_139, %mul3A_140 : i32
      %dma_wait3A_142 = arith.constant 0 : i32
      %dma_wait3A_143 = arith.constant 0 : i32
      %dma_wait3A_144 = tpu.memref_slice %arg8[%mul3A_96, %dma_wait3A_143] : memref<256x128xf32, #tpu.memory_space<vmem>> -> memref<128x128xf32, #tpu.memory_space<vmem>>
      %dma_wait3A_145 = arith.constant 0 : i32
      %dma_wait3A_146 = tpu.memref_slice %arg6[%dma_wait3A_142, %dma_wait3A_145] : memref<16x128xi32, #tpu.memory_space<vmem>> -> memref<1x128xi32, #tpu.memory_space<vmem>>
      %dma_wait3A_147 = tpu.memref_squeeze %dma_wait3A_146 : memref<1x128xi32, #tpu.memory_space<vmem>> -> memref<128xi32, #tpu.memory_space<vmem>>
      %dma_wait3A_148 = arith.constant 0 : i32
      %dma_wait3A_149 = arith.constant 0 : i32
      %dma_wait3A_150 = tpu.memref_slice %arg2[%dma_wait3A_148, %dma_wait3A_149] : memref<10000x128xf32, #tpu.memory_space<hbm>> -> memref<10000x128xf32, #tpu.memory_space<hbm>>
      tpu.wait_indirect_dma semaphore(%arg10 : memref<!tpu.dma_semaphore, #tpu.memory_space<semaphore_mem>>) src(%dma_wait3A_150 : memref<10000x128xf32, #tpu.memory_space<hbm>>) dst(%dma_wait3A_144 : memref<128x128xf32, #tpu.memory_space<vmem>>)
      %ge3A = arith.constant 1 : i32
      %ge3A_151 = arith.cmpi sge, %while3A_78, %ge3A : i32
      %convert_element_type3A = arith.extui %ge3A_151 : i1 to i32
      %cond3A = arith.constant 0 : i32
      %cond3A_152 = arith.cmpi ne, %convert_element_type3A, %cond3A : i32
      scf.if %cond3A_152 {
        %sub3A_187 = arith.constant 128 : i32
        %sub3A_188 = arith.subi %sub3A_187, %mul3A_96 : i32
        %dma_wait3A_189 = arith.constant 0 : i32
        %dma_wait3A_190 = arith.constant 0 : i32
        %dma_wait3A_191 = tpu.memref_slice %arg8[%sub3A_188, %dma_wait3A_190] : memref<256x128xf32, #tpu.memory_space<vmem>> -> memref<128x128xf32, #tpu.memory_space<vmem>>
        %dma_wait3A_192 = arith.constant 0 : i32
        %dma_wait3A_193 = tpu.memref_slice %arg7[%dma_wait3A_189, %dma_wait3A_192] : memref<16x128xi32, #tpu.memory_space<vmem>> -> memref<1x128xi32, #tpu.memory_space<vmem>>
        %dma_wait3A_194 = tpu.memref_squeeze %dma_wait3A_193 : memref<1x128xi32, #tpu.memory_space<vmem>> -> memref<128xi32, #tpu.memory_space<vmem>>
        %dma_wait3A_195 = arith.constant 0 : i32
        %dma_wait3A_196 = arith.constant 0 : i32
        %dma_wait3A_197 = tpu.memref_slice %arg9[%dma_wait3A_195, %dma_wait3A_196] : memref<10240x128xf32, #tpu.memory_space<vmem_shared>> -> memref<10240x128xf32, #tpu.memory_space<vmem_shared>>
        tpu.wait_indirect_dma semaphore(%arg11 : memref<!tpu.dma_semaphore, #tpu.memory_space<semaphore_mem>>) src(%dma_wait3A_191 : memref<128x128xf32, #tpu.memory_space<vmem>>) dst(%dma_wait3A_197 : memref<10240x128xf32, #tpu.memory_space<vmem_shared>>)
      } else {
      }
      %eq3A_153 = arith.constant 0 : i32
      %eq3A_154 = arith.cmpi eq, %sub3A_123, %eq3A_153 : i32
      %add3A_155 = arith.constant 1 : i32
      %add3A_156 = arith.addi %select_n3A_120, %add3A_155 : i32
      %lt3A_157 = arith.cmpi slt, %add3A_156, %select_n3A_26 : i32
      %and3A_158 = arith.andi %eq3A_154, %lt3A_157 : i1
      %convert_element_type3A_159 = arith.extui %and3A_158 : i1 to i32
      %cond3A_160 = arith.constant 0 : i32
      %cond3A_161 = arith.cmpi ne, %convert_element_type3A_159, %cond3A_160 : i32
      scf.if %cond3A_161 {
        %add3A_187 = arith.constant 1 : i32
        %add3A_188 = arith.addi %select_n3A_120, %add3A_187 : i32
        %mul3A_189 = arith.constant 8 : i32
        %mul3A_190 = arith.muli %add3A_188, %mul3A_189 : i32
        %add3A_191 = arith.addi %select_n3A_8, %mul3A_190 : i32
        %sub3A_192 = arith.constant 8 : i32
        %sub3A_193 = arith.subi %sub3A_192, %mul3A_141 : i32
        %dma_start3A_194 = arith.constant 0 : i32
        %dma_start3A_195 = tpu.memref_slice %arg6[%sub3A_193, %dma_start3A_194] : memref<16x128xi32, #tpu.memory_space<vmem>> -> memref<8x128xi32, #tpu.memory_space<vmem>>
        %dma_start3A_196 = arith.constant 0 : i32
        %dma_start3A_197 = tpu.memref_slice %arg3[%add3A_191, %dma_start3A_196] : memref<2560x128xi32, #tpu.memory_space<hbm>> -> memref<8x128xi32, #tpu.memory_space<hbm>>
        %dma_start3A_198 = arith.constant 0 : i32
        %dma_start3A_199 = tpu.memref_slice %arg6[%sub3A_193, %dma_start3A_198] : memref<16x128xi32, #tpu.memory_space<vmem>> -> memref<8x128xi32, #tpu.memory_space<vmem>>
        %dma_start3A_200 = arith.constant 0 : i32
        %dma_start3A_201 = tpu.memref_slice %arg3[%add3A_191, %dma_start3A_200] : memref<2560x128xi32, #tpu.memory_space<hbm>> -> memref<8x128xi32, #tpu.memory_space<hbm>>
        tpu.enqueue_dma source(%dma_start3A_201 : memref<8x128xi32, #tpu.memory_space<hbm>>) target(%dma_start3A_199 : memref<8x128xi32, #tpu.memory_space<vmem>>) target_semaphore(%arg12 : memref<!tpu.dma_semaphore, #tpu.memory_space<semaphore_mem>>)
        %add3A_202 = arith.constant 1 : i32
        %add3A_203 = arith.addi %select_n3A_120, %add3A_202 : i32
        %mul3A_204 = arith.constant 8 : i32
        %mul3A_205 = arith.muli %add3A_203, %mul3A_204 : i32
        %add3A_206 = arith.addi %select_n3A_8, %mul3A_205 : i32
        %sub3A_207 = arith.constant 8 : i32
        %sub3A_208 = arith.subi %sub3A_207, %mul3A_141 : i32
        %dma_start3A_209 = arith.constant 0 : i32
        %dma_start3A_210 = tpu.memref_slice %arg7[%sub3A_208, %dma_start3A_209] : memref<16x128xi32, #tpu.memory_space<vmem>> -> memref<8x128xi32, #tpu.memory_space<vmem>>
        %dma_start3A_211 = arith.constant 0 : i32
        %dma_start3A_212 = tpu.memref_slice %arg4[%add3A_206, %dma_start3A_211] : memref<2560x128xi32, #tpu.memory_space<hbm>> -> memref<8x128xi32, #tpu.memory_space<hbm>>
        %dma_start3A_213 = arith.constant 0 : i32
        %dma_start3A_214 = tpu.memref_slice %arg7[%sub3A_208, %dma_start3A_213] : memref<16x128xi32, #tpu.memory_space<vmem>> -> memref<8x128xi32, #tpu.memory_space<vmem>>
        %dma_start3A_215 = arith.constant 0 : i32
        %dma_start3A_216 = tpu.memref_slice %arg4[%add3A_206, %dma_start3A_215] : memref<2560x128xi32, #tpu.memory_space<hbm>> -> memref<8x128xi32, #tpu.memory_space<hbm>>
        tpu.enqueue_dma source(%dma_start3A_216 : memref<8x128xi32, #tpu.memory_space<hbm>>) target(%dma_start3A_214 : memref<8x128xi32, #tpu.memory_space<vmem>>) target_semaphore(%arg12 : memref<!tpu.dma_semaphore, #tpu.memory_space<semaphore_mem>>)
      } else {
      }
      %eq3A_162 = arith.constant 7 : i32
      %eq3A_163 = arith.cmpi eq, %sub3A_123, %eq3A_162 : i32
      %add3A_164 = arith.constant 1 : i32
      %add3A_165 = arith.addi %while3A_78, %add3A_164 : i32
      %lt3A_166 = arith.cmpi slt, %add3A_165, %select_n3A : i32
      %and3A_167 = arith.andi %eq3A_163, %lt3A_166 : i1
      %convert_element_type3A_168 = arith.extui %and3A_167 : i1 to i32
      %cond3A_169 = arith.constant 0 : i32
      %cond3A_170 = arith.cmpi ne, %convert_element_type3A_168, %cond3A_169 : i32
      scf.if %cond3A_170 {
        %dma_wait3A_187 = arith.constant 0 : i32
        %dma_wait3A_188 = arith.constant 0 : i32
        %dma_wait3A_189 = tpu.memref_slice %arg6[%dma_wait3A_187, %dma_wait3A_188] : memref<16x128xi32, #tpu.memory_space<vmem>> -> memref<8x128xi32, #tpu.memory_space<vmem>>
        %dma_wait3A_190 = arith.constant 0 : i32
        %dma_wait3A_191 = tpu.memref_slice %arg3[%select_n3A_8, %dma_wait3A_190] : memref<2560x128xi32, #tpu.memory_space<hbm>> -> memref<8x128xi32, #tpu.memory_space<hbm>>
        %dma_wait3A_192 = arith.constant 0 : i32
        %dma_wait3A_193 = arith.constant 0 : i32
        %dma_wait3A_194 = tpu.memref_slice %arg6[%dma_wait3A_192, %dma_wait3A_193] : memref<16x128xi32, #tpu.memory_space<vmem>> -> memref<8x128xi32, #tpu.memory_space<vmem>>
        %dma_wait3A_195 = arith.constant 0 : i32
        %dma_wait3A_196 = tpu.memref_slice %arg3[%select_n3A_8, %dma_wait3A_195] : memref<2560x128xi32, #tpu.memory_space<hbm>> -> memref<8x128xi32, #tpu.memory_space<hbm>>
        tpu.wait_dma2 semaphore(%arg12 : memref<!tpu.dma_semaphore, #tpu.memory_space<semaphore_mem>>) src(%dma_wait3A_196 : memref<8x128xi32, #tpu.memory_space<hbm>>) dst(%dma_wait3A_194 : memref<8x128xi32, #tpu.memory_space<vmem>>)
        %dma_wait3A_197 = arith.constant 0 : i32
        %dma_wait3A_198 = arith.constant 0 : i32
        %dma_wait3A_199 = tpu.memref_slice %arg7[%dma_wait3A_197, %dma_wait3A_198] : memref<16x128xi32, #tpu.memory_space<vmem>> -> memref<8x128xi32, #tpu.memory_space<vmem>>
        %dma_wait3A_200 = arith.constant 0 : i32
        %dma_wait3A_201 = tpu.memref_slice %arg4[%select_n3A_8, %dma_wait3A_200] : memref<2560x128xi32, #tpu.memory_space<hbm>> -> memref<8x128xi32, #tpu.memory_space<hbm>>
        %dma_wait3A_202 = arith.constant 0 : i32
        %dma_wait3A_203 = arith.constant 0 : i32
        %dma_wait3A_204 = tpu.memref_slice %arg7[%dma_wait3A_202, %dma_wait3A_203] : memref<16x128xi32, #tpu.memory_space<vmem>> -> memref<8x128xi32, #tpu.memory_space<vmem>>
        %dma_wait3A_205 = arith.constant 0 : i32
        %dma_wait3A_206 = tpu.memref_slice %arg4[%select_n3A_8, %dma_wait3A_205] : memref<2560x128xi32, #tpu.memory_space<hbm>> -> memref<8x128xi32, #tpu.memory_space<hbm>>
        tpu.wait_dma2 semaphore(%arg12 : memref<!tpu.dma_semaphore, #tpu.memory_space<semaphore_mem>>) src(%dma_wait3A_206 : memref<8x128xi32, #tpu.memory_space<hbm>>) dst(%dma_wait3A_204 : memref<8x128xi32, #tpu.memory_space<vmem>>)
      } else {
      }
      %add3A_171 = arith.constant 1 : i32
      %add3A_172 = arith.addi %while3A_78, %add3A_171 : i32
      %lt3A_173 = arith.cmpi slt, %add3A_172, %select_n3A : i32
      %convert_element_type3A_174 = arith.extui %lt3A_173 : i1 to i32
      %cond3A_175 = arith.constant 0 : i32
      %cond3A_176 = arith.cmpi ne, %convert_element_type3A_174, %cond3A_175 : i32
      scf.if %cond3A_176 {
        %add3A_187 = arith.constant 1 : i32
        %add3A_188 = arith.addi %while3A_78, %add3A_187 : i32
        %jit3A_189 = arith.constant 8 : i32
        %div3A_190 = arith.divsi %add3A_188, %jit3A_189 : i32
        %sign3A_191 = arith.constant 0 : i32
        %sign3A_192 = arith.cmpi sgt, %add3A_188, %sign3A_191 : i32
        %sign3A_193 = arith.extui %sign3A_192 : i1 to i32
        %sign3A_194 = arith.constant 0 : i32
        %sign3A_195 = arith.cmpi slt, %add3A_188, %sign3A_194 : i32
        %sign3A_196 = arith.extui %sign3A_195 : i1 to i32
        %sign3A_197 = arith.subi %sign3A_193, %sign3A_196 : i32
        %sign3A_198 = arith.constant 0 : i32
        %sign3A_199 = arith.cmpi sgt, %jit3A_189, %sign3A_198 : i32
        %sign3A_200 = arith.extui %sign3A_199 : i1 to i32
        %sign3A_201 = arith.constant 0 : i32
        %sign3A_202 = arith.cmpi slt, %jit3A_189, %sign3A_201 : i32
        %sign3A_203 = arith.extui %sign3A_202 : i1 to i32
        %sign3A_204 = arith.subi %sign3A_200, %sign3A_203 : i32
        %ne3A_205 = arith.cmpi ne, %sign3A_197, %sign3A_204 : i32
        %rem3A_206 = arith.remsi %add3A_188, %jit3A_189 : i32
        %ne3A_207 = arith.constant 0 : i32
        %ne3A_208 = arith.cmpi ne, %rem3A_206, %ne3A_207 : i32
        %and3A_209 = arith.andi %ne3A_205, %ne3A_208 : i1
        %sub3A_210 = arith.constant 1 : i32
        %sub3A_211 = arith.subi %div3A_190, %sub3A_210 : i32
        %select_n3A_212 = arith.select %and3A_209, %sub3A_211, %div3A_190 : i32
        %jit3A_213 = arith.constant 2 : i32
        %eq3A_214 = arith.constant 0 : i32
        %eq3A_215 = arith.cmpi eq, %jit3A_213, %eq3A_214 : i32
        %jit3A_216 = arith.constant 1 : i32
        %select_n3A_217 = arith.select %eq3A_215, %jit3A_216, %jit3A_213 : i32
        %rem3A_218 = arith.remsi %select_n3A_212, %select_n3A_217 : i32
        %ne3A_219 = arith.constant 0 : i32
        %ne3A_220 = arith.cmpi ne, %rem3A_218, %ne3A_219 : i32
        %lt3A_221 = arith.constant 0 : i32
        %lt3A_222 = arith.cmpi slt, %rem3A_218, %lt3A_221 : i32
        %lt3A_223 = arith.constant 0 : i32
        %lt3A_224 = arith.cmpi slt, %select_n3A_217, %lt3A_223 : i32
        %ne3A_225 = arith.xori %lt3A_222, %lt3A_224 : i1
        %and3A_226 = arith.andi %ne3A_225, %ne3A_220 : i1
        %add3A_227 = arith.addi %rem3A_218, %select_n3A_217 : i32
        %select_n3A_228 = arith.select %and3A_226, %add3A_227, %rem3A_218 : i32
        %mul3A_229 = arith.constant 8 : i32
        %mul3A_230 = arith.muli %select_n3A_228, %mul3A_229 : i32
        %add3A_231 = arith.constant 1 : i32
        %add3A_232 = arith.addi %while3A_78, %add3A_231 : i32
        %mul3A_233 = arith.constant 8 : i32
        %mul3A_234 = arith.muli %select_n3A_212, %mul3A_233 : i32
        %sub3A_235 = arith.subi %add3A_232, %mul3A_234 : i32
        %add3A_236 = arith.addi %mul3A_230, %sub3A_235 : i32
        %sub3A_237 = arith.constant 128 : i32
        %sub3A_238 = arith.subi %sub3A_237, %mul3A_96 : i32
        %dma_start3A_239 = arith.constant 0 : i32
        %dma_start3A_240 = tpu.memref_slice %arg8[%sub3A_238, %dma_start3A_239] : memref<256x128xf32, #tpu.memory_space<vmem>> -> memref<128x128xf32, #tpu.memory_space<vmem>>
        %dma_start3A_241 = arith.constant 0 : i32
        %dma_start3A_242 = tpu.memref_slice %arg6[%add3A_236, %dma_start3A_241] : memref<16x128xi32, #tpu.memory_space<vmem>> -> memref<1x128xi32, #tpu.memory_space<vmem>>
        %dma_start3A_243 = tpu.memref_squeeze %dma_start3A_242 : memref<1x128xi32, #tpu.memory_space<vmem>> -> memref<128xi32, #tpu.memory_space<vmem>>
        %dma_start3A_244 = arith.constant 0 : i32
        %dma_start3A_245 = arith.constant 0 : i32
        %dma_start3A_246 = tpu.memref_slice %arg2[%dma_start3A_244, %dma_start3A_245] : memref<10000x128xf32, #tpu.memory_space<hbm>> -> memref<10000x128xf32, #tpu.memory_space<hbm>>
        tpu.enqueue_indirect_dma source(%dma_start3A_246 : memref<10000x128xf32, #tpu.memory_space<hbm>>) target(%dma_start3A_240 : memref<128x128xf32, #tpu.memory_space<vmem>>) offsets(%dma_start3A_243 : memref<128xi32, #tpu.memory_space<vmem>>) semaphore(%arg10 : memref<!tpu.dma_semaphore, #tpu.memory_space<semaphore_mem>>)
      } else {
      }
      %add3A_177 = arith.addi %mul3A_141, %sub3A_123 : i32
      %dma_start3A_178 = arith.constant 0 : i32
      %dma_start3A_179 = tpu.memref_slice %arg8[%mul3A_96, %dma_start3A_178] : memref<256x128xf32, #tpu.memory_space<vmem>> -> memref<128x128xf32, #tpu.memory_space<vmem>>
      %dma_start3A_180 = arith.constant 0 : i32
      %dma_start3A_181 = tpu.memref_slice %arg7[%add3A_177, %dma_start3A_180] : memref<16x128xi32, #tpu.memory_space<vmem>> -> memref<1x128xi32, #tpu.memory_space<vmem>>
      %dma_start3A_182 = tpu.memref_squeeze %dma_start3A_181 : memref<1x128xi32, #tpu.memory_space<vmem>> -> memref<128xi32, #tpu.memory_space<vmem>>
      %dma_start3A_183 = arith.constant 0 : i32
      %dma_start3A_184 = arith.constant 0 : i32
      %dma_start3A_185 = tpu.memref_slice %arg9[%dma_start3A_183, %dma_start3A_184] : memref<10240x128xf32, #tpu.memory_space<vmem_shared>> -> memref<10240x128xf32, #tpu.memory_space<vmem_shared>>
      tpu.enqueue_indirect_dma source(%dma_start3A_179 : memref<128x128xf32, #tpu.memory_space<vmem>>) target(%dma_start3A_185 : memref<10240x128xf32, #tpu.memory_space<vmem_shared>>) offsets(%dma_start3A_182 : memref<128xi32, #tpu.memory_space<vmem>>) semaphore(%arg11 : memref<!tpu.dma_semaphore, #tpu.memory_space<semaphore_mem>>) {add = true}
      %while3A_186 = arith.constant 0 : i32
      scf.yield %while3A_186 : i32
    }
    %while3A_59 = arith.constant 1 : i32
    %while3A_60 = scf.for %while3A_78 = %while3A_56 to %while3A_52 step %while3A_59 iter_args(%while3A_79 = %while3A_58) -> (i32)  : i32 {
      %jit3A_80 = arith.constant 2 : i32
      %eq3A_81 = arith.constant 0 : i32
      %eq3A_82 = arith.cmpi eq, %jit3A_80, %eq3A_81 : i32
      %jit3A_83 = arith.constant 1 : i32
      %select_n3A_84 = arith.select %eq3A_82, %jit3A_83, %jit3A_80 : i32
      %rem3A_85 = arith.remsi %while3A_78, %select_n3A_84 : i32
      %ne3A_86 = arith.constant 0 : i32
      %ne3A_87 = arith.cmpi ne, %rem3A_85, %ne3A_86 : i32
      %lt3A = arith.constant 0 : i32
      %lt3A_88 = arith.cmpi slt, %rem3A_85, %lt3A : i32
      %lt3A_89 = arith.constant 0 : i32
      %lt3A_90 = arith.cmpi slt, %select_n3A_84, %lt3A_89 : i32
      %ne3A_91 = arith.xori %lt3A_88, %lt3A_90 : i1
      %and3A_92 = arith.andi %ne3A_91, %ne3A_87 : i1
      %add3A_93 = arith.addi %rem3A_85, %select_n3A_84 : i32
      %select_n3A_94 = arith.select %and3A_92, %add3A_93, %rem3A_85 : i32
      %mul3A_95 = arith.constant 128 : i32
      %mul3A_96 = arith.muli %select_n3A_94, %mul3A_95 : i32
      %jit3A_97 = arith.constant 8 : i32
      %div3A_98 = arith.divsi %while3A_78, %jit3A_97 : i32
      %sign3A_99 = arith.constant 0 : i32
      %sign3A_100 = arith.cmpi sgt, %while3A_78, %sign3A_99 : i32
      %sign3A_101 = arith.extui %sign3A_100 : i1 to i32
      %sign3A_102 = arith.constant 0 : i32
      %sign3A_103 = arith.cmpi slt, %while3A_78, %sign3A_102 : i32
      %sign3A_104 = arith.extui %sign3A_103 : i1 to i32
      %sign3A_105 = arith.subi %sign3A_101, %sign3A_104 : i32
      %sign3A_106 = arith.constant 0 : i32
      %sign3A_107 = arith.cmpi sgt, %jit3A_97, %sign3A_106 : i32
      %sign3A_108 = arith.extui %sign3A_107 : i1 to i32
      %sign3A_109 = arith.constant 0 : i32
      %sign3A_110 = arith.cmpi slt, %jit3A_97, %sign3A_109 : i32
      %sign3A_111 = arith.extui %sign3A_110 : i1 to i32
      %sign3A_112 = arith.subi %sign3A_108, %sign3A_111 : i32
      %ne3A_113 = arith.cmpi ne, %sign3A_105, %sign3A_112 : i32
      %rem3A_114 = arith.remsi %while3A_78, %jit3A_97 : i32
      %ne3A_115 = arith.constant 0 : i32
      %ne3A_116 = arith.cmpi ne, %rem3A_114, %ne3A_115 : i32
      %and3A_117 = arith.andi %ne3A_113, %ne3A_116 : i1
      %sub3A_118 = arith.constant 1 : i32
      %sub3A_119 = arith.subi %div3A_98, %sub3A_118 : i32
      %select_n3A_120 = arith.select %and3A_117, %sub3A_119, %div3A_98 : i32
      %mul3A_121 = arith.constant 8 : i32
      %mul3A_122 = arith.muli %select_n3A_120, %mul3A_121 : i32
      %sub3A_123 = arith.subi %while3A_78, %mul3A_122 : i32
      %jit3A_124 = arith.constant 2 : i32
      %eq3A_125 = arith.constant 0 : i32
      %eq3A_126 = arith.cmpi eq, %jit3A_124, %eq3A_125 : i32
      %jit3A_127 = arith.constant 1 : i32
      %select_n3A_128 = arith.select %eq3A_126, %jit3A_127, %jit3A_124 : i32
      %rem3A_129 = arith.remsi %select_n3A_120, %select_n3A_128 : i32
      %ne3A_130 = arith.constant 0 : i32
      %ne3A_131 = arith.cmpi ne, %rem3A_129, %ne3A_130 : i32
      %lt3A_132 = arith.constant 0 : i32
      %lt3A_133 = arith.cmpi slt, %rem3A_129, %lt3A_132 : i32
      %lt3A_134 = arith.constant 0 : i32
      %lt3A_135 = arith.cmpi slt, %select_n3A_128, %lt3A_134 : i32
      %ne3A_136 = arith.xori %lt3A_133, %lt3A_135 : i1
      %and3A_137 = arith.andi %ne3A_136, %ne3A_131 : i1
      %add3A_138 = arith.addi %rem3A_129, %select_n3A_128 : i32
      %select_n3A_139 = arith.select %and3A_137, %add3A_138, %rem3A_129 : i32
      %mul3A_140 = arith.constant 8 : i32
      %mul3A_141 = arith.muli %select_n3A_139, %mul3A_140 : i32
      %dma_wait3A_142 = arith.constant 0 : i32
      %dma_wait3A_143 = arith.constant 0 : i32
      %dma_wait3A_144 = tpu.memref_slice %arg8[%mul3A_96, %dma_wait3A_143] : memref<256x128xf32, #tpu.memory_space<vmem>> -> memref<128x128xf32, #tpu.memory_space<vmem>>
      %dma_wait3A_145 = arith.constant 0 : i32
      %dma_wait3A_146 = tpu.memref_slice %arg6[%dma_wait3A_142, %dma_wait3A_145] : memref<16x128xi32, #tpu.memory_space<vmem>> -> memref<1x128xi32, #tpu.memory_space<vmem>>
      %dma_wait3A_147 = tpu.memref_squeeze %dma_wait3A_146 : memref<1x128xi32, #tpu.memory_space<vmem>> -> memref<128xi32, #tpu.memory_space<vmem>>
      %dma_wait3A_148 = arith.constant 0 : i32
      %dma_wait3A_149 = arith.constant 0 : i32
      %dma_wait3A_150 = tpu.memref_slice %arg2[%dma_wait3A_148, %dma_wait3A_149] : memref<10000x128xf32, #tpu.memory_space<hbm>> -> memref<10000x128xf32, #tpu.memory_space<hbm>>
      tpu.wait_indirect_dma semaphore(%arg10 : memref<!tpu.dma_semaphore, #tpu.memory_space<semaphore_mem>>) src(%dma_wait3A_150 : memref<10000x128xf32, #tpu.memory_space<hbm>>) dst(%dma_wait3A_144 : memref<128x128xf32, #tpu.memory_space<vmem>>)
      %ge3A = arith.constant 1 : i32
      %ge3A_151 = arith.cmpi sge, %while3A_78, %ge3A : i32
      %convert_element_type3A = arith.extui %ge3A_151 : i1 to i32
      %cond3A = arith.constant 0 : i32
      %cond3A_152 = arith.cmpi ne, %convert_element_type3A, %cond3A : i32
      scf.if %cond3A_152 {
        %sub3A_187 = arith.constant 128 : i32
        %sub3A_188 = arith.subi %sub3A_187, %mul3A_96 : i32
        %dma_wait3A_189 = arith.constant 0 : i32
        %dma_wait3A_190 = arith.constant 0 : i32
        %dma_wait3A_191 = tpu.memref_slice %arg8[%sub3A_188, %dma_wait3A_190] : memref<256x128xf32, #tpu.memory_space<vmem>> -> memref<128x128xf32, #tpu.memory_space<vmem>>
        %dma_wait3A_192 = arith.constant 0 : i32
        %dma_wait3A_193 = tpu.memref_slice %arg7[%dma_wait3A_189, %dma_wait3A_192] : memref<16x128xi32, #tpu.memory_space<vmem>> -> memref<1x128xi32, #tpu.memory_space<vmem>>
        %dma_wait3A_194 = tpu.memref_squeeze %dma_wait3A_193 : memref<1x128xi32, #tpu.memory_space<vmem>> -> memref<128xi32, #tpu.memory_space<vmem>>
        %dma_wait3A_195 = arith.constant 0 : i32
        %dma_wait3A_196 = arith.constant 0 : i32
        %dma_wait3A_197 = tpu.memref_slice %arg9[%dma_wait3A_195, %dma_wait3A_196] : memref<10240x128xf32, #tpu.memory_space<vmem_shared>> -> memref<10240x128xf32, #tpu.memory_space<vmem_shared>>
        tpu.wait_indirect_dma semaphore(%arg11 : memref<!tpu.dma_semaphore, #tpu.memory_space<semaphore_mem>>) src(%dma_wait3A_191 : memref<128x128xf32, #tpu.memory_space<vmem>>) dst(%dma_wait3A_197 : memref<10240x128xf32, #tpu.memory_space<vmem_shared>>)
      } else {
      }
      %eq3A_153 = arith.constant 0 : i32
      %eq3A_154 = arith.cmpi eq, %sub3A_123, %eq3A_153 : i32
      %add3A_155 = arith.constant 1 : i32
      %add3A_156 = arith.addi %select_n3A_120, %add3A_155 : i32
      %lt3A_157 = arith.cmpi slt, %add3A_156, %select_n3A_26 : i32
      %and3A_158 = arith.andi %eq3A_154, %lt3A_157 : i1
      %convert_element_type3A_159 = arith.extui %and3A_158 : i1 to i32
      %cond3A_160 = arith.constant 0 : i32
      %cond3A_161 = arith.cmpi ne, %convert_element_type3A_159, %cond3A_160 : i32
      scf.if %cond3A_161 {
        %add3A_187 = arith.constant 1 : i32
        %add3A_188 = arith.addi %select_n3A_120, %add3A_187 : i32
        %mul3A_189 = arith.constant 8 : i32
        %mul3A_190 = arith.muli %add3A_188, %mul3A_189 : i32
        %add3A_191 = arith.addi %select_n3A_8, %mul3A_190 : i32
        %sub3A_192 = arith.constant 8 : i32
        %sub3A_193 = arith.subi %sub3A_192, %mul3A_141 : i32
        %dma_start3A_194 = arith.constant 0 : i32
        %dma_start3A_195 = tpu.memref_slice %arg6[%sub3A_193, %dma_start3A_194] : memref<16x128xi32, #tpu.memory_space<vmem>> -> memref<8x128xi32, #tpu.memory_space<vmem>>
        %dma_start3A_196 = arith.constant 0 : i32
        %dma_start3A_197 = tpu.memref_slice %arg3[%add3A_191, %dma_start3A_196] : memref<2560x128xi32, #tpu.memory_space<hbm>> -> memref<8x128xi32, #tpu.memory_space<hbm>>
        %dma_start3A_198 = arith.constant 0 : i32
        %dma_start3A_199 = tpu.memref_slice %arg6[%sub3A_193, %dma_start3A_198] : memref<16x128xi32, #tpu.memory_space<vmem>> -> memref<8x128xi32, #tpu.memory_space<vmem>>
        %dma_start3A_200 = arith.constant 0 : i32
        %dma_start3A_201 = tpu.memref_slice %arg3[%add3A_191, %dma_start3A_200] : memref<2560x128xi32, #tpu.memory_space<hbm>> -> memref<8x128xi32, #tpu.memory_space<hbm>>
        tpu.enqueue_dma source(%dma_start3A_201 : memref<8x128xi32, #tpu.memory_space<hbm>>) target(%dma_start3A_199 : memref<8x128xi32, #tpu.memory_space<vmem>>) target_semaphore(%arg12 : memref<!tpu.dma_semaphore, #tpu.memory_space<semaphore_mem>>)
        %add3A_202 = arith.constant 1 : i32
        %add3A_203 = arith.addi %select_n3A_120, %add3A_202 : i32
        %mul3A_204 = arith.constant 8 : i32
        %mul3A_205 = arith.muli %add3A_203, %mul3A_204 : i32
        %add3A_206 = arith.addi %select_n3A_8, %mul3A_205 : i32
        %sub3A_207 = arith.constant 8 : i32
        %sub3A_208 = arith.subi %sub3A_207, %mul3A_141 : i32
        %dma_start3A_209 = arith.constant 0 : i32
        %dma_start3A_210 = tpu.memref_slice %arg7[%sub3A_208, %dma_start3A_209] : memref<16x128xi32, #tpu.memory_space<vmem>> -> memref<8x128xi32, #tpu.memory_space<vmem>>
        %dma_start3A_211 = arith.constant 0 : i32
        %dma_start3A_212 = tpu.memref_slice %arg4[%add3A_206, %dma_start3A_211] : memref<2560x128xi32, #tpu.memory_space<hbm>> -> memref<8x128xi32, #tpu.memory_space<hbm>>
        %dma_start3A_213 = arith.constant 0 : i32
        %dma_start3A_214 = tpu.memref_slice %arg7[%sub3A_208, %dma_start3A_213] : memref<16x128xi32, #tpu.memory_space<vmem>> -> memref<8x128xi32, #tpu.memory_space<vmem>>
        %dma_start3A_215 = arith.constant 0 : i32
        %dma_start3A_216 = tpu.memref_slice %arg4[%add3A_206, %dma_start3A_215] : memref<2560x128xi32, #tpu.memory_space<hbm>> -> memref<8x128xi32, #tpu.memory_space<hbm>>
        tpu.enqueue_dma source(%dma_start3A_216 : memref<8x128xi32, #tpu.memory_space<hbm>>) target(%dma_start3A_214 : memref<8x128xi32, #tpu.memory_space<vmem>>) target_semaphore(%arg12 : memref<!tpu.dma_semaphore, #tpu.memory_space<semaphore_mem>>)
      } else {
      }
      %eq3A_162 = arith.constant 7 : i32
      %eq3A_163 = arith.cmpi eq, %sub3A_123, %eq3A_162 : i32
      %add3A_164 = arith.constant 1 : i32
      %add3A_165 = arith.addi %while3A_78, %add3A_164 : i32
      %lt3A_166 = arith.cmpi slt, %add3A_165, %select_n3A : i32
      %and3A_167 = arith.andi %eq3A_163, %lt3A_166 : i1
      %convert_element_type3A_168 = arith.extui %and3A_167 : i1 to i32
      %cond3A_169 = arith.constant 0 : i32
      %cond3A_170 = arith.cmpi ne, %convert_element_type3A_168, %cond3A_169 : i32
      scf.if %cond3A_170 {
        %dma_wait3A_187 = arith.constant 0 : i32
        %dma_wait3A_188 = arith.constant 0 : i32
        %dma_wait3A_189 = tpu.memref_slice %arg6[%dma_wait3A_187, %dma_wait3A_188] : memref<16x128xi32, #tpu.memory_space<vmem>> -> memref<8x128xi32, #tpu.memory_space<vmem>>
        %dma_wait3A_190 = arith.constant 0 : i32
        %dma_wait3A_191 = tpu.memref_slice %arg3[%select_n3A_8, %dma_wait3A_190] : memref<2560x128xi32, #tpu.memory_space<hbm>> -> memref<8x128xi32, #tpu.memory_space<hbm>>
        %dma_wait3A_192 = arith.constant 0 : i32
        %dma_wait3A_193 = arith.constant 0 : i32
        %dma_wait3A_194 = tpu.memref_slice %arg6[%dma_wait3A_192, %dma_wait3A_193] : memref<16x128xi32, #tpu.memory_space<vmem>> -> memref<8x128xi32, #tpu.memory_space<vmem>>
        %dma_wait3A_195 = arith.constant 0 : i32
        %dma_wait3A_196 = tpu.memref_slice %arg3[%select_n3A_8, %dma_wait3A_195] : memref<2560x128xi32, #tpu.memory_space<hbm>> -> memref<8x128xi32, #tpu.memory_space<hbm>>
        tpu.wait_dma2 semaphore(%arg12 : memref<!tpu.dma_semaphore, #tpu.memory_space<semaphore_mem>>) src(%dma_wait3A_196 : memref<8x128xi32, #tpu.memory_space<hbm>>) dst(%dma_wait3A_194 : memref<8x128xi32, #tpu.memory_space<vmem>>)
        %dma_wait3A_197 = arith.constant 0 : i32
        %dma_wait3A_198 = arith.constant 0 : i32
        %dma_wait3A_199 = tpu.memref_slice %arg7[%dma_wait3A_197, %dma_wait3A_198] : memref<16x128xi32, #tpu.memory_space<vmem>> -> memref<8x128xi32, #tpu.memory_space<vmem>>
        %dma_wait3A_200 = arith.constant 0 : i32
        %dma_wait3A_201 = tpu.memref_slice %arg4[%select_n3A_8, %dma_wait3A_200] : memref<2560x128xi32, #tpu.memory_space<hbm>> -> memref<8x128xi32, #tpu.memory_space<hbm>>
        %dma_wait3A_202 = arith.constant 0 : i32
        %dma_wait3A_203 = arith.constant 0 : i32
        %dma_wait3A_204 = tpu.memref_slice %arg7[%dma_wait3A_202, %dma_wait3A_203] : memref<16x128xi32, #tpu.memory_space<vmem>> -> memref<8x128xi32, #tpu.memory_space<vmem>>
        %dma_wait3A_205 = arith.constant 0 : i32
        %dma_wait3A_206 = tpu.memref_slice %arg4[%select_n3A_8, %dma_wait3A_205] : memref<2560x128xi32, #tpu.memory_space<hbm>> -> memref<8x128xi32, #tpu.memory_space<hbm>>
        tpu.wait_dma2 semaphore(%arg12 : memref<!tpu.dma_semaphore, #tpu.memory_space<semaphore_mem>>) src(%dma_wait3A_206 : memref<8x128xi32, #tpu.memory_space<hbm>>) dst(%dma_wait3A_204 : memref<8x128xi32, #tpu.memory_space<vmem>>)
      } else {
      }
      %add3A_171 = arith.constant 1 : i32
      %add3A_172 = arith.addi %while3A_78, %add3A_171 : i32
      %lt3A_173 = arith.cmpi slt, %add3A_172, %select_n3A : i32
      %convert_element_type3A_174 = arith.extui %lt3A_173 : i1 to i32
      %cond3A_175 = arith.constant 0 : i32
      %cond3A_176 = arith.cmpi ne, %convert_element_type3A_174, %cond3A_175 : i32
      scf.if %cond3A_176 {
        %add3A_187 = arith.constant 1 : i32
        %add3A_188 = arith.addi %while3A_78, %add3A_187 : i32
        %jit3A_189 = arith.constant 8 : i32
        %div3A_190 = arith.divsi %add3A_188, %jit3A_189 : i32
        %sign3A_191 = arith.constant 0 : i32
        %sign3A_192 = arith.cmpi sgt, %add3A_188, %sign3A_191 : i32
        %sign3A_193 = arith.extui %sign3A_192 : i1 to i32
        %sign3A_194 = arith.constant 0 : i32
        %sign3A_195 = arith.cmpi slt, %add3A_188, %sign3A_194 : i32
        %sign3A_196 = arith.extui %sign3A_195 : i1 to i32
        %sign3A_197 = arith.subi %sign3A_193, %sign3A_196 : i32
        %sign3A_198 = arith.constant 0 : i32
        %sign3A_199 = arith.cmpi sgt, %jit3A_189, %sign3A_198 : i32
        %sign3A_200 = arith.extui %sign3A_199 : i1 to i32
        %sign3A_201 = arith.constant 0 : i32
        %sign3A_202 = arith.cmpi slt, %jit3A_189, %sign3A_201 : i32
        %sign3A_203 = arith.extui %sign3A_202 : i1 to i32
        %sign3A_204 = arith.subi %sign3A_200, %sign3A_203 : i32
        %ne3A_205 = arith.cmpi ne, %sign3A_197, %sign3A_204 : i32
        %rem3A_206 = arith.remsi %add3A_188, %jit3A_189 : i32
        %ne3A_207 = arith.constant 0 : i32
        %ne3A_208 = arith.cmpi ne, %rem3A_206, %ne3A_207 : i32
        %and3A_209 = arith.andi %ne3A_205, %ne3A_208 : i1
        %sub3A_210 = arith.constant 1 : i32
        %sub3A_211 = arith.subi %div3A_190, %sub3A_210 : i32
        %select_n3A_212 = arith.select %and3A_209, %sub3A_211, %div3A_190 : i32
        %jit3A_213 = arith.constant 2 : i32
        %eq3A_214 = arith.constant 0 : i32
        %eq3A_215 = arith.cmpi eq, %jit3A_213, %eq3A_214 : i32
        %jit3A_216 = arith.constant 1 : i32
        %select_n3A_217 = arith.select %eq3A_215, %jit3A_216, %jit3A_213 : i32
        %rem3A_218 = arith.remsi %select_n3A_212, %select_n3A_217 : i32
        %ne3A_219 = arith.constant 0 : i32
        %ne3A_220 = arith.cmpi ne, %rem3A_218, %ne3A_219 : i32
        %lt3A_221 = arith.constant 0 : i32
        %lt3A_222 = arith.cmpi slt, %rem3A_218, %lt3A_221 : i32
        %lt3A_223 = arith.constant 0 : i32
        %lt3A_224 = arith.cmpi slt, %select_n3A_217, %lt3A_223 : i32
        %ne3A_225 = arith.xori %lt3A_222, %lt3A_224 : i1
        %and3A_226 = arith.andi %ne3A_225, %ne3A_220 : i1
        %add3A_227 = arith.addi %rem3A_218, %select_n3A_217 : i32
        %select_n3A_228 = arith.select %and3A_226, %add3A_227, %rem3A_218 : i32
        %mul3A_229 = arith.constant 8 : i32
        %mul3A_230 = arith.muli %select_n3A_228, %mul3A_229 : i32
        %add3A_231 = arith.constant 1 : i32
        %add3A_232 = arith.addi %while3A_78, %add3A_231 : i32
        %mul3A_233 = arith.constant 8 : i32
        %mul3A_234 = arith.muli %select_n3A_212, %mul3A_233 : i32
        %sub3A_235 = arith.subi %add3A_232, %mul3A_234 : i32
        %add3A_236 = arith.addi %mul3A_230, %sub3A_235 : i32
        %sub3A_237 = arith.constant 128 : i32
        %sub3A_238 = arith.subi %sub3A_237, %mul3A_96 : i32
        %dma_start3A_239 = arith.constant 0 : i32
        %dma_start3A_240 = tpu.memref_slice %arg8[%sub3A_238, %dma_start3A_239] : memref<256x128xf32, #tpu.memory_space<vmem>> -> memref<128x128xf32, #tpu.memory_space<vmem>>
        %dma_start3A_241 = arith.constant 0 : i32
        %dma_start3A_242 = tpu.memref_slice %arg6[%add3A_236, %dma_start3A_241] : memref<16x128xi32, #tpu.memory_space<vmem>> -> memref<1x128xi32, #tpu.memory_space<vmem>>
        %dma_start3A_243 = tpu.memref_squeeze %dma_start3A_242 : memref<1x128xi32, #tpu.memory_space<vmem>> -> memref<128xi32, #tpu.memory_space<vmem>>
        %dma_start3A_244 = arith.constant 0 : i32
        %dma_start3A_245 = arith.constant 0 : i32
        %dma_start3A_246 = tpu.memref_slice %arg2[%dma_start3A_244, %dma_start3A_245] : memref<10000x128xf32, #tpu.memory_space<hbm>> -> memref<10000x128xf32, #tpu.memory_space<hbm>>
        tpu.enqueue_indirect_dma source(%dma_start3A_246 : memref<10000x128xf32, #tpu.memory_space<hbm>>) target(%dma_start3A_240 : memref<128x128xf32, #tpu.memory_space<vmem>>) offsets(%dma_start3A_243 : memref<128xi32, #tpu.memory_space<vmem>>) semaphore(%arg10 : memref<!tpu.dma_semaphore, #tpu.memory_space<semaphore_mem>>)
      } else {
      }
      %add3A_177 = arith.addi %mul3A_141, %sub3A_123 : i32
      %dma_start3A_178 = arith.constant 0 : i32
      %dma_start3A_179 = tpu.memref_slice %arg8[%mul3A_96, %dma_start3A_178] : memref<256x128xf32, #tpu.memory_space<vmem>> -> memref<128x128xf32, #tpu.memory_space<vmem>>
      %dma_start3A_180 = arith.constant 0 : i32
      %dma_start3A_181 = tpu.memref_slice %arg7[%add3A_177, %dma_start3A_180] : memref<16x128xi32, #tpu.memory_space<vmem>> -> memref<1x128xi32, #tpu.memory_space<vmem>>
      %dma_start3A_182 = tpu.memref_squeeze %dma_start3A_181 : memref<1x128xi32, #tpu.memory_space<vmem>> -> memref<128xi32, #tpu.memory_space<vmem>>
      %dma_start3A_183 = arith.constant 0 : i32
      %dma_start3A_184 = arith.constant 0 : i32
      %dma_start3A_185 = tpu.memref_slice %arg9[%dma_start3A_183, %dma_start3A_184] : memref<10240x128xf32, #tpu.memory_space<vmem_shared>> -> memref<10240x128xf32, #tpu.memory_space<vmem_shared>>
      tpu.enqueue_indirect_dma source(%dma_start3A_179 : memref<128x128xf32, #tpu.memory_space<vmem>>) target(%dma_start3A_185 : memref<10240x128xf32, #tpu.memory_space<vmem_shared>>) offsets(%dma_start3A_182 : memref<128xi32, #tpu.memory_space<vmem>>) semaphore(%arg11 : memref<!tpu.dma_semaphore, #tpu.memory_space<semaphore_mem>>) {add = true}
      %while3A_186 = arith.constant 0 : i32
      scf.yield %while3A_186 : i32
    }
    %dma_wait3A = arith.constant 0 : i32
    %dma_wait3A_61 = arith.constant 128 : i32
    %dma_wait3A_62 = arith.constant 0 : i32
    %dma_wait3A_63 = tpu.memref_slice %arg8[%dma_wait3A_61, %dma_wait3A_62] : memref<256x128xf32, #tpu.memory_space<vmem>> -> memref<128x128xf32, #tpu.memory_space<vmem>>
    %dma_wait3A_64 = arith.constant 0 : i32
    %dma_wait3A_65 = tpu.memref_slice %arg7[%dma_wait3A, %dma_wait3A_64] : memref<16x128xi32, #tpu.memory_space<vmem>> -> memref<1x128xi32, #tpu.memory_space<vmem>>
    %dma_wait3A_66 = tpu.memref_squeeze %dma_wait3A_65 : memref<1x128xi32, #tpu.memory_space<vmem>> -> memref<128xi32, #tpu.memory_space<vmem>>
    %dma_wait3A_67 = arith.constant 0 : i32
    %dma_wait3A_68 = arith.constant 0 : i32
    %dma_wait3A_69 = tpu.memref_slice %arg9[%dma_wait3A_67, %dma_wait3A_68] : memref<10240x128xf32, #tpu.memory_space<vmem_shared>> -> memref<10240x128xf32, #tpu.memory_space<vmem_shared>>
    tpu.wait_indirect_dma semaphore(%arg11 : memref<!tpu.dma_semaphore, #tpu.memory_space<semaphore_mem>>) src(%dma_wait3A_63 : memref<128x128xf32, #tpu.memory_space<vmem>>) dst(%dma_wait3A_69 : memref<10240x128xf32, #tpu.memory_space<vmem_shared>>)
    %barrier3A_70 = arith.constant 0 : index
    tpu.barrier barrier_id(%barrier3A_70)
    %scan3A_71 = arith.constant 0 : i32
    %scan3A_72 = arith.constant 0 : i32
    %scan3A_73 = arith.constant 5 : i32
    %scan3A_74 = arith.addi %scan3A_72, %scan3A_73 : i32
    %scan3A_75 = arith.constant 1 : i32
    %scan3A_76 = scf.for %scan3A_78 = %scan3A_72 to %scan3A_74 step %scan3A_75 iter_args(%scan3A_79 = %scan3A_71) -> (i32)  : i32 {
      %mul3A_80 = arith.constant 640 : i32
      %mul3A_81 = arith.muli %arg1, %mul3A_80 : i32
      %mul3A_82 = arith.constant 128 : i32
      %mul3A_83 = arith.muli %scan3A_78, %mul3A_82 : i32
      %add3A_84 = arith.addi %mul3A_81, %mul3A_83 : i32
      "tpu.region"() ({
        %run_scoped3A = tpu.sem_alloc : memref<!tpu.dma_semaphore, #tpu.memory_space<semaphore_mem>>
        %dma_start3A_86 = arith.constant 0 : i32
        %dma_start3A_87 = arith.constant 0 : i32
        %dma_start3A_88 = tpu.memref_slice %arg8[%dma_start3A_86, %dma_start3A_87] : memref<256x128xf32, #tpu.memory_space<vmem>> -> memref<128x128xf32, #tpu.memory_space<vmem>>
        %dma_start3A_89 = arith.constant 0 : i32
        %dma_start3A_90 = tpu.memref_slice %arg9[%add3A_84, %dma_start3A_89] : memref<10240x128xf32, #tpu.memory_space<vmem_shared>> -> memref<128x128xf32, #tpu.memory_space<vmem_shared>>
        %dma_start3A_91 = arith.constant 0 : i32
        %dma_start3A_92 = arith.constant 0 : i32
        %dma_start3A_93 = tpu.memref_slice %arg8[%dma_start3A_91, %dma_start3A_92] : memref<256x128xf32, #tpu.memory_space<vmem>> -> memref<128x128xf32, #tpu.memory_space<vmem>>
        %dma_start3A_94 = arith.constant 0 : i32
        %dma_start3A_95 = tpu.memref_slice %arg9[%add3A_84, %dma_start3A_94] : memref<10240x128xf32, #tpu.memory_space<vmem_shared>> -> memref<128x128xf32, #tpu.memory_space<vmem_shared>>
        tpu.enqueue_dma source(%dma_start3A_95 : memref<128x128xf32, #tpu.memory_space<vmem_shared>>) target(%dma_start3A_93 : memref<128x128xf32, #tpu.memory_space<vmem>>) target_semaphore(%run_scoped3A : memref<!tpu.dma_semaphore, #tpu.memory_space<semaphore_mem>>)
        %dma_wait3A_96 = arith.constant 0 : i32
        %dma_wait3A_97 = arith.constant 0 : i32
        %dma_wait3A_98 = tpu.memref_slice %arg8[%dma_wait3A_96, %dma_wait3A_97] : memref<256x128xf32, #tpu.memory_space<vmem>> -> memref<128x128xf32, #tpu.memory_space<vmem>>
        %dma_wait3A_99 = arith.constant 0 : i32
        %dma_wait3A_100 = tpu.memref_slice %arg9[%add3A_84, %dma_wait3A_99] : memref<10240x128xf32, #tpu.memory_space<vmem_shared>> -> memref<128x128xf32, #tpu.memory_space<vmem_shared>>
        %dma_wait3A_101 = arith.constant 0 : i32
        %dma_wait3A_102 = arith.constant 0 : i32
        %dma_wait3A_103 = tpu.memref_slice %arg8[%dma_wait3A_101, %dma_wait3A_102] : memref<256x128xf32, #tpu.memory_space<vmem>> -> memref<128x128xf32, #tpu.memory_space<vmem>>
        %dma_wait3A_104 = arith.constant 0 : i32
        %dma_wait3A_105 = tpu.memref_slice %arg9[%add3A_84, %dma_wait3A_104] : memref<10240x128xf32, #tpu.memory_space<vmem_shared>> -> memref<128x128xf32, #tpu.memory_space<vmem_shared>>
        tpu.wait_dma2 semaphore(%run_scoped3A : memref<!tpu.dma_semaphore, #tpu.memory_space<semaphore_mem>>) src(%dma_wait3A_105 : memref<128x128xf32, #tpu.memory_space<vmem_shared>>) dst(%dma_wait3A_103 : memref<128x128xf32, #tpu.memory_space<vmem>>)
        tpu.yield
      }) : () -> ()
      "tpu.region"() ({
        %run_scoped3A = tpu.sem_alloc : memref<!tpu.dma_semaphore, #tpu.memory_space<semaphore_mem>>
        %dma_start3A_86 = arith.constant 0 : i32
        %dma_start3A_87 = arith.constant 0 : i32
        %dma_start3A_88 = tpu.memref_slice %arg8[%dma_start3A_86, %dma_start3A_87] : memref<256x128xf32, #tpu.memory_space<vmem>> -> memref<128x128xf32, #tpu.memory_space<vmem>>
        %dma_start3A_89 = arith.constant 0 : i32
        %dma_start3A_90 = arith.constant 0 : i32
        %dma_start3A_91 = tpu.memref_slice %arg5[%arg0, %dma_start3A_89, %dma_start3A_90] : memref<2x10240x128xf32, #tpu.memory_space<hbm>> -> memref<1x10240x128xf32, #tpu.memory_space<hbm>>
        %dma_start3A_92 = tpu.memref_squeeze %dma_start3A_91 : memref<1x10240x128xf32, #tpu.memory_space<hbm>> -> memref<10240x128xf32, #tpu.memory_space<hbm>>
        %dma_start3A_93 = arith.constant 0 : i32
        %dma_start3A_94 = tpu.memref_slice %dma_start3A_92[%add3A_84, %dma_start3A_93] : memref<10240x128xf32, #tpu.memory_space<hbm>> -> memref<128x128xf32, #tpu.memory_space<hbm>>
        %dma_start3A_95 = arith.constant 0 : i32
        %dma_start3A_96 = arith.constant 0 : i32
        %dma_start3A_97 = tpu.memref_slice %arg5[%arg0, %dma_start3A_95, %dma_start3A_96] : memref<2x10240x128xf32, #tpu.memory_space<hbm>> -> memref<1x10240x128xf32, #tpu.memory_space<hbm>>
        %dma_start3A_98 = tpu.memref_squeeze %dma_start3A_97 : memref<1x10240x128xf32, #tpu.memory_space<hbm>> -> memref<10240x128xf32, #tpu.memory_space<hbm>>
        %dma_start3A_99 = arith.constant 0 : i32
        %dma_start3A_100 = tpu.memref_slice %dma_start3A_98[%add3A_84, %dma_start3A_99] : memref<10240x128xf32, #tpu.memory_space<hbm>> -> memref<128x128xf32, #tpu.memory_space<hbm>>
        %dma_start3A_101 = arith.constant 0 : i32
        %dma_start3A_102 = arith.constant 0 : i32
        %dma_start3A_103 = tpu.memref_slice %arg8[%dma_start3A_101, %dma_start3A_102] : memref<256x128xf32, #tpu.memory_space<vmem>> -> memref<128x128xf32, #tpu.memory_space<vmem>>
        tpu.enqueue_dma source(%dma_start3A_103 : memref<128x128xf32, #tpu.memory_space<vmem>>) target(%dma_start3A_100 : memref<128x128xf32, #tpu.memory_space<hbm>>) target_semaphore(%run_scoped3A : memref<!tpu.dma_semaphore, #tpu.memory_space<semaphore_mem>>)
        %dma_wait3A_104 = arith.constant 0 : i32
        %dma_wait3A_105 = arith.constant 0 : i32
        %dma_wait3A_106 = tpu.memref_slice %arg8[%dma_wait3A_104, %dma_wait3A_105] : memref<256x128xf32, #tpu.memory_space<vmem>> -> memref<128x128xf32, #tpu.memory_space<vmem>>
        %dma_wait3A_107 = arith.constant 0 : i32
        %dma_wait3A_108 = arith.constant 0 : i32
        %dma_wait3A_109 = tpu.memref_slice %arg5[%arg0, %dma_wait3A_107, %dma_wait3A_108] : memref<2x10240x128xf32, #tpu.memory_space<hbm>> -> memref<1x10240x128xf32, #tpu.memory_space<hbm>>
        %dma_wait3A_110 = tpu.memref_squeeze %dma_wait3A_109 : memref<1x10240x128xf32, #tpu.memory_space<hbm>> -> memref<10240x128xf32, #tpu.memory_space<hbm>>
        %dma_wait3A_111 = arith.constant 0 : i32
        %dma_wait3A_112 = tpu.memref_slice %dma_wait3A_110[%add3A_84, %dma_wait3A_111] : memref<10240x128xf32, #tpu.memory_space<hbm>> -> memref<128x128xf32, #tpu.memory_space<hbm>>
        %dma_wait3A_113 = arith.constant 0 : i32
        %dma_wait3A_114 = arith.constant 0 : i32
        %dma_wait3A_115 = tpu.memref_slice %arg5[%arg0, %dma_wait3A_113, %dma_wait3A_114] : memref<2x10240x128xf32, #tpu.memory_space<hbm>> -> memref<1x10240x128xf32, #tpu.memory_space<hbm>>
        %dma_wait3A_116 = tpu.memref_squeeze %dma_wait3A_115 : memref<1x10240x128xf32, #tpu.memory_space<hbm>> -> memref<10240x128xf32, #tpu.memory_space<hbm>>
        %dma_wait3A_117 = arith.constant 0 : i32
        %dma_wait3A_118 = tpu.memref_slice %dma_wait3A_116[%add3A_84, %dma_wait3A_117] : memref<10240x128xf32, #tpu.memory_space<hbm>> -> memref<128x128xf32, #tpu.memory_space<hbm>>
        %dma_wait3A_119 = arith.constant 0 : i32
        %dma_wait3A_120 = arith.constant 0 : i32
        %dma_wait3A_121 = tpu.memref_slice %arg8[%dma_wait3A_119, %dma_wait3A_120] : memref<256x128xf32, #tpu.memory_space<vmem>> -> memref<128x128xf32, #tpu.memory_space<vmem>>
        tpu.wait_dma2 semaphore(%run_scoped3A : memref<!tpu.dma_semaphore, #tpu.memory_space<semaphore_mem>>) src(%dma_wait3A_121 : memref<128x128xf32, #tpu.memory_space<vmem>>) dst(%dma_wait3A_118 : memref<128x128xf32, #tpu.memory_space<hbm>>)
        tpu.yield
      }) : () -> ()
      %scan3A_85 = arith.constant 0 : i32
      scf.yield %scan3A_85 : i32
    }
    %scan3A_77 = arith.constant 5 : i32
    return
  }
}

module attributes {stable_mosaic.version = 14 : i64} {
  func.func @_mm1_body(%arg0: i32, %arg1: memref<2048x256xf32, #tpu.memory_space<vmem>>, %arg2: memref<256x128xf32, #tpu.memory_space<vmem>>, %arg3: memref<32x2048xf32, #tpu.memory_space<vmem>>, %arg4: memref<2048x128xf32, #tpu.memory_space<vmem>>, %arg5: memref<2048x128xf32, #tpu.memory_space<vmem>>) attributes {dimension_semantics = [#tpu.dimension_semantics<arbitrary>], iteration_bounds = array<i64: 5>, scalar_prefetch = 0 : i64, scratch_operands = 0 : i64, tpu.core_type = #tpu.core_type<tc>, window_params = [{transform_indices = @transform_0, window_bounds = array<i64: 2048, 256>}, {pipeline_mode = #tpu.pipeline_mode<synchronous>, transform_indices = @transform_1, window_bounds = array<i64: 256, 128>}, {transform_indices = @transform_2, window_bounds = array<i64: 32, 2048>}, {transform_indices = @transform_3, window_bounds = array<i64: 2048, 128>}, {transform_indices = @transform_4, window_bounds = array<i64: 2048, 128>}]} {
    %get3A = arith.constant 0 : index
    %get3A_0 = arith.constant 0 : index
    %get3A_1 = vector.load %arg3[%get3A, %get3A_0] : memref<32x2048xf32, #tpu.memory_space<vmem>>, vector<32x2048xf32>
    %reduce_sum3A = arith.constant dense<0.000000e+00> : vector<2048xf32>
    %reduce_sum3A_2 = vector.multi_reduction <add>, %get3A_1, %reduce_sum3A [0] : vector<32x2048xf32> to vector<2048xf32>
    %add3A = arith.constant 1.000000e+00 : f32
    %add3A_3 = vector.broadcast %add3A : f32 to vector<2048xf32>
    %add3A_4 = arith.addf %reduce_sum3A_2, %add3A_3 : vector<2048xf32>
    %rsqrt3A = math.rsqrt %add3A_4 : vector<2048xf32>
    %broadcast_in_dim3A = vector.shape_cast %rsqrt3A : vector<2048xf32> to vector<2048x1xf32>
    %get3A_5 = arith.constant 0 : index
    %get3A_6 = arith.constant 0 : index
    %get3A_7 = vector.load %arg1[%get3A_5, %get3A_6] : memref<2048x256xf32, #tpu.memory_space<vmem>>, vector<2048x256xf32>
    %get3A_8 = arith.constant 0 : index
    %get3A_9 = arith.constant 0 : index
    %get3A_10 = vector.load %arg2[%get3A_8, %get3A_9] : memref<256x128xf32, #tpu.memory_space<vmem>>, vector<256x128xf32>
    %dot_general3A = arith.constant dense<0.000000e+00> : vector<2048x128xf32>
    %dot_general3A_11 = tpu.matmul %get3A_7, %get3A_10, %dot_general3A {dimension_numbers = #tpu.dot_dimension_numbers<[1], [0], [0], [1], [0, 0, 1, 1], [], []>, transpose_lhs_hint = false} : vector<2048x256xf32>, vector<256x128xf32>, vector<2048x128xf32> -> vector<2048x128xf32>
    %swap3A = arith.constant 0 : index
    %swap3A_12 = arith.constant 0 : index
    %swap3A_13 = vector.load %arg4[%swap3A, %swap3A_12] : memref<2048x128xf32, #tpu.memory_space<vmem>>, vector<2048x128xf32>
    tpu.vector_store %arg4[%swap3A, %swap3A_12], %dot_general3A_11 {strides = array<i32>} : memref<2048x128xf32, #tpu.memory_space<vmem>>, vector<2048x128xf32>,
    %mul3A = vector.broadcast %broadcast_in_dim3A : vector<2048x1xf32> to vector<2048x128xf32>
    %mul3A_14 = arith.mulf %dot_general3A_11, %mul3A : vector<2048x128xf32>
    %swap3A_15 = arith.constant 0 : index
    %swap3A_16 = arith.constant 0 : index
    %swap3A_17 = vector.load %arg5[%swap3A_15, %swap3A_16] : memref<2048x128xf32, #tpu.memory_space<vmem>>, vector<2048x128xf32>
    tpu.vector_store %arg5[%swap3A_15, %swap3A_16], %mul3A_14 {strides = array<i32>} : memref<2048x128xf32, #tpu.memory_space<vmem>>, vector<2048x128xf32>,
    return
  }
  func.func @transform_0(%arg0: i32) -> (i32, i32) {
    %c0_i32 = arith.constant 0 : i32
    %c0_i32_0 = arith.constant 0 : i32
    return %arg0, %c0_i32 : i32, i32
  }
  func.func @transform_1(%arg0: i32) -> (i32, i32) {
    %c0_i32 = arith.constant 0 : i32
    %c0_i32_0 = arith.constant 0 : i32
    %c0_i32_1 = arith.constant 0 : i32
    return %c0_i32, %c0_i32_0 : i32, i32
  }
  func.func @transform_2(%arg0: i32) -> (i32, i32) {
    %c0_i32 = arith.constant 0 : i32
    %c0_i32_0 = arith.constant 0 : i32
    return %c0_i32, %arg0 : i32, i32
  }
  func.func @transform_3(%arg0: i32) -> (i32, i32) {
    %c0_i32 = arith.constant 0 : i32
    %c0_i32_0 = arith.constant 0 : i32
    return %arg0, %c0_i32 : i32, i32
  }
  func.func @transform_4(%arg0: i32) -> (i32, i32) {
    %c0_i32 = arith.constant 0 : i32
    %c0_i32_0 = arith.constant 0 : i32
    return %arg0, %c0_i32 : i32, i32
  }
}

module attributes {stable_mosaic.version = 14 : i64} {
  func.func @_mid_body(%arg0: i32, %arg1: memref<2x2048x128xf32, #tpu.memory_space<vmem>>, %arg2: memref<2048x128xf32, #tpu.memory_space<vmem>>, %arg3: memref<32x2048xf32, #tpu.memory_space<vmem>>, %arg4: memref<128x128xf32, #tpu.memory_space<vmem>>, %arg5: memref<1x128xf32, #tpu.memory_space<vmem>>, %arg6: memref<2048x128xf32, #tpu.memory_space<vmem>>, %arg7: memref<2048x128xf32, #tpu.memory_space<vmem>>) attributes {dimension_semantics = [#tpu.dimension_semantics<arbitrary>], iteration_bounds = array<i64: 5>, scalar_prefetch = 0 : i64, scratch_operands = 0 : i64, tpu.core_type = #tpu.core_type<tc>, window_params = [{transform_indices = @transform_0, window_bounds = array<i64: 2, 2048, 128>}, {transform_indices = @transform_1, window_bounds = array<i64: 2048, 128>}, {transform_indices = @transform_2, window_bounds = array<i64: 32, 2048>}, {pipeline_mode = #tpu.pipeline_mode<synchronous>, transform_indices = @transform_3, window_bounds = array<i64: 128, 128>}, {pipeline_mode = #tpu.pipeline_mode<synchronous>, transform_indices = @transform_4, window_bounds = array<i64: 1, 128>}, {transform_indices = @transform_5, window_bounds = array<i64: 2048, 128>}, {transform_indices = @transform_6, window_bounds = array<i64: 2048, 128>}]} {
    %get3A = arith.constant 0 : index
    %get3A_0 = arith.constant 0 : index
    %get3A_1 = vector.load %arg3[%get3A, %get3A_0] : memref<32x2048xf32, #tpu.memory_space<vmem>>, vector<32x2048xf32>
    %reduce_sum3A = arith.constant dense<0.000000e+00> : vector<2048xf32>
    %reduce_sum3A_2 = vector.multi_reduction <add>, %get3A_1, %reduce_sum3A [0] : vector<32x2048xf32> to vector<2048xf32>
    %add3A = arith.constant 1.000000e+00 : f32
    %add3A_3 = vector.broadcast %add3A : f32 to vector<2048xf32>
    %add3A_4 = arith.addf %reduce_sum3A_2, %add3A_3 : vector<2048xf32>
    %rsqrt3A = math.rsqrt %add3A_4 : vector<2048xf32>
    %broadcast_in_dim3A = vector.shape_cast %rsqrt3A : vector<2048xf32> to vector<2048x1xf32>
    %div3A = arith.constant 1.000000e+00 : f32
    %div3A_5 = vector.broadcast %div3A : f32 to vector<2048xf32>
    %div3A_6 = arith.divf %div3A_5, %add3A_4 : vector<2048xf32>
    %broadcast_in_dim3A_7 = vector.shape_cast %div3A_6 : vector<2048xf32> to vector<2048x1xf32>
    %get3A_8 = arith.constant 0 : index
    %get3A_9 = arith.constant 0 : index
    %get3A_10 = arith.constant 0 : index
    %get3A_11 = vector.load %arg1[%get3A_8, %get3A_9, %get3A_10] : memref<2x2048x128xf32, #tpu.memory_space<vmem>>, vector<1x2048x128xf32>
    %get3A_12 = vector.shape_cast %get3A_11 : vector<1x2048x128xf32> to vector<2048x128xf32>
    %get3A_13 = arith.constant 1 : index
    %get3A_14 = arith.constant 0 : index
    %get3A_15 = arith.constant 0 : index
    %get3A_16 = vector.load %arg1[%get3A_13, %get3A_14, %get3A_15] : memref<2x2048x128xf32, #tpu.memory_space<vmem>>, vector<1x2048x128xf32>
    %get3A_17 = vector.shape_cast %get3A_16 : vector<1x2048x128xf32> to vector<2048x128xf32>
    %add3A_18 = arith.addf %get3A_12, %get3A_17 : vector<2048x128xf32>
    %mul3A = vector.broadcast %broadcast_in_dim3A : vector<2048x1xf32> to vector<2048x128xf32>
    %mul3A_19 = arith.mulf %add3A_18, %mul3A : vector<2048x128xf32>
    %get3A_20 = arith.constant 0 : index
    %get3A_21 = arith.constant 0 : index
    %get3A_22 = vector.load %arg2[%get3A_20, %get3A_21] : memref<2048x128xf32, #tpu.memory_space<vmem>>, vector<2048x128xf32>
    %mul3A_23 = vector.broadcast %broadcast_in_dim3A_7 : vector<2048x1xf32> to vector<2048x128xf32>
    %mul3A_24 = arith.mulf %get3A_22, %mul3A_23 : vector<2048x128xf32>
    %add3A_25 = arith.addf %mul3A_19, %mul3A_24 : vector<2048x128xf32>
    %get3A_26 = arith.constant 0 : index
    %get3A_27 = arith.constant 0 : index
    %get3A_28 = vector.load %arg5[%get3A_26, %get3A_27] : memref<1x128xf32, #tpu.memory_space<vmem>>, vector<1x128xf32>
    %add3A_29 = vector.broadcast %get3A_28 : vector<1x128xf32> to vector<2048x128xf32>
    %add3A_30 = arith.addf %add3A_25, %add3A_29 : vector<2048x128xf32>
    %max3A = arith.constant 0.000000e+00 : f32
    %max3A_31 = vector.broadcast %max3A : f32 to vector<2048x128xf32>
    %max3A_32 = arith.maximumf %add3A_30, %max3A_31 : vector<2048x128xf32>
    %get3A_33 = arith.constant 0 : index
    %get3A_34 = arith.constant 0 : index
    %get3A_35 = vector.load %arg4[%get3A_33, %get3A_34] : memref<128x128xf32, #tpu.memory_space<vmem>>, vector<128x128xf32>
    %dot_general3A = arith.constant dense<0.000000e+00> : vector<2048x128xf32>
    %dot_general3A_36 = tpu.matmul %max3A_32, %get3A_35, %dot_general3A {dimension_numbers = #tpu.dot_dimension_numbers<[1], [0], [0], [1], [0, 0, 1, 1], [], []>, transpose_lhs_hint = false} : vector<2048x128xf32>, vector<128x128xf32>, vector<2048x128xf32> -> vector<2048x128xf32>
    %swap3A = arith.constant 0 : index
    %swap3A_37 = arith.constant 0 : index
    %swap3A_38 = vector.load %arg6[%swap3A, %swap3A_37] : memref<2048x128xf32, #tpu.memory_space<vmem>>, vector<2048x128xf32>
    tpu.vector_store %arg6[%swap3A, %swap3A_37], %dot_general3A_36 {strides = array<i32>} : memref<2048x128xf32, #tpu.memory_space<vmem>>, vector<2048x128xf32>,
    %mul3A_39 = vector.broadcast %broadcast_in_dim3A : vector<2048x1xf32> to vector<2048x128xf32>
    %mul3A_40 = arith.mulf %dot_general3A_36, %mul3A_39 : vector<2048x128xf32>
    %swap3A_41 = arith.constant 0 : index
    %swap3A_42 = arith.constant 0 : index
    %swap3A_43 = vector.load %arg7[%swap3A_41, %swap3A_42] : memref<2048x128xf32, #tpu.memory_space<vmem>>, vector<2048x128xf32>
    tpu.vector_store %arg7[%swap3A_41, %swap3A_42], %mul3A_40 {strides = array<i32>} : memref<2048x128xf32, #tpu.memory_space<vmem>>, vector<2048x128xf32>,
    return
  }
  func.func @transform_0(%arg0: i32) -> (i32, i32, i32) {
    %c0_i32 = arith.constant 0 : i32
    %c0_i32_0 = arith.constant 0 : i32
    %c0_i32_1 = arith.constant 0 : i32
    return %c0_i32, %arg0, %c0_i32_0 : i32, i32, i32
  }
  func.func @transform_1(%arg0: i32) -> (i32, i32) {
    %c0_i32 = arith.constant 0 : i32
    %c0_i32_0 = arith.constant 0 : i32
    return %arg0, %c0_i32 : i32, i32
  }
  func.func @transform_2(%arg0: i32) -> (i32, i32) {
    %c0_i32 = arith.constant 0 : i32
    %c0_i32_0 = arith.constant 0 : i32
    return %c0_i32, %arg0 : i32, i32
  }
  func.func @transform_3(%arg0: i32) -> (i32, i32) {
    %c0_i32 = arith.constant 0 : i32
    %c0_i32_0 = arith.constant 0 : i32
    %c0_i32_1 = arith.constant 0 : i32
    return %c0_i32, %c0_i32_0 : i32, i32
  }
  func.func @transform_4(%arg0: i32) -> (i32, i32) {
    %c0_i32 = arith.constant 0 : i32
    %c0_i32_0 = arith.constant 0 : i32
    %c0_i32_1 = arith.constant 0 : i32
    return %c0_i32, %c0_i32_0 : i32, i32
  }
  func.func @transform_5(%arg0: i32) -> (i32, i32) {
    %c0_i32 = arith.constant 0 : i32
    %c0_i32_0 = arith.constant 0 : i32
    return %arg0, %c0_i32 : i32, i32
  }
  func.func @transform_6(%arg0: i32) -> (i32, i32) {
    %c0_i32 = arith.constant 0 : i32
    %c0_i32_0 = arith.constant 0 : i32
    return %arg0, %c0_i32 : i32, i32
  }
}

module attributes {stable_mosaic.version = 14 : i64} {
  func.func @_out_body(%arg0: i32, %arg1: memref<2x2048x128xf32, #tpu.memory_space<vmem>>, %arg2: memref<2048x128xf32, #tpu.memory_space<vmem>>, %arg3: memref<32x2048xf32, #tpu.memory_space<vmem>>, %arg4: memref<1x128xf32, #tpu.memory_space<vmem>>, %arg5: memref<2048x128xf32, #tpu.memory_space<vmem>>) attributes {dimension_semantics = [#tpu.dimension_semantics<arbitrary>], iteration_bounds = array<i64: 5>, scalar_prefetch = 0 : i64, scratch_operands = 0 : i64, tpu.core_type = #tpu.core_type<tc>, window_params = [{transform_indices = @transform_0, window_bounds = array<i64: 2, 2048, 128>}, {transform_indices = @transform_1, window_bounds = array<i64: 2048, 128>}, {transform_indices = @transform_2, window_bounds = array<i64: 32, 2048>}, {pipeline_mode = #tpu.pipeline_mode<synchronous>, transform_indices = @transform_3, window_bounds = array<i64: 1, 128>}, {transform_indices = @transform_4, window_bounds = array<i64: 2048, 128>}]} {
    %get3A = arith.constant 0 : index
    %get3A_0 = arith.constant 0 : index
    %get3A_1 = vector.load %arg3[%get3A, %get3A_0] : memref<32x2048xf32, #tpu.memory_space<vmem>>, vector<32x2048xf32>
    %reduce_sum3A = arith.constant dense<0.000000e+00> : vector<2048xf32>
    %reduce_sum3A_2 = vector.multi_reduction <add>, %get3A_1, %reduce_sum3A [0] : vector<32x2048xf32> to vector<2048xf32>
    %add3A = arith.constant 1.000000e+00 : f32
    %add3A_3 = vector.broadcast %add3A : f32 to vector<2048xf32>
    %add3A_4 = arith.addf %reduce_sum3A_2, %add3A_3 : vector<2048xf32>
    %rsqrt3A = math.rsqrt %add3A_4 : vector<2048xf32>
    %broadcast_in_dim3A = vector.shape_cast %rsqrt3A : vector<2048xf32> to vector<2048x1xf32>
    %div3A = arith.constant 1.000000e+00 : f32
    %div3A_5 = vector.broadcast %div3A : f32 to vector<2048xf32>
    %div3A_6 = arith.divf %div3A_5, %add3A_4 : vector<2048xf32>
    %broadcast_in_dim3A_7 = vector.shape_cast %div3A_6 : vector<2048xf32> to vector<2048x1xf32>
    %get3A_8 = arith.constant 0 : index
    %get3A_9 = arith.constant 0 : index
    %get3A_10 = arith.constant 0 : index
    %get3A_11 = vector.load %arg1[%get3A_8, %get3A_9, %get3A_10] : memref<2x2048x128xf32, #tpu.memory_space<vmem>>, vector<1x2048x128xf32>
    %get3A_12 = vector.shape_cast %get3A_11 : vector<1x2048x128xf32> to vector<2048x128xf32>
    %get3A_13 = arith.constant 1 : index
    %get3A_14 = arith.constant 0 : index
    %get3A_15 = arith.constant 0 : index
    %get3A_16 = vector.load %arg1[%get3A_13, %get3A_14, %get3A_15] : memref<2x2048x128xf32, #tpu.memory_space<vmem>>, vector<1x2048x128xf32>
    %get3A_17 = vector.shape_cast %get3A_16 : vector<1x2048x128xf32> to vector<2048x128xf32>
    %add3A_18 = arith.addf %get3A_12, %get3A_17 : vector<2048x128xf32>
    %mul3A = vector.broadcast %broadcast_in_dim3A : vector<2048x1xf32> to vector<2048x128xf32>
    %mul3A_19 = arith.mulf %add3A_18, %mul3A : vector<2048x128xf32>
    %get3A_20 = arith.constant 0 : index
    %get3A_21 = arith.constant 0 : index
    %get3A_22 = vector.load %arg2[%get3A_20, %get3A_21] : memref<2048x128xf32, #tpu.memory_space<vmem>>, vector<2048x128xf32>
    %mul3A_23 = vector.broadcast %broadcast_in_dim3A_7 : vector<2048x1xf32> to vector<2048x128xf32>
    %mul3A_24 = arith.mulf %get3A_22, %mul3A_23 : vector<2048x128xf32>
    %add3A_25 = arith.addf %mul3A_19, %mul3A_24 : vector<2048x128xf32>
    %get3A_26 = arith.constant 0 : index
    %get3A_27 = arith.constant 0 : index
    %get3A_28 = vector.load %arg4[%get3A_26, %get3A_27] : memref<1x128xf32, #tpu.memory_space<vmem>>, vector<1x128xf32>
    %add3A_29 = vector.broadcast %get3A_28 : vector<1x128xf32> to vector<2048x128xf32>
    %add3A_30 = arith.addf %add3A_25, %add3A_29 : vector<2048x128xf32>
    %max3A = arith.constant 0.000000e+00 : f32
    %max3A_31 = vector.broadcast %max3A : f32 to vector<2048x128xf32>
    %max3A_32 = arith.maximumf %add3A_30, %max3A_31 : vector<2048x128xf32>
    %swap3A = arith.constant 0 : index
    %swap3A_33 = arith.constant 0 : index
    %swap3A_34 = vector.load %arg5[%swap3A, %swap3A_33] : memref<2048x128xf32, #tpu.memory_space<vmem>>, vector<2048x128xf32>
    tpu.vector_store %arg5[%swap3A, %swap3A_33], %max3A_32 {strides = array<i32>} : memref<2048x128xf32, #tpu.memory_space<vmem>>, vector<2048x128xf32>,
    return
  }
  func.func @transform_0(%arg0: i32) -> (i32, i32, i32) {
    %c0_i32 = arith.constant 0 : i32
    %c0_i32_0 = arith.constant 0 : i32
    %c0_i32_1 = arith.constant 0 : i32
    return %c0_i32, %arg0, %c0_i32_0 : i32, i32, i32
  }
  func.func @transform_1(%arg0: i32) -> (i32, i32) {
    %c0_i32 = arith.constant 0 : i32
    %c0_i32_0 = arith.constant 0 : i32
    return %arg0, %c0_i32 : i32, i32
  }
  func.func @transform_2(%arg0: i32) -> (i32, i32) {
    %c0_i32 = arith.constant 0 : i32
    %c0_i32_0 = arith.constant 0 : i32
    return %c0_i32, %arg0 : i32, i32
  }
  func.func @transform_3(%arg0: i32) -> (i32, i32) {
    %c0_i32 = arith.constant 0 : i32
    %c0_i32_0 = arith.constant 0 : i32
    %c0_i32_1 = arith.constant 0 : i32
    return %c0_i32, %c0_i32_0 : i32, i32
  }
  func.func @transform_4(%arg0: i32) -> (i32, i32) {
    %c0_i32 = arith.constant 0 : i32
    %c0_i32_0 = arith.constant 0 : i32
    return %arg0, %c0_i32 : i32, i32
  }
}

</mosaic_0001>

<sc_bundles>
// kernel: kernel.11.cloned.1.call-start
scs
__scs_entry_jumppad:
0x0: {  	(pc) =	sbr.rel $0x88, $3  }
0x1: {  	(tag) =	ssettag $0x0;
	lr =	simm.s32 $0x1  }
0x2: {  	[smem:$0x3F9B] =	sst lr;
	_ =	strace $0xD0000000  }
0x3: {  	_ = 	snop  }
0x4: {  	_ = 	snop  }
0x5: {  	_ = 	snop  }
0x6: {  	_ = 	snop  }
0x7: {  	_ = 	snop  }
__scs_overlays_trampoline_lowered:
0x8: {  	[smem:$0x3FAA] =	sst s0  }
0x9: {  	[smem:$0x3FAB] =	sst s1  }
0xa: {  	[smem:$0x3FAC] =	sst s2  }
0xb: {  	[smem:$0x3FAD] =	sst s3  }
0xc: {  	[smem:$0x3FAE] =	sst s4  }
0xd: {  	[smem:$0x3FAF] =	sst s5  }
0xe: {  	[smem:$0x3FB0] =	sst s6  }
0xf: {  	[smem:$0x3FB1] =	sst s7  }
0x10: {  	[smem:$0x3FB2] =	sst s8  }
0x11: {  	[smem:$0x3FB3] =	sst s9;
	s0 =	simm.s32 @!p0 $0x0  }
0x12: {  	s1 =	sld [smem:$0x3F99];
	s0 =	simm.s32 @p0 $0x1  }
0x13: {  	[smem:$0x3FB4] =	sst s0;
	s0 =	simm.s32 @!p1 $0x0  }
0x14: {  	s2 =	sld [smem:$0x3F98];
	s0 =	simm.s32 @p1 $0x1  }
0x15: {  	[smem:$0x3FB5] =	sst s0;
	s0 =	simm.s32 @!p2 $0x0  }
0x16: {  	s3 =	sld [smem:$0x3FDB];
	s0 =	simm.s32 @p2 $0x1  }
0x17: {  	s4 =	simm.s32 $0x1BF5;
	[smem:$0x3FB7] =	sst s0  }
0x18: {  	s0 =	sld [smem:$0x3F9A];
	_ =	swait.ge [sflag:s4], $0x0  }
0x19: {  	s7 =	sld [smem:$0x3F9B]  }
0x1a: {  	s8 =	sadd.s32 $0xFFFFE003, lr  }
0x1b: {  	s9 =	sadd.s32 $0xFFFFFEF7, lr;
	s5 =	simm.s32 $0xFFFFFFFF;
	p2 =	slt.u32 s8, $0xFFFFF086  }
0x1c: {  	p1 =	slt.u32 s9, $0xF7A;
	s5 =	simm.s32 @!p2 $0x0  }
0x1d: {  	s5 =	simm.s32 @p1 $0x1;
	p0 =	seq.s32 s7, s2  }
0x1e: {  	s7 =	smul.u32 @!p0 $0xF7A, s2;
	p2 =	seq.s32 @!p0 s5, $0x0  }
0x1f: {  	s9 =	smul.u32 $0xF7A, s1;
	s8 =	simm.s32 @!p0 $0x1BF5;
	p2 =	por !p2, p0  }
0x20: {  	[sflag:s8] =	ssyncset.s32 @!p0 $0xFFFFF086;
	s6 =	sadd.s32 @!p0 s3, s7;
	s7 =	simm.s32 @!p0 $0x108  }
0x21: {  	s3 =	sadd.s32 s3, s9;
	s6 =	sadd.s32 @!p0 $0x88, s6;
	s7 =	simm.s32 @p2 $0x1082  }
0x22: {  	[simem:s7], [sflag:s8] =	dma.local @!p0 [hbm:s6], $0xF7A  }
0x23: {  	s9 =	sor.u32 $0xD0000000, s2;
	s6 =	simm.s32 $0x108;
	_ =	swait.ge @!p0 [sflag:s8], $0x0  }
0x24: {  	s3 =	sadd.s32 $0x88, s3;
	s6 =	simm.s32 @!p1 $0x1082;
	[sflag:s4] =	ssyncset.s32 $0xFFFFF086  }
0x25: {  	[simem:s6], [sflag:s4] =	dma.local [hbm:s3], $0xF7A  }
0x26: {  	[smem:$0x3F9B] =	sst s1;
	(tag) =	ssettag s2;
	_ =	strace s9  }
0x27: {  	s1 =	sld [smem:$0x3FAB]  }
0x28: {  	s2 =	sld [smem:$0x3FAC]  }
0x29: {  	s4 =	sld [smem:$0x3FAE]  }
0x2a: {  	p0 =	seq.s32 s5, $0x0;
	s5 =	sld [smem:$0x3FAF]  }
0x2b: {  	s6 =	sld [smem:$0x3FB0]  }
0x2c: {  	s7 =	sld [smem:$0x3FB1]  }
0x2d: {  	s3 =	simm.s32 $0x108;
	s8 =	sld [smem:$0x3FB2]  }
0x2e: {  	s3 =	simm.s32 @!p0 $0x1082;
	s9 =	sld [smem:$0x3FB3]  }
0x2f: {  	lr =	sadd.s32 s0, s3;
	s0 =	sld [smem:$0x3FAA]  }
0x30: {  	s3 =	sld [smem:$0x3FAD]  }
0x31: {  	[smem:$0x3FB6] =	sst s10  }
0x32: {  	s10 =	sld [smem:$0x3FB4];
	_ =	sdelay $0x3  }
0x33: {  	p0 =	seq.s32 s10, $0x1;
	s10 =	sld [smem:$0x3FB6];
	_ =	sdelay $0x3  }
0x34: {  	[smem:$0x3FB6] =	sst s10  }
0x35: {  	s10 =	sld [smem:$0x3FB5];
	_ =	sdelay $0x3  }
0x36: {  	p1 =	seq.s32 s10, $0x1;
	s10 =	sld [smem:$0x3FB6];
	_ =	sdelay $0x3  }
0x37: {  	[smem:$0x3FB6] =	sst s10  }
0x38: {  	s10 =	sld [smem:$0x3FB7]  }
0x39: {  	_ = 	snop;
	(pc) =	sbr.ind lr, $3  }
0x3a: {  	_ = 	snop  }
0x3b: {  	_ = 	snop  }
0x3c: {  	p2 =	seq.s32 s10, $0x1;
	s10 =	sld [smem:$0x3FB6]  }
0x3d: {  	_ =	shalt  }
0x3e: {  	_ =	shalt  }
0x3f: {  	_ =	shalt  }
0x40: {  	_ =	shalt  }
0x41: {  	_ =	shalt  }
0x42: {  	_ =	shalt  }
0x43: {  	_ =	shalt  }
0x44: {  	_ =	shalt  }
0x45: {  	_ =	shalt  }
0x46: {  	_ =	shalt  }
0x47: {  	_ =	shalt  }
0x48: {  	_ =	shalt  }
0x49: {  	_ =	shalt  }
0x4a: {  	_ =	shalt  }
0x4b: {  	_ =	shalt  }
0x4c: {  	_ =	shalt  }
0x4d: {  	_ =	shalt  }
0x4e: {  	_ =	shalt  }
0x4f: {  	_ =	shalt  }
0x50: {  	_ =	shalt  }
0x51: {  	_ =	shalt  }
0x52: {  	_ =	shalt  }
0x53: {  	_ =	shalt  }
0x54: {  	_ =	shalt  }
0x55: {  	_ =	shalt  }
0x56: {  	_ =	shalt  }
0x57: {  	_ =	shalt  }
0x58: {  	_ =	shalt  }
0x59: {  	_ =	shalt  }
0x5a: {  	_ =	shalt  }
0x5b: {  	_ =	shalt  }
0x5c: {  	_ =	shalt  }
0x5d: {  	_ =	shalt  }
0x5e: {  	_ =	shalt  }
0x5f: {  	_ =	shalt  }
0x60: {  	_ =	shalt  }
0x61: {  	_ =	shalt  }
0x62: {  	_ =	shalt  }
0x63: {  	_ =	shalt  }
0x64: {  	_ =	shalt  }
0x65: {  	_ =	shalt  }
0x66: {  	_ =	shalt  }
0x67: {  	_ =	shalt  }
0x68: {  	_ =	shalt  }
0x69: {  	_ =	shalt  }
0x6a: {  	_ =	shalt  }
0x6b: {  	_ =	shalt  }
0x6c: {  	_ =	shalt  }
0x6d: {  	_ =	shalt  }
0x6e: {  	_ =	shalt  }
0x6f: {  	_ =	shalt  }
0x70: {  	_ =	shalt  }
0x71: {  	_ =	shalt  }
0x72: {  	_ =	shalt  }
0x73: {  	_ =	shalt  }
0x74: {  	_ =	shalt  }
0x75: {  	_ =	shalt  }
0x76: {  	_ =	shalt  }
0x77: {  	_ =	shalt  }
0x78: {  	_ =	shalt  }
0x79: {  	_ =	shalt  }
0x7a: {  	_ =	shalt  }
0x7b: {  	_ =	shalt  }
0x7c: {  	_ =	shalt  }
0x7d: {  	_ =	shalt  }
0x7e: {  	_ =	shalt  }
0x7f: {  	_ =	shalt  }
0x80: {  	_ =	shalt  }
0x81: {  	_ =	shalt  }
0x82: {  	_ =	shalt  }
0x83: {  	_ =	shalt  }
0x84: {  	_ =	shalt  }
0x85: {  	_ =	shalt  }
0x86: {  	_ =	shalt  }
0x87: {  	_ =	shalt  }
.Lfunc_end0:
.L_simem_size_0:
called_computation.1_lowered:
.L_overlay_start_0:
0x88: {  	s2 =	sld [smem:$0x3FD9]  }
0x89: {  	s3 =	sld [smem:$0x3FFE];
	_ =	sdelay $0x1  }
0x8a: {  	s1 =	srdreg.scid  }
0x8b: {  	s0 =	sand.u32 $0x1, s1  }
0x8c: {  	s17 =	sshll.u32 s0, $0xA;
	s2 =	sadd.s32 s3, s2  }
0x8d: {  	s2 =	sadd.s32 s2, s17  }
0x8e: {  	[smem:$0x3FC2] =	sst s2  }
0x8f: {  	_ = 	snop  }
0x90: {  	s2 =	sld [smem:$0x3FD0];
	(tm) =	ssettm $0x1  }
0x91: {  	s18 =	sld [smem:$0x3FFB];
	_ =	sdelay $0x3  }
0x92: {  	_ =	strace s18  }
0x93: {  	s3 =	sld [smem:$0x3FFC];
	_ =	sdelay $0x3  }
0x94: {  	_ =	strace s3  }
0x95: {  	s3 =	sld [smem:$0x3FFD];
	_ =	sdelay $0x3  }
0x96: {  	_ =	strace s3  }
0x97: {  	_ =	strace $0x8FFFFFFF  }
0x98: {  	s19 =	sld [smem:$0x3FDB];
	_ =	sdelay $0x1  }
0x99: {  	s4 =	simm.s32 $_scs_section_size  }
0x9a: {  	s5 =	simm.s32 $_size__tile_overlayer_lowered;
	s6 =	simm.s32 $_tile_overlayer_lowered  }
0x9b: {  	s22 =	simm.s32 $0x1BFF;
	s21 =	sshll.u32 s6, $0x1;
	s3 =	sadd.s32 s4, s19  }
0x9c: {  	s7 =	simm.s32 $0x0;
	s20 =	sshll.u32 s5, $0x1;
	s5 =	sadd.s32 s21, s3  }
0x9d: {  	[timem:s7], [sflag:s22] =	dma.local [hbm:s5], s20  }
0x9e: {  	_ =	swait.ge [sflag:s22], s20  }
0x9f: {  	s4 =	ssub.s32 $0x0, s20;
	[sflag:s22] =	ssyncset.done $0x0  }
0xa0: {  	[sflag:s22] =	ssyncadd.s32 s4;
	_ =	sdelay $0x1  }
0xa1: {  	s23 =	simm.s32 $0x1B8B  }
0xa2: {  	_ =	swait.ge [sflag:s23], $0x1  }
0xa3: {  	[sflag:s23] =	ssyncset.done $0x0  }
0xa4: {  	s25 =	simm.s32 $0x1B8E;
	s24 =	sld [smem:$0x3FFE];
	[sflag:s23] =	ssyncadd.s32 $0xFFFFFFFF  }
0xa5: {  	s26 =	simm.s32 $execute0_lowered;
	[smem:$0x3FD2] =	sst s25  }
0xa6: {  	s5 =	sshll.u32 s26, $0x1;
	_ =	strace $0x80000049;
	[dreg:$0x1] =	wrdreg $0xFFFFFFFF  }
0xa7: {  	s28 =	simm.s32 $_size_execute0_lowered;
	s3 =	sadd.s32 s3, s5;
	[dreg:$0x0] =	wrdreg $0x0  }
0xa8: {  	s5 =	sshll.u32 s28, $0x1;
	[dreg:$0x2] =	wrdreg s3  }
0xa9: {  	[dreg:$0x3] =	wrdreg s5  }
0xaa: {  	[dreg:$0x4] =	wrdreg $0xC0  }
0xab: {  	_ =	task [dreg:s7], $0x5FFFF  }
0xac: {  	[dreg:$0x1] =	wrdreg $0xFFFFFFFF  }
0xad: {  	[dreg:$0x0] =	wrdreg $0x60  }
0xae: {  	[dreg:$0x2] =	wrdreg s2  }
0xaf: {  	[dreg:$0x3] =	wrdreg s24  }
0xb0: {  	[dreg:$0x4] =	wrdreg $0x90000  }
0xb1: {  	[dreg:$0x5] =	wrdreg $0x9  }
0xb2: {  	_ =	task.clear_ibuf [dreg:s7], $0x6FFFF;
	_ =	strace $0x90000049  }
0xb3: {  	s29 =	simm.s32 $0x9;
	_ =	strace $0x8000004B  }
0xb4: {  	_ =	swait.ge [sflag:s29], $0x1  }
0xb5: {  	[sflag:s29] =	ssyncadd.s32 $0xFFFFFFFF  }
0xb6: {  	_ =	strace $0x9000004B  }
0xb7: {  	_ =	sfence  }
0xb8: {  	s30 =	sld [smem:$0x0];
	_ =	sdelay $0x2  }
0xb9: {  	s31 =	sshll.u32 s1, $0xD;
	s1 =	sshrl.u32 s1, $0x2  }
0xba: {  	s3 =	sand.u32 $0x4000, s31;
	s1 =	sadd.s32 s1, s30  }
0xbb: {  	s0 =	sor.u32 s3, s0;
	s1 =	sshll.u32 s1, $0x11  }
0xbc: {  	s0 =	sor.u32 s1, s0  }
0xbd: {  	s0 =	sadd.s32 $0x8F2B, s0  }
0xbe: {  	[sflag:s0] =	ssyncadd.remote.s32 $0x1  }
0xbf: {  	_ =	sfence.sel $0xFFFF  }
0xc0: {  	[dreg:$0x0] =	wrdreg $0xFFFFFFFF;
	(pc) =	sbr.abs _section_cstart, $3  }
0xc1: {  	[dreg:$0x1] =	wrdreg $0xFFFFFFFF  }
0xc2: {  	_ =	task.clear_ibuf [dreg:s7], $0x2FFFF;
	_ =	strace $0x9FFFFFFF  }
0xc3: {  	(tm) =	ssettm $0x7FFFFFFF  }
tec
execute0_lowered:
.L_overlay_start_1:
0x0: {  	(tag) =	ssettag $0x1  }
0x1: {  	s1 =	rddreg [dreg:$0x0]  }
0x2: {  	s0 =	rddreg [dreg:$0x1]  }
0x3: {  	s2 =	rddreg [dreg:$0x2]  }
0x4: {  	s4 =	srdreg.scid;
	s3 =	simm.s32 $0x0;
	s13 =	stileid.u32  }
0x5: {  	s28 =	simm.s32 $0x1000;
	s29 =	simm.s32 $0x4;
	s9 =	smul.u32 $0x98, s13  }
0x6: {  	s31 =	simm.s32 $0x80;
	s30 =	simm.s32 $0x3;
	s14 =	smul.u32 $0x50000, s13  }
0x7: {  	s4 =	sand.u32 $0x1, s4;
	[smem:$0x7FF] =	sst s3;
	s17 =	smul.u32 $0x280, s13  }
0x8: {  	s5 =	sadd.s32 $0x5C400, s0;
	s6 =	sadd.s32 $0x2400, s0;
	s21 =	smul.u32 $0x2800, s13  }
0x9: {  	s10 =	sshll.u32 s13, $0x3;
	s7 =	smul.u32 $0x28000, s4;
	_ =	strace $0x8000004A  }
0xa: {  	s12 =	ssub.s32 $0x2, s4;
	p0 =	seq.s32 s4, $0x0;
	s4 =	sor.u32 $0x980, s10  }
0xb: {  	s8 =	sshrl.u32 s12, $0x1;
	s4 =	smov.u32 @p0 s9;
	s15 =	sshrl.u32 s14, $0x2  }
0xc: {  	s22 =	sadd.s32 $0x80, s17;
	s14 =	sadd.s32 $0x100, s17;
	s0 =	sadd.s32 s7, s0  }
0xd: {  	s11 =	ssub.s32 s12, s8;
	s7 =	simm.s32 $0x98;
	s16 =	sshll.u32 s4, $0x4  }
0xe: {  	s9 =	sadd.s32 s15, s2;
	s23 =	sshll.u32 s22, $0x7;
	s15 =	sshll.u32 s14, $0x4  }
0xf: {  	s25 =	sshll.u32 s14, $0x7;
	s7 =	simm.s32 @!p0 $0x8;
	s12 =	sadd.s32 s5, s16  }
0x10: {  	s10 =	sadd.s32 s6, s16;
	s0 =	sadd.s32 $0xC400, s0;
	s18 =	smax.u32 s11, $0x1  }
0x11: {  	s19 =	sadd.s32 $0x4000, s9;
	s20 =	sadd.s32 $0x8000, s9;
	[dreg:$0x4] =	wrdreg s12  }
0x12: {  	s11 =	sshll.u32 s22, $0x4;
	s16 =	sadd.s32 $0x180, s17;
	[dreg:$0x5] =	wrdreg s10  }
0x13: {  	s22 =	sadd.s32 s23, s2;
	s23 =	sadd.s32 s25, s2;
	[dreg:$0x6] =	wrdreg s18  }
0x14: {  	s8 =	sshrl.u32 s7, $0x3;
	s12 =	sshrl.u32 s4, $0x3;
	[dreg:$0x7] =	wrdreg s19  }
0x15: {  	[dreg:$0x8] =	wrdreg s20;
	s4 =	sadd.s32 $0x200, s17;
	s19 =	sshll.u32 s16, $0x4  }
0x16: {  	s10 =	sadd.s32 s21, s0;
	s24 =	sadd.s32 s11, s0;
	s18 =	sadd.s32 s15, s0  }
.Ltmp0:
0x17: {  	s21 =	sadd.s32 $0xC000, s9;
	[dreg:$0x9] =	wrdreg s10;
	(pc) =	sbr.rel .LBB2_1-.Ltmp0, $4  }
0x18: {  	s26 =	sshll.u32 s16, $0x7;
	s20 =	sshll.u32 s4, $0x4;
	[dreg:$0xa] =	wrdreg s24  }
0x19: {  	s19 =	sadd.s32 s19, s0;
	s4 =	sshll.u32 s4, $0x7;
	s24 =	sadd.s32 s26, s2  }
0x1a: {  	s26 =	sadd.s32 $0x10000, s9;
	s10 =	simm.s32 $0x0;
	s20 =	sadd.s32 s20, s0  }
0x1b: {  	v0 =	vimm.f32 $0.0e+00;
	s25 =	sadd.s32 s4, s2;
	s0 =	simm.s32 $0x1;
	s4 =	simm.s32 $0x2  }
.LBB2_11:
0x1c: {  	_ =	swait.ge [sflag:s4], $0x4000  }
0x1d: {  	[sflag:s4] =	ssyncset.done $0x0  }
0x1e: {  	[sflag:s4] =	ssyncadd.s32 $0xFFFFC000  }
0x1f: {  	[bflag:$0x0] =	sbarrier.arrive $0xFFFF  }
0x20: {  	[tilespmem:s28], [sflag:$0x4] =	stream.linear.gather [spmem:s9], $0x4000, $0x38;
	[tilespmem:$0x1D000] =	vst v63  }
0x21: {  	_ =	swait.ge [sflag:s29], $0x4000  }
0x22: {  	[sflag:s29] =	ssyncset.done $0x0  }
0x23: {  	s11 =	rddreg [dreg:$0x9];
	[sflag:s29] =	ssyncadd.s32 $0xFFFFC000  }
0x24: {  	[hbm4b:s11+s3] =	stream.linear.scatter [tilespmem:s28], [sflag:$0x4], $0x4000, $0x38;
	[tilespmem:$0x1D000] =	vst v63  }
0x25: {  	_ =	swait.ge [sflag:s29], $0x4000  }
0x26: {  	[sflag:s29] =	ssyncset.done $0x0  }
0x27: {  	[sflag:s29] =	ssyncadd.s32 $0xFFFFC000  }
0x28: {  	[tilespmem:s28], [sflag:$0x4] =	stream.linear.gather [spmem:s22], $0x4000, $0x38;
	[tilespmem:$0x1D000] =	vst v63  }
0x29: {  	_ =	swait.ge [sflag:s29], $0x4000  }
0x2a: {  	[sflag:s29] =	ssyncset.done $0x0  }
0x2b: {  	s16 =	rddreg [dreg:$0xa];
	[sflag:s29] =	ssyncadd.s32 $0xFFFFC000  }
0x2c: {  	[hbm4b:s16+s3] =	stream.linear.scatter [tilespmem:s28], [sflag:$0x4], $0x4000, $0x38;
	[tilespmem:$0x1D000] =	vst v63  }
0x2d: {  	_ =	swait.ge [sflag:s29], $0x4000  }
0x2e: {  	[sflag:s29] =	ssyncset.done $0x0  }
0x2f: {  	[sflag:s29] =	ssyncadd.s32 $0xFFFFC000  }
0x30: {  	[tilespmem:s28], [sflag:$0x4] =	stream.linear.gather [spmem:s23], $0x4000, $0x38;
	[tilespmem:$0x1D000] =	vst v63  }
0x31: {  	_ =	swait.ge [sflag:s29], $0x4000  }
0x32: {  	[sflag:s29] =	ssyncset.done $0x0  }
0x33: {  	[sflag:s29] =	ssyncadd.s32 $0xFFFFC000  }
0x34: {  	[hbm4b:s18+s3] =	stream.linear.scatter [tilespmem:s28], [sflag:$0x4], $0x4000, $0x38;
	[tilespmem:$0x1D000] =	vst v63  }
0x35: {  	_ =	swait.ge [sflag:s29], $0x4000  }
0x36: {  	[sflag:s29] =	ssyncset.done $0x0  }
0x37: {  	[sflag:s29] =	ssyncadd.s32 $0xFFFFC000  }
0x38: {  	[tilespmem:s28], [sflag:$0x4] =	stream.linear.gather [spmem:s24], $0x4000, $0x38;
	[tilespmem:$0x1D000] =	vst v63  }
0x39: {  	_ =	swait.ge [sflag:s29], $0x4000  }
0x3a: {  	[sflag:s29] =	ssyncset.done $0x0  }
0x3b: {  	[sflag:s29] =	ssyncadd.s32 $0xFFFFC000  }
0x3c: {  	[hbm4b:s19+s3] =	stream.linear.scatter [tilespmem:s28], [sflag:$0x4], $0x4000, $0x38;
	[tilespmem:$0x1D000] =	vst v63  }
0x3d: {  	_ =	swait.ge [sflag:s29], $0x4000  }
0x3e: {  	[sflag:s29] =	ssyncset.done $0x0  }
0x3f: {  	[sflag:s29] =	ssyncadd.s32 $0xFFFFC000  }
0x40: {  	[tilespmem:s28], [sflag:$0x4] =	stream.linear.gather [spmem:s25], $0x4000, $0x38;
	[tilespmem:$0x1D000] =	vst v63  }
0x41: {  	_ =	swait.ge [sflag:s29], $0x4000  }
0x42: {  	[sflag:s29] =	ssyncset.done $0x0  }
0x43: {  	[sflag:s29] =	ssyncadd.s32 $0xFFFFC000  }
0x44: {  	[hbm4b:s20+s3] =	stream.linear.scatter [tilespmem:s28], [sflag:$0x4], $0x4000, $0x38;
	[tilespmem:$0x1D000] =	vst v63  }
0x45: {  	_ =	swait.ge [sflag:s29], $0x4000  }
0x46: {  	s10 =	sadd.s32 $0x1, s10;
	s17 =	rddreg [dreg:$0x6]  }
0x47: {  	p0 =	sne.s32 s10, s17  }
.Ltmp1:
0x48: {  	_ = 	snop;
	(pc) =	sbr.rel @!p0 .LBB2_12-.Ltmp1, $3  }
0x49: {  	_ =	sdelay $0x1  }
0x4a: {  	[sflag:s29] =	ssyncset.done $0x0  }
0x4b: {  	[sflag:s29] =	ssyncadd.s32 $0xFFFFC000  }
.LBB2_1:
0x4c: {  	s11 =	simm.s32 $0x10;
	s13 =	sand.u32 $0x3FF0, s3  }
.LBB2_2:
0x4d: {  	p0 =	sne.s32 s11, $0x3FF0;
	[tilespmem:s13+$0x1000] =	vst v0;
	s13 =	smov.u32 s11;
	s11 =	sadd.s32 $0x10, s11  }
.Ltmp2:
0x4e: {  	(pc) =	sbr.rel @p0 .LBB2_2-.Ltmp2, $2  }
0x4f: {  	_ =	sdelay $0x2  }
0x50: {  	s13 =	sand.u32 $0x3FF0, s13  }
0x51: {  	[tilespmem:s13+$0x1000] =	vst v0  }
0x52: {  	[spmem:s9] =	stream.linear.scatter [tilespmem:s28], [sflag:$0x4], $0x4000, $0x38;
	[tilespmem:$0x1D000] =	vst v63  }
0x53: {  	_ =	swait.ge [sflag:s29], $0x4000  }
0x54: {  	[sflag:s29] =	ssyncset.done $0x0  }
0x55: {  	s11 =	rddreg [dreg:$0x7];
	[sflag:s29] =	ssyncadd.s32 $0xFFFFC000  }
0x56: {  	[spmem:s11] =	stream.linear.scatter [tilespmem:s28], [sflag:$0x4], $0x4000, $0x38;
	[tilespmem:$0x1D000] =	vst v63  }
0x57: {  	_ =	swait.ge [sflag:s29], $0x4000  }
0x58: {  	[sflag:s29] =	ssyncset.done $0x0  }
0x59: {  	s15 =	rddreg [dreg:$0x8];
	[sflag:s29] =	ssyncadd.s32 $0xFFFFC000  }
0x5a: {  	[spmem:s15] =	stream.linear.scatter [tilespmem:s28], [sflag:$0x4], $0x4000, $0x38;
	[tilespmem:$0x1D000] =	vst v63  }
0x5b: {  	_ =	swait.ge [sflag:s29], $0x4000  }
0x5c: {  	[sflag:s29] =	ssyncset.done $0x0  }
0x5d: {  	[sflag:s29] =	ssyncadd.s32 $0xFFFFC000  }
0x5e: {  	[spmem:s21] =	stream.linear.scatter [tilespmem:s28], [sflag:$0x4], $0x4000, $0x38;
	[tilespmem:$0x1D000] =	vst v63  }
0x5f: {  	_ =	swait.ge [sflag:s29], $0x4000  }
0x60: {  	[sflag:s29] =	ssyncset.done $0x0  }
0x61: {  	[sflag:s29] =	ssyncadd.s32 $0xFFFFC000  }
0x62: {  	[spmem:s26] =	stream.linear.scatter [tilespmem:s28], [sflag:$0x4], $0x4000, $0x38;
	[tilespmem:$0x1D000] =	vst v63  }
0x63: {  	_ =	swait.ge [sflag:s29], $0x4000  }
0x64: {  	[sflag:s29] =	ssyncset.done $0x0  }
0x65: {  	[sflag:s29] =	ssyncadd.s32 $0xFFFFC000  }
0x66: {  	[bflag:$0x0] =	sbarrier.arrive $0xFFFF  }
0x67: {  	s11 =	simm.s32 $0x0;
	s16 =	rddreg [dreg:$0x4]  }
0x68: {  	[tilespmem:s11], [sflag:$0x4] =	stream.linear.gather [hbm4b:s16+s11], $0x400, $0x38;
	[tilespmem:$0x1D000] =	vst v63  }
0x69: {  	_ =	swait.ge [sflag:s29], $0x400  }
0x6a: {  	[sflag:s29] =	ssyncset.done $0x0  }
0x6b: {  	s14 =	simm.s32 $0x800;
	s17 =	rddreg [dreg:$0x5];
	[sflag:s29] =	ssyncadd.s32 $0xFFFFFC00  }
0x6c: {  	[tilespmem:s14], [sflag:$0x4] =	stream.linear.gather [hbm4b:s17+s11], $0x400, $0x38;
	[tilespmem:$0x1D000] =	vst v63  }
.Ltmp3:
0x6d: {  	_ = 	snop;
	(pc) =	sbr.rel .LBB2_4-.Ltmp3, $4  }
0x6e: {  	_ =	swait.ge [sflag:s29], $0x400  }
0x6f: {  	[sflag:s29] =	ssyncset.done $0x0  }
0x70: {  	[sflag:s29] =	ssyncadd.s32 $0xFFFFFC00  }
0x71: {  	[tilespmem:s28], [sflag:$0x1] =	stream.indirect.gather [hbm4b:s1+s31], $0x80, s11, s31, $0xb8;
	[tilespmem:$0x1D000] =	vst v63  }
.LBB2_6:
0x72: {  	p0 =	sne.s32 s15, $0x7;
	s11 =	sadd.s32 $0x1, s11  }
0x73: {  	p1 =	sge.u32 @!p0 s11, s7  }
0x74: {  	p0 =	por p0, p1  }
.Ltmp4:
0x75: {  	_ = 	snop;
	(pc) =	sbr.rel @p0 .LBB2_8-.Ltmp4, $1  }
0x76: {  	_ =	sdelay $0x3  }
0x77: {  	_ =	swait.ge [sflag:s30], $0x400  }
0x78: {  	[sflag:s30] =	ssyncset.done $0x0  }
0x79: {  	[sflag:s30] =	ssyncadd.s32 $0xFFFFFC00  }
0x7a: {  	_ =	swait.ge [sflag:s30], $0x400  }
0x7b: {  	[sflag:s30] =	ssyncset.done $0x0  }
0x7c: {  	[sflag:s30] =	ssyncadd.s32 $0xFFFFFC00  }
.LBB2_9:
0x7d: {  	s15 =	sshll.u32 s14, $0x7;
	s16 =	sshll.u32 s11, $0x7  }
0x7e: {  	s15 =	ssub.s32 $0x5000, s15;
	s16 =	sand.u32 $0x780, s16  }
0x7f: {  	[tilespmem:s15], [sflag:$0x1] =	stream.indirect.gather [hbm4b:s1+s31], $0x80, s16, s31, $0xb8;
	[tilespmem:$0x1D000] =	vst v63  }
.LBB2_10:
0x80: {  	p0 =	slt.u32 s11, s7  }
.Ltmp5:
0x81: {  	_ = 	snop;
	(pc) =	sbr.rel @!p0 .LBB2_11-.Ltmp5, $4  }
0x82: {  	_ = 	snop  }
0x83: {  	s14 =	sshll.u32 s14, $0x7;
	s13 =	sand.u32 $0x780, s13  }
0x84: {  	s14 =	sadd.s32 $0x1000, s14;
	s13 =	sor.u32 $0x800, s13  }
0x85: {  	[spmem:s2] =	stream.indirect.scatter.add.f32 [tilespmem:s14], [sflag:$0x2], $0x80, s13, s31, $0xb8;
	[tilespmem:$0x1D000] =	vst v63  }
.LBB2_4:
0x86: {  	s13 =	sshrl.u32 s11, $0x3;
	s15 =	sand.u32 $0x7, s11  }
0x87: {  	p1 =	sne.s32 s15, $0x0;
	s16 =	sadd.s32 $0x1, s13  }
0x88: {  	p2 =	sge.u32 @!p1 s16, s8  }
0x89: {  	_ =	swait.ge [sflag:s0], $0x4000;
	p1 =	por p1, p2  }
.Ltmp6:
0x8a: {  	p0 =	seq.s32 s11, $0x0;
	[sflag:s0] =	ssyncset.done $0x0;
	(pc) =	sbr.rel @p1 .LBB2_6-.Ltmp6, $4  }
0x8b: {  	s17 =	simm.s32 @!p0 $0x2;
	[sflag:s0] =	ssyncadd.s32 $0xFFFFC000  }
0x8c: {  	_ =	swait.ge @!p0 [sflag:s17], $0x4000  }
0x8d: {  	s13 =	sshll.u32 s11, $0x7;
	[sflag:s17] =	ssyncset.done @!p0 $0x0  }
0x8e: {  	s14 =	sand.u32 $0x80, s13;
	[sflag:s17] =	ssyncadd.s32 @!p0 $0xFFFFC000  }
0x8f: {  	s15 =	sadd.s32 s12, s16;
	s11 =	sor.u32 $0x1, s11  }
0x90: {  	s15 =	sshll.u32 s15, $0x7;
	p0 =	slt.u32 s11, s7  }
.Ltmp7:
0x91: {  	s17 =	sxor.u32 $0xFFFFFFFF, s13;
	s15 =	sand.u32 $0x1FFFFF80, s15;
	(pc) =	sbr.rel @p0 .LBB2_9-.Ltmp7, $4  }
.Ltmp8:
0x92: {  	s16 =	sand.u32 $0x400, s17;
	s17 =	sadd.s32 s5, s15;
	(pc) =	sbr.rel @!p0 .LBB2_10-.Ltmp8, $4  }
0x93: {  	[tilespmem:s16], [sflag:$0x3] =	stream.linear.gather [hbm4b:s17+s3], $0x400, $0x38;
	[tilespmem:$0x1D000] =	vst v63  }
0x94: {  	s15 =	sadd.s32 s6, s15;
	s16 =	sor.u32 $0x800, s16  }
0x95: {  	[tilespmem:s16], [sflag:$0x3] =	stream.linear.gather [hbm4b:s15+s3], $0x400, $0x38;
	[tilespmem:$0x1D000] =	vst v63  }
0x96: {  	_ = 	snop  }
.LBB2_8:
0x97: {  	p0 =	sge.u32 s11, s7  }
.Ltmp9:
0x98: {  	_ = 	snop;
	(pc) =	sbr.rel @p0 .LBB2_10-.Ltmp9, $4  }
.Ltmp10:
0x99: {  	_ = 	snop;
	(pc) =	sbr.rel @!p0 .LBB2_9-.Ltmp10, $4  }
0x9a: {  	_ = 	snop  }
0x9b: {  	_ = 	snop  }
0x9c: {  	_ = 	snop  }
0x9d: {  	_ = 	snop  }
.LBB2_12:
0x9e: {  	_ =	sfence.sel $0x180000  }
0x9f: {  	[bflag:$0x0] =	sbarrier.arrive $0xFFFF  }
0xa0: {  	_ =	strace $0x9000004A  }
0xa1: {  	s0 =	stileid.u32;
	[bflag:$0x2] =	sbarrier.arrive $0xFFFF  }
0xa2: {  	p0 =	sne.s32 s0, $0x0;
	s0 =	rddreg [dreg:$0x3]  }
0xa3: {  	s0 =	sadd.s32 @!p0 $0x100000, s0  }
0xa4: {  	[sflag:s0] =	ssyncadd.tile.s32 @!p0 $0x1;
	_ =	shalt  }
.Lfunc_end2:
_tile_overlayer_lowered:
.L_overlay_start_2:
0xa5: {  	(tag) =	ssettag $0x2  }
0xa6: {  	s0 =	rddreg [dreg:$0x0];
	s2 =	stileid.u32  }
0xa7: {  	s1 =	rddreg [dreg:$0x1];
	p0 =	sne.s32 s2, $0x0  }
0xa8: {  	s3 =	rddreg [dreg:$0x2];
	[bflag:$0x3] =	sbarrier.arrive $0xFFFF;
	s2 =	simm.s32 @!p0 $0x1C04  }
0xa9: {  	[timem:s3], [sflag:s2] =	dma.local @!p0 [hbm:s0], s1  }
0xaa: {  	s0 =	simm.s32 @!p0 $0x4  }
0xab: {  	_ =	swait.ge @!p0 [sflag:s0], s1  }
0xac: {  	s1 =	ssub.s32 @!p0 $0x0, s1;
	[sflag:s0] =	ssyncset.done @!p0 $0x0  }
0xad: {  	[sflag:s0] =	ssyncadd.s32 @!p0 s1  }
0xae: {  	[bflag:$0x3] =	sbarrier.arrive $0xFFFF  }
0xaf: {  	_ =	shalt  }

// kernel: kernel.14.cloned.1.call-start
scs
__scs_entry_jumppad:
0x0: {  	(pc) =	sbr.rel $0x88, $3  }
0x1: {  	(tag) =	ssettag $0x0;
	lr =	simm.s32 $0x1  }
0x2: {  	[smem:$0x3F9B] =	sst lr;
	_ =	strace $0xD0000000  }
0x3: {  	_ = 	snop  }
0x4: {  	_ = 	snop  }
0x5: {  	_ = 	snop  }
0x6: {  	_ = 	snop  }
0x7: {  	_ = 	snop  }
__scs_overlays_trampoline_lowered:
0x8: {  	[smem:$0x3FAA] =	sst s0  }
0x9: {  	[smem:$0x3FAB] =	sst s1  }
0xa: {  	[smem:$0x3FAC] =	sst s2  }
0xb: {  	[smem:$0x3FAD] =	sst s3  }
0xc: {  	[smem:$0x3FAE] =	sst s4  }
0xd: {  	[smem:$0x3FAF] =	sst s5  }
0xe: {  	[smem:$0x3FB0] =	sst s6  }
0xf: {  	[smem:$0x3FB1] =	sst s7  }
0x10: {  	[smem:$0x3FB2] =	sst s8  }
0x11: {  	[smem:$0x3FB3] =	sst s9;
	s0 =	simm.s32 @!p0 $0x0  }
0x12: {  	s1 =	sld [smem:$0x3F99];
	s0 =	simm.s32 @p0 $0x1  }
0x13: {  	[smem:$0x3FB4] =	sst s0;
	s0 =	simm.s32 @!p1 $0x0  }
0x14: {  	s2 =	sld [smem:$0x3F98];
	s0 =	simm.s32 @p1 $0x1  }
0x15: {  	[smem:$0x3FB5] =	sst s0;
	s0 =	simm.s32 @!p2 $0x0  }
0x16: {  	s3 =	sld [smem:$0x3FDB];
	s0 =	simm.s32 @p2 $0x1  }
0x17: {  	s4 =	simm.s32 $0x1BF5;
	[smem:$0x3FB7] =	sst s0  }
0x18: {  	s0 =	sld [smem:$0x3F9A];
	_ =	swait.ge [sflag:s4], $0x0  }
0x19: {  	s7 =	sld [smem:$0x3F9B]  }
0x1a: {  	s8 =	sadd.s32 $0xFFFFE003, lr  }
0x1b: {  	s9 =	sadd.s32 $0xFFFFFEF7, lr;
	s5 =	simm.s32 $0xFFFFFFFF;
	p2 =	slt.u32 s8, $0xFFFFF086  }
0x1c: {  	p1 =	slt.u32 s9, $0xF7A;
	s5 =	simm.s32 @!p2 $0x0  }
0x1d: {  	s5 =	simm.s32 @p1 $0x1;
	p0 =	seq.s32 s7, s2  }
0x1e: {  	s7 =	smul.u32 @!p0 $0xF7A, s2;
	p2 =	seq.s32 @!p0 s5, $0x0  }
0x1f: {  	s9 =	smul.u32 $0xF7A, s1;
	s8 =	simm.s32 @!p0 $0x1BF5;
	p2 =	por !p2, p0  }
0x20: {  	[sflag:s8] =	ssyncset.s32 @!p0 $0xFFFFF086;
	s6 =	sadd.s32 @!p0 s3, s7;
	s7 =	simm.s32 @!p0 $0x108  }
0x21: {  	s3 =	sadd.s32 s3, s9;
	s6 =	sadd.s32 @!p0 $0x88, s6;
	s7 =	simm.s32 @p2 $0x1082  }
0x22: {  	[simem:s7], [sflag:s8] =	dma.local @!p0 [hbm:s6], $0xF7A  }
0x23: {  	s9 =	sor.u32 $0xD0000000, s2;
	s6 =	simm.s32 $0x108;
	_ =	swait.ge @!p0 [sflag:s8], $0x0  }
0x24: {  	s3 =	sadd.s32 $0x88, s3;
	s6 =	simm.s32 @!p1 $0x1082;
	[sflag:s4] =	ssyncset.s32 $0xFFFFF086  }
0x25: {  	[simem:s6], [sflag:s4] =	dma.local [hbm:s3], $0xF7A  }
0x26: {  	[smem:$0x3F9B] =	sst s1;
	(tag) =	ssettag s2;
	_ =	strace s9  }
0x27: {  	s1 =	sld [smem:$0x3FAB]  }
0x28: {  	s2 =	sld [smem:$0x3FAC]  }
0x29: {  	s4 =	sld [smem:$0x3FAE]  }
0x2a: {  	p0 =	seq.s32 s5, $0x0;
	s5 =	sld [smem:$0x3FAF]  }
0x2b: {  	s6 =	sld [smem:$0x3FB0]  }
0x2c: {  	s7 =	sld [smem:$0x3FB1]  }
0x2d: {  	s3 =	simm.s32 $0x108;
	s8 =	sld [smem:$0x3FB2]  }
0x2e: {  	s3 =	simm.s32 @!p0 $0x1082;
	s9 =	sld [smem:$0x3FB3]  }
0x2f: {  	lr =	sadd.s32 s0, s3;
	s0 =	sld [smem:$0x3FAA]  }
0x30: {  	s3 =	sld [smem:$0x3FAD]  }
0x31: {  	[smem:$0x3FB6] =	sst s10  }
0x32: {  	s10 =	sld [smem:$0x3FB4];
	_ =	sdelay $0x3  }
0x33: {  	p0 =	seq.s32 s10, $0x1;
	s10 =	sld [smem:$0x3FB6];
	_ =	sdelay $0x3  }
0x34: {  	[smem:$0x3FB6] =	sst s10  }
0x35: {  	s10 =	sld [smem:$0x3FB5];
	_ =	sdelay $0x3  }
0x36: {  	p1 =	seq.s32 s10, $0x1;
	s10 =	sld [smem:$0x3FB6];
	_ =	sdelay $0x3  }
0x37: {  	[smem:$0x3FB6] =	sst s10  }
0x38: {  	s10 =	sld [smem:$0x3FB7]  }
0x39: {  	_ = 	snop;
	(pc) =	sbr.ind lr, $3  }
0x3a: {  	_ = 	snop  }
0x3b: {  	_ = 	snop  }
0x3c: {  	p2 =	seq.s32 s10, $0x1;
	s10 =	sld [smem:$0x3FB6]  }
0x3d: {  	_ =	shalt  }
0x3e: {  	_ =	shalt  }
0x3f: {  	_ =	shalt  }
0x40: {  	_ =	shalt  }
0x41: {  	_ =	shalt  }
0x42: {  	_ =	shalt  }
0x43: {  	_ =	shalt  }
0x44: {  	_ =	shalt  }
0x45: {  	_ =	shalt  }
0x46: {  	_ =	shalt  }
0x47: {  	_ =	shalt  }
0x48: {  	_ =	shalt  }
0x49: {  	_ =	shalt  }
0x4a: {  	_ =	shalt  }
0x4b: {  	_ =	shalt  }
0x4c: {  	_ =	shalt  }
0x4d: {  	_ =	shalt  }
0x4e: {  	_ =	shalt  }
0x4f: {  	_ =	shalt  }
0x50: {  	_ =	shalt  }
0x51: {  	_ =	shalt  }
0x52: {  	_ =	shalt  }
0x53: {  	_ =	shalt  }
0x54: {  	_ =	shalt  }
0x55: {  	_ =	shalt  }
0x56: {  	_ =	shalt  }
0x57: {  	_ =	shalt  }
0x58: {  	_ =	shalt  }
0x59: {  	_ =	shalt  }
0x5a: {  	_ =	shalt  }
0x5b: {  	_ =	shalt  }
0x5c: {  	_ =	shalt  }
0x5d: {  	_ =	shalt  }
0x5e: {  	_ =	shalt  }
0x5f: {  	_ =	shalt  }
0x60: {  	_ =	shalt  }
0x61: {  	_ =	shalt  }
0x62: {  	_ =	shalt  }
0x63: {  	_ =	shalt  }
0x64: {  	_ =	shalt  }
0x65: {  	_ =	shalt  }
0x66: {  	_ =	shalt  }
0x67: {  	_ =	shalt  }
0x68: {  	_ =	shalt  }
0x69: {  	_ =	shalt  }
0x6a: {  	_ =	shalt  }
0x6b: {  	_ =	shalt  }
0x6c: {  	_ =	shalt  }
0x6d: {  	_ =	shalt  }
0x6e: {  	_ =	shalt  }
0x6f: {  	_ =	shalt  }
0x70: {  	_ =	shalt  }
0x71: {  	_ =	shalt  }
0x72: {  	_ =	shalt  }
0x73: {  	_ =	shalt  }
0x74: {  	_ =	shalt  }
0x75: {  	_ =	shalt  }
0x76: {  	_ =	shalt  }
0x77: {  	_ =	shalt  }
0x78: {  	_ =	shalt  }
0x79: {  	_ =	shalt  }
0x7a: {  	_ =	shalt  }
0x7b: {  	_ =	shalt  }
0x7c: {  	_ =	shalt  }
0x7d: {  	_ =	shalt  }
0x7e: {  	_ =	shalt  }
0x7f: {  	_ =	shalt  }
0x80: {  	_ =	shalt  }
0x81: {  	_ =	shalt  }
0x82: {  	_ =	shalt  }
0x83: {  	_ =	shalt  }
0x84: {  	_ =	shalt  }
0x85: {  	_ =	shalt  }
0x86: {  	_ =	shalt  }
0x87: {  	_ =	shalt  }
.Lfunc_end0:
.L_simem_size_0:
called_computation.2_lowered:
.L_overlay_start_0:
0x88: {  	s2 =	sld [smem:$0x3FD9]  }
0x89: {  	s3 =	sld [smem:$0x3FFE];
	_ =	sdelay $0x1  }
0x8a: {  	s1 =	srdreg.scid  }
0x8b: {  	s0 =	sand.u32 $0x1, s1  }
0x8c: {  	s17 =	sshll.u32 s0, $0xA;
	s2 =	sadd.s32 s3, s2  }
0x8d: {  	s2 =	sadd.s32 s2, s17  }
0x8e: {  	[smem:$0x3FC2] =	sst s2  }
0x8f: {  	_ = 	snop  }
0x90: {  	s2 =	sld [smem:$0x3FD0];
	(tm) =	ssettm $0x1  }
0x91: {  	s18 =	sld [smem:$0x3FFB];
	_ =	sdelay $0x3  }
0x92: {  	_ =	strace s18  }
0x93: {  	s3 =	sld [smem:$0x3FFC];
	_ =	sdelay $0x3  }
0x94: {  	_ =	strace s3  }
0x95: {  	s3 =	sld [smem:$0x3FFD];
	_ =	sdelay $0x3  }
0x96: {  	_ =	strace s3  }
0x97: {  	_ =	strace $0x8FFFFFFF  }
0x98: {  	s19 =	sld [smem:$0x3FDB];
	_ =	sdelay $0x1  }
0x99: {  	s4 =	simm.s32 $_scs_section_size  }
0x9a: {  	s5 =	simm.s32 $_size__tile_overlayer_lowered;
	s6 =	simm.s32 $_tile_overlayer_lowered  }
0x9b: {  	s22 =	simm.s32 $0x1BFF;
	s21 =	sshll.u32 s6, $0x1;
	s3 =	sadd.s32 s4, s19  }
0x9c: {  	s7 =	simm.s32 $0x0;
	s20 =	sshll.u32 s5, $0x1;
	s5 =	sadd.s32 s21, s3  }
0x9d: {  	[timem:s7], [sflag:s22] =	dma.local [hbm:s5], s20  }
0x9e: {  	_ =	swait.ge [sflag:s22], s20  }
0x9f: {  	s4 =	ssub.s32 $0x0, s20;
	[sflag:s22] =	ssyncset.done $0x0  }
0xa0: {  	[sflag:s22] =	ssyncadd.s32 s4;
	_ =	sdelay $0x1  }
0xa1: {  	s23 =	simm.s32 $0x1B8B  }
0xa2: {  	_ =	swait.ge [sflag:s23], $0x1  }
0xa3: {  	[sflag:s23] =	ssyncset.done $0x0  }
0xa4: {  	s25 =	simm.s32 $0x1B8E;
	s24 =	sld [smem:$0x3FFE];
	[sflag:s23] =	ssyncadd.s32 $0xFFFFFFFF  }
0xa5: {  	s26 =	simm.s32 $execute0_lowered;
	[smem:$0x3FD2] =	sst s25  }
0xa6: {  	s5 =	sshll.u32 s26, $0x1;
	_ =	strace $0x8000004C;
	[dreg:$0x1] =	wrdreg $0xFFFFFFFF  }
0xa7: {  	s28 =	simm.s32 $_size_execute0_lowered;
	s3 =	sadd.s32 s3, s5;
	[dreg:$0x0] =	wrdreg $0x0  }
0xa8: {  	s5 =	sshll.u32 s28, $0x1;
	[dreg:$0x2] =	wrdreg s3  }
0xa9: {  	[dreg:$0x3] =	wrdreg s5  }
0xaa: {  	[dreg:$0x4] =	wrdreg $0xC0  }
0xab: {  	_ =	task [dreg:s7], $0x5FFFF  }
0xac: {  	[dreg:$0x1] =	wrdreg $0xFFFFFFFF  }
0xad: {  	[dreg:$0x0] =	wrdreg $0x60  }
0xae: {  	[dreg:$0x2] =	wrdreg s2  }
0xaf: {  	[dreg:$0x3] =	wrdreg s24  }
0xb0: {  	[dreg:$0x4] =	wrdreg $0x90000  }
0xb1: {  	[dreg:$0x5] =	wrdreg $0x9  }
0xb2: {  	_ =	task.clear_ibuf [dreg:s7], $0x6FFFF;
	_ =	strace $0x9000004C  }
0xb3: {  	s29 =	simm.s32 $0x9;
	_ =	strace $0x8000004E  }
0xb4: {  	_ =	swait.ge [sflag:s29], $0x1  }
0xb5: {  	[sflag:s29] =	ssyncadd.s32 $0xFFFFFFFF  }
0xb6: {  	_ =	strace $0x9000004E  }
0xb7: {  	_ =	sfence  }
0xb8: {  	s30 =	sld [smem:$0x0];
	_ =	sdelay $0x2  }
0xb9: {  	s31 =	sshll.u32 s1, $0xD;
	s1 =	sshrl.u32 s1, $0x2  }
0xba: {  	s3 =	sand.u32 $0x4000, s31;
	s1 =	sadd.s32 s1, s30  }
0xbb: {  	s0 =	sor.u32 s3, s0;
	s1 =	sshll.u32 s1, $0x11  }
0xbc: {  	s0 =	sor.u32 s1, s0  }
0xbd: {  	s0 =	sadd.s32 $0x8F2B, s0  }
0xbe: {  	[sflag:s0] =	ssyncadd.remote.s32 $0x1  }
0xbf: {  	_ =	sfence.sel $0xFFFF  }
0xc0: {  	[dreg:$0x0] =	wrdreg $0xFFFFFFFF;
	(pc) =	sbr.abs _section_cstart, $3  }
0xc1: {  	[dreg:$0x1] =	wrdreg $0xFFFFFFFF  }
0xc2: {  	_ =	task.clear_ibuf [dreg:s7], $0x2FFFF;
	_ =	strace $0x9FFFFFFF  }
0xc3: {  	(tm) =	ssettm $0x7FFFFFFF  }
tec
execute0_lowered:
.L_overlay_start_1:
0x0: {  	(tag) =	ssettag $0x1  }
0x1: {  	s1 =	rddreg [dreg:$0x0]  }
0x2: {  	s0 =	rddreg [dreg:$0x1]  }
0x3: {  	s2 =	rddreg [dreg:$0x2]  }
0x4: {  	s4 =	srdreg.scid;
	s3 =	simm.s32 $0x0;
	s13 =	stileid.u32  }
0x5: {  	s28 =	simm.s32 $0x1000;
	s29 =	simm.s32 $0x4;
	s9 =	smul.u32 $0x98, s13  }
0x6: {  	s31 =	simm.s32 $0x80;
	s30 =	simm.s32 $0x3;
	s14 =	smul.u32 $0x50000, s13  }
0x7: {  	s4 =	sand.u32 $0x1, s4;
	[smem:$0x7FF] =	sst s3;
	s17 =	smul.u32 $0x280, s13  }
0x8: {  	s5 =	sadd.s32 $0x5C400, s0;
	s6 =	sadd.s32 $0x2400, s0;
	s21 =	smul.u32 $0x2800, s13  }
0x9: {  	s10 =	sshll.u32 s13, $0x3;
	s7 =	smul.u32 $0x28000, s4;
	_ =	strace $0x8000004D  }
0xa: {  	s12 =	ssub.s32 $0x2, s4;
	p0 =	seq.s32 s4, $0x0;
	s4 =	sor.u32 $0x980, s10  }
0xb: {  	s8 =	sshrl.u32 s12, $0x1;
	s4 =	smov.u32 @p0 s9;
	s15 =	sshrl.u32 s14, $0x2  }
0xc: {  	s22 =	sadd.s32 $0x80, s17;
	s14 =	sadd.s32 $0x100, s17;
	s0 =	sadd.s32 s7, s0  }
0xd: {  	s11 =	ssub.s32 s12, s8;
	s7 =	simm.s32 $0x98;
	s16 =	sshll.u32 s4, $0x4  }
0xe: {  	s9 =	sadd.s32 s15, s2;
	s23 =	sshll.u32 s22, $0x7;
	s15 =	sshll.u32 s14, $0x4  }
0xf: {  	s25 =	sshll.u32 s14, $0x7;
	s7 =	simm.s32 @!p0 $0x8;
	s12 =	sadd.s32 s5, s16  }
0x10: {  	s10 =	sadd.s32 s6, s16;
	s0 =	sadd.s32 $0xC400, s0;
	s18 =	smax.u32 s11, $0x1  }
0x11: {  	s19 =	sadd.s32 $0x4000, s9;
	s20 =	sadd.s32 $0x8000, s9;
	[dreg:$0x4] =	wrdreg s12  }
0x12: {  	s11 =	sshll.u32 s22, $0x4;
	s16 =	sadd.s32 $0x180, s17;
	[dreg:$0x5] =	wrdreg s10  }
0x13: {  	s22 =	sadd.s32 s23, s2;
	s23 =	sadd.s32 s25, s2;
	[dreg:$0x6] =	wrdreg s18  }
0x14: {  	s8 =	sshrl.u32 s7, $0x3;
	s12 =	sshrl.u32 s4, $0x3;
	[dreg:$0x7] =	wrdreg s19  }
0x15: {  	[dreg:$0x8] =	wrdreg s20;
	s4 =	sadd.s32 $0x200, s17;
	s19 =	sshll.u32 s16, $0x4  }
0x16: {  	s10 =	sadd.s32 s21, s0;
	s24 =	sadd.s32 s11, s0;
	s18 =	sadd.s32 s15, s0  }
.Ltmp0:
0x17: {  	s21 =	sadd.s32 $0xC000, s9;
	[dreg:$0x9] =	wrdreg s10;
	(pc) =	sbr.rel .LBB2_1-.Ltmp0, $4  }
0x18: {  	s26 =	sshll.u32 s16, $0x7;
	s20 =	sshll.u32 s4, $0x4;
	[dreg:$0xa] =	wrdreg s24  }
0x19: {  	s19 =	sadd.s32 s19, s0;
	s4 =	sshll.u32 s4, $0x7;
	s24 =	sadd.s32 s26, s2  }
0x1a: {  	s26 =	sadd.s32 $0x10000, s9;
	s10 =	simm.s32 $0x0;
	s20 =	sadd.s32 s20, s0  }
0x1b: {  	v0 =	vimm.f32 $0.0e+00;
	s25 =	sadd.s32 s4, s2;
	s0 =	simm.s32 $0x1;
	s4 =	simm.s32 $0x2  }
.LBB2_11:
0x1c: {  	_ =	swait.ge [sflag:s4], $0x4000  }
0x1d: {  	[sflag:s4] =	ssyncset.done $0x0  }
0x1e: {  	[sflag:s4] =	ssyncadd.s32 $0xFFFFC000  }
0x1f: {  	[bflag:$0x0] =	sbarrier.arrive $0xFFFF  }
0x20: {  	[tilespmem:s28], [sflag:$0x4] =	stream.linear.gather [spmem:s9], $0x4000, $0x38;
	[tilespmem:$0x1D000] =	vst v63  }
0x21: {  	_ =	swait.ge [sflag:s29], $0x4000  }
0x22: {  	[sflag:s29] =	ssyncset.done $0x0  }
0x23: {  	s11 =	rddreg [dreg:$0x9];
	[sflag:s29] =	ssyncadd.s32 $0xFFFFC000  }
0x24: {  	[hbm4b:s11+s3] =	stream.linear.scatter [tilespmem:s28], [sflag:$0x4], $0x4000, $0x38;
	[tilespmem:$0x1D000] =	vst v63  }
0x25: {  	_ =	swait.ge [sflag:s29], $0x4000  }
0x26: {  	[sflag:s29] =	ssyncset.done $0x0  }
0x27: {  	[sflag:s29] =	ssyncadd.s32 $0xFFFFC000  }
0x28: {  	[tilespmem:s28], [sflag:$0x4] =	stream.linear.gather [spmem:s22], $0x4000, $0x38;
	[tilespmem:$0x1D000] =	vst v63  }
0x29: {  	_ =	swait.ge [sflag:s29], $0x4000  }
0x2a: {  	[sflag:s29] =	ssyncset.done $0x0  }
0x2b: {  	s16 =	rddreg [dreg:$0xa];
	[sflag:s29] =	ssyncadd.s32 $0xFFFFC000  }
0x2c: {  	[hbm4b:s16+s3] =	stream.linear.scatter [tilespmem:s28], [sflag:$0x4], $0x4000, $0x38;
	[tilespmem:$0x1D000] =	vst v63  }
0x2d: {  	_ =	swait.ge [sflag:s29], $0x4000  }
0x2e: {  	[sflag:s29] =	ssyncset.done $0x0  }
0x2f: {  	[sflag:s29] =	ssyncadd.s32 $0xFFFFC000  }
0x30: {  	[tilespmem:s28], [sflag:$0x4] =	stream.linear.gather [spmem:s23], $0x4000, $0x38;
	[tilespmem:$0x1D000] =	vst v63  }
0x31: {  	_ =	swait.ge [sflag:s29], $0x4000  }
0x32: {  	[sflag:s29] =	ssyncset.done $0x0  }
0x33: {  	[sflag:s29] =	ssyncadd.s32 $0xFFFFC000  }
0x34: {  	[hbm4b:s18+s3] =	stream.linear.scatter [tilespmem:s28], [sflag:$0x4], $0x4000, $0x38;
	[tilespmem:$0x1D000] =	vst v63  }
0x35: {  	_ =	swait.ge [sflag:s29], $0x4000  }
0x36: {  	[sflag:s29] =	ssyncset.done $0x0  }
0x37: {  	[sflag:s29] =	ssyncadd.s32 $0xFFFFC000  }
0x38: {  	[tilespmem:s28], [sflag:$0x4] =	stream.linear.gather [spmem:s24], $0x4000, $0x38;
	[tilespmem:$0x1D000] =	vst v63  }
0x39: {  	_ =	swait.ge [sflag:s29], $0x4000  }
0x3a: {  	[sflag:s29] =	ssyncset.done $0x0  }
0x3b: {  	[sflag:s29] =	ssyncadd.s32 $0xFFFFC000  }
0x3c: {  	[hbm4b:s19+s3] =	stream.linear.scatter [tilespmem:s28], [sflag:$0x4], $0x4000, $0x38;
	[tilespmem:$0x1D000] =	vst v63  }
0x3d: {  	_ =	swait.ge [sflag:s29], $0x4000  }
0x3e: {  	[sflag:s29] =	ssyncset.done $0x0  }
0x3f: {  	[sflag:s29] =	ssyncadd.s32 $0xFFFFC000  }
0x40: {  	[tilespmem:s28], [sflag:$0x4] =	stream.linear.gather [spmem:s25], $0x4000, $0x38;
	[tilespmem:$0x1D000] =	vst v63  }
0x41: {  	_ =	swait.ge [sflag:s29], $0x4000  }
0x42: {  	[sflag:s29] =	ssyncset.done $0x0  }
0x43: {  	[sflag:s29] =	ssyncadd.s32 $0xFFFFC000  }
0x44: {  	[hbm4b:s20+s3] =	stream.linear.scatter [tilespmem:s28], [sflag:$0x4], $0x4000, $0x38;
	[tilespmem:$0x1D000] =	vst v63  }
0x45: {  	_ =	swait.ge [sflag:s29], $0x4000  }
0x46: {  	s10 =	sadd.s32 $0x1, s10;
	s17 =	rddreg [dreg:$0x6]  }
0x47: {  	p0 =	sne.s32 s10, s17  }
.Ltmp1:
0x48: {  	_ = 	snop;
	(pc) =	sbr.rel @!p0 .LBB2_12-.Ltmp1, $3  }
0x49: {  	_ =	sdelay $0x1  }
0x4a: {  	[sflag:s29] =	ssyncset.done $0x0  }
0x4b: {  	[sflag:s29] =	ssyncadd.s32 $0xFFFFC000  }
.LBB2_1:
0x4c: {  	s11 =	simm.s32 $0x10;
	s13 =	sand.u32 $0x3FF0, s3  }
.LBB2_2:
0x4d: {  	p0 =	sne.s32 s11, $0x3FF0;
	[tilespmem:s13+$0x1000] =	vst v0;
	s13 =	smov.u32 s11;
	s11 =	sadd.s32 $0x10, s11  }
.Ltmp2:
0x4e: {  	(pc) =	sbr.rel @p0 .LBB2_2-.Ltmp2, $2  }
0x4f: {  	_ =	sdelay $0x2  }
0x50: {  	s13 =	sand.u32 $0x3FF0, s13  }
0x51: {  	[tilespmem:s13+$0x1000] =	vst v0  }
0x52: {  	[spmem:s9] =	stream.linear.scatter [tilespmem:s28], [sflag:$0x4], $0x4000, $0x38;
	[tilespmem:$0x1D000] =	vst v63  }
0x53: {  	_ =	swait.ge [sflag:s29], $0x4000  }
0x54: {  	[sflag:s29] =	ssyncset.done $0x0  }
0x55: {  	s11 =	rddreg [dreg:$0x7];
	[sflag:s29] =	ssyncadd.s32 $0xFFFFC000  }
0x56: {  	[spmem:s11] =	stream.linear.scatter [tilespmem:s28], [sflag:$0x4], $0x4000, $0x38;
	[tilespmem:$0x1D000] =	vst v63  }
0x57: {  	_ =	swait.ge [sflag:s29], $0x4000  }
0x58: {  	[sflag:s29] =	ssyncset.done $0x0  }
0x59: {  	s15 =	rddreg [dreg:$0x8];
	[sflag:s29] =	ssyncadd.s32 $0xFFFFC000  }
0x5a: {  	[spmem:s15] =	stream.linear.scatter [tilespmem:s28], [sflag:$0x4], $0x4000, $0x38;
	[tilespmem:$0x1D000] =	vst v63  }
0x5b: {  	_ =	swait.ge [sflag:s29], $0x4000  }
0x5c: {  	[sflag:s29] =	ssyncset.done $0x0  }
0x5d: {  	[sflag:s29] =	ssyncadd.s32 $0xFFFFC000  }
0x5e: {  	[spmem:s21] =	stream.linear.scatter [tilespmem:s28], [sflag:$0x4], $0x4000, $0x38;
	[tilespmem:$0x1D000] =	vst v63  }
0x5f: {  	_ =	swait.ge [sflag:s29], $0x4000  }
0x60: {  	[sflag:s29] =	ssyncset.done $0x0  }
0x61: {  	[sflag:s29] =	ssyncadd.s32 $0xFFFFC000  }
0x62: {  	[spmem:s26] =	stream.linear.scatter [tilespmem:s28], [sflag:$0x4], $0x4000, $0x38;
	[tilespmem:$0x1D000] =	vst v63  }
0x63: {  	_ =	swait.ge [sflag:s29], $0x4000  }
0x64: {  	[sflag:s29] =	ssyncset.done $0x0  }
0x65: {  	[sflag:s29] =	ssyncadd.s32 $0xFFFFC000  }
0x66: {  	[bflag:$0x0] =	sbarrier.arrive $0xFFFF  }
0x67: {  	s11 =	simm.s32 $0x0;
	s16 =	rddreg [dreg:$0x4]  }
0x68: {  	[tilespmem:s11], [sflag:$0x4] =	stream.linear.gather [hbm4b:s16+s11], $0x400, $0x38;
	[tilespmem:$0x1D000] =	vst v63  }
0x69: {  	_ =	swait.ge [sflag:s29], $0x400  }
0x6a: {  	[sflag:s29] =	ssyncset.done $0x0  }
0x6b: {  	s14 =	simm.s32 $0x800;
	s17 =	rddreg [dreg:$0x5];
	[sflag:s29] =	ssyncadd.s32 $0xFFFFFC00  }
0x6c: {  	[tilespmem:s14], [sflag:$0x4] =	stream.linear.gather [hbm4b:s17+s11], $0x400, $0x38;
	[tilespmem:$0x1D000] =	vst v63  }
.Ltmp3:
0x6d: {  	_ = 	snop;
	(pc) =	sbr.rel .LBB2_4-.Ltmp3, $4  }
0x6e: {  	_ =	swait.ge [sflag:s29], $0x400  }
0x6f: {  	[sflag:s29] =	ssyncset.done $0x0  }
0x70: {  	[sflag:s29] =	ssyncadd.s32 $0xFFFFFC00  }
0x71: {  	[tilespmem:s28], [sflag:$0x1] =	stream.indirect.gather [hbm4b:s1+s31], $0x80, s11, s31, $0xb8;
	[tilespmem:$0x1D000] =	vst v63  }
.LBB2_6:
0x72: {  	p0 =	sne.s32 s15, $0x7;
	s11 =	sadd.s32 $0x1, s11  }
0x73: {  	p1 =	sge.u32 @!p0 s11, s7  }
0x74: {  	p0 =	por p0, p1  }
.Ltmp4:
0x75: {  	_ = 	snop;
	(pc) =	sbr.rel @p0 .LBB2_8-.Ltmp4, $1  }
0x76: {  	_ =	sdelay $0x3  }
0x77: {  	_ =	swait.ge [sflag:s30], $0x400  }
0x78: {  	[sflag:s30] =	ssyncset.done $0x0  }
0x79: {  	[sflag:s30] =	ssyncadd.s32 $0xFFFFFC00  }
0x7a: {  	_ =	swait.ge [sflag:s30], $0x400  }
0x7b: {  	[sflag:s30] =	ssyncset.done $0x0  }
0x7c: {  	[sflag:s30] =	ssyncadd.s32 $0xFFFFFC00  }
.LBB2_9:
0x7d: {  	s15 =	sshll.u32 s14, $0x7;
	s16 =	sshll.u32 s11, $0x7  }
0x7e: {  	s15 =	ssub.s32 $0x5000, s15;
	s16 =	sand.u32 $0x780, s16  }
0x7f: {  	[tilespmem:s15], [sflag:$0x1] =	stream.indirect.gather [hbm4b:s1+s31], $0x80, s16, s31, $0xb8;
	[tilespmem:$0x1D000] =	vst v63  }
.LBB2_10:
0x80: {  	p0 =	slt.u32 s11, s7  }
.Ltmp5:
0x81: {  	_ = 	snop;
	(pc) =	sbr.rel @!p0 .LBB2_11-.Ltmp5, $4  }
0x82: {  	_ = 	snop  }
0x83: {  	s14 =	sshll.u32 s14, $0x7;
	s13 =	sand.u32 $0x780, s13  }
0x84: {  	s14 =	sadd.s32 $0x1000, s14;
	s13 =	sor.u32 $0x800, s13  }
0x85: {  	[spmem:s2] =	stream.indirect.scatter.add.f32 [tilespmem:s14], [sflag:$0x2], $0x80, s13, s31, $0xb8;
	[tilespmem:$0x1D000] =	vst v63  }
.LBB2_4:
0x86: {  	s13 =	sshrl.u32 s11, $0x3;
	s15 =	sand.u32 $0x7, s11  }
0x87: {  	p1 =	sne.s32 s15, $0x0;
	s16 =	sadd.s32 $0x1, s13  }
0x88: {  	p2 =	sge.u32 @!p1 s16, s8  }
0x89: {  	_ =	swait.ge [sflag:s0], $0x4000;
	p1 =	por p1, p2  }
.Ltmp6:
0x8a: {  	p0 =	seq.s32 s11, $0x0;
	[sflag:s0] =	ssyncset.done $0x0;
	(pc) =	sbr.rel @p1 .LBB2_6-.Ltmp6, $4  }
0x8b: {  	s17 =	simm.s32 @!p0 $0x2;
	[sflag:s0] =	ssyncadd.s32 $0xFFFFC000  }
0x8c: {  	_ =	swait.ge @!p0 [sflag:s17], $0x4000  }
0x8d: {  	s13 =	sshll.u32 s11, $0x7;
	[sflag:s17] =	ssyncset.done @!p0 $0x0  }
0x8e: {  	s14 =	sand.u32 $0x80, s13;
	[sflag:s17] =	ssyncadd.s32 @!p0 $0xFFFFC000  }
0x8f: {  	s15 =	sadd.s32 s12, s16;
	s11 =	sor.u32 $0x1, s11  }
0x90: {  	s15 =	sshll.u32 s15, $0x7;
	p0 =	slt.u32 s11, s7  }
.Ltmp7:
0x91: {  	s17 =	sxor.u32 $0xFFFFFFFF, s13;
	s15 =	sand.u32 $0x1FFFFF80, s15;
	(pc) =	sbr.rel @p0 .LBB2_9-.Ltmp7, $4  }
.Ltmp8:
0x92: {  	s16 =	sand.u32 $0x400, s17;
	s17 =	sadd.s32 s5, s15;
	(pc) =	sbr.rel @!p0 .LBB2_10-.Ltmp8, $4  }
0x93: {  	[tilespmem:s16], [sflag:$0x3] =	stream.linear.gather [hbm4b:s17+s3], $0x400, $0x38;
	[tilespmem:$0x1D000] =	vst v63  }
0x94: {  	s15 =	sadd.s32 s6, s15;
	s16 =	sor.u32 $0x800, s16  }
0x95: {  	[tilespmem:s16], [sflag:$0x3] =	stream.linear.gather [hbm4b:s15+s3], $0x400, $0x38;
	[tilespmem:$0x1D000] =	vst v63  }
0x96: {  	_ = 	snop  }
.LBB2_8:
0x97: {  	p0 =	sge.u32 s11, s7  }
.Ltmp9:
0x98: {  	_ = 	snop;
	(pc) =	sbr.rel @p0 .LBB2_10-.Ltmp9, $4  }
.Ltmp10:
0x99: {  	_ = 	snop;
	(pc) =	sbr.rel @!p0 .LBB2_9-.Ltmp10, $4  }
0x9a: {  	_ = 	snop  }
0x9b: {  	_ = 	snop  }
0x9c: {  	_ = 	snop  }
0x9d: {  	_ = 	snop  }
.LBB2_12:
0x9e: {  	_ =	sfence.sel $0x180000  }
0x9f: {  	[bflag:$0x0] =	sbarrier.arrive $0xFFFF  }
0xa0: {  	_ =	strace $0x9000004D  }
0xa1: {  	s0 =	stileid.u32;
	[bflag:$0x2] =	sbarrier.arrive $0xFFFF  }
0xa2: {  	p0 =	sne.s32 s0, $0x0;
	s0 =	rddreg [dreg:$0x3]  }
0xa3: {  	s0 =	sadd.s32 @!p0 $0x100000, s0  }
0xa4: {  	[sflag:s0] =	ssyncadd.tile.s32 @!p0 $0x1;
	_ =	shalt  }
.Lfunc_end2:
_tile_overlayer_lowered:
.L_overlay_start_2:
0xa5: {  	(tag) =	ssettag $0x2  }
0xa6: {  	s0 =	rddreg [dreg:$0x0];
	s2 =	stileid.u32  }
0xa7: {  	s1 =	rddreg [dreg:$0x1];
	p0 =	sne.s32 s2, $0x0  }
0xa8: {  	s3 =	rddreg [dreg:$0x2];
	[bflag:$0x3] =	sbarrier.arrive $0xFFFF;
	s2 =	simm.s32 @!p0 $0x1C04  }
0xa9: {  	[timem:s3], [sflag:s2] =	dma.local @!p0 [hbm:s0], s1  }
0xaa: {  	s0 =	simm.s32 @!p0 $0x4  }
0xab: {  	_ =	swait.ge @!p0 [sflag:s0], s1  }
0xac: {  	s1 =	ssub.s32 @!p0 $0x0, s1;
	[sflag:s0] =	ssyncset.done @!p0 $0x0  }
0xad: {  	[sflag:s0] =	ssyncadd.s32 @!p0 s1  }
0xae: {  	[bflag:$0x3] =	sbarrier.arrive $0xFFFF  }
0xaf: {  	_ =	shalt  }

// kernel: kernel.8.cloned.1.call-start
scs
__scs_entry_jumppad:
0x0: {  	(pc) =	sbr.rel $0x88, $3  }
0x1: {  	(tag) =	ssettag $0x0;
	lr =	simm.s32 $0x1  }
0x2: {  	[smem:$0x3F9B] =	sst lr;
	_ =	strace $0xD0000000  }
0x3: {  	_ = 	snop  }
0x4: {  	_ = 	snop  }
0x5: {  	_ = 	snop  }
0x6: {  	_ = 	snop  }
0x7: {  	_ = 	snop  }
__scs_overlays_trampoline_lowered:
0x8: {  	[smem:$0x3FAA] =	sst s0  }
0x9: {  	[smem:$0x3FAB] =	sst s1  }
0xa: {  	[smem:$0x3FAC] =	sst s2  }
0xb: {  	[smem:$0x3FAD] =	sst s3  }
0xc: {  	[smem:$0x3FAE] =	sst s4  }
0xd: {  	[smem:$0x3FAF] =	sst s5  }
0xe: {  	[smem:$0x3FB0] =	sst s6  }
0xf: {  	[smem:$0x3FB1] =	sst s7  }
0x10: {  	[smem:$0x3FB2] =	sst s8  }
0x11: {  	[smem:$0x3FB3] =	sst s9;
	s0 =	simm.s32 @!p0 $0x0  }
0x12: {  	s1 =	sld [smem:$0x3F99];
	s0 =	simm.s32 @p0 $0x1  }
0x13: {  	[smem:$0x3FB4] =	sst s0;
	s0 =	simm.s32 @!p1 $0x0  }
0x14: {  	s2 =	sld [smem:$0x3F98];
	s0 =	simm.s32 @p1 $0x1  }
0x15: {  	[smem:$0x3FB5] =	sst s0;
	s0 =	simm.s32 @!p2 $0x0  }
0x16: {  	s3 =	sld [smem:$0x3FDB];
	s0 =	simm.s32 @p2 $0x1  }
0x17: {  	s4 =	simm.s32 $0x1BF5;
	[smem:$0x3FB7] =	sst s0  }
0x18: {  	s0 =	sld [smem:$0x3F9A];
	_ =	swait.ge [sflag:s4], $0x0  }
0x19: {  	s7 =	sld [smem:$0x3F9B]  }
0x1a: {  	s8 =	sadd.s32 $0xFFFFE003, lr  }
0x1b: {  	s9 =	sadd.s32 $0xFFFFFEF7, lr;
	s5 =	simm.s32 $0xFFFFFFFF;
	p2 =	slt.u32 s8, $0xFFFFF086  }
0x1c: {  	p1 =	slt.u32 s9, $0xF7A;
	s5 =	simm.s32 @!p2 $0x0  }
0x1d: {  	s5 =	simm.s32 @p1 $0x1;
	p0 =	seq.s32 s7, s2  }
0x1e: {  	s7 =	smul.u32 @!p0 $0xF7A, s2;
	p2 =	seq.s32 @!p0 s5, $0x0  }
0x1f: {  	s9 =	smul.u32 $0xF7A, s1;
	s8 =	simm.s32 @!p0 $0x1BF5;
	p2 =	por !p2, p0  }
0x20: {  	[sflag:s8] =	ssyncset.s32 @!p0 $0xFFFFF086;
	s6 =	sadd.s32 @!p0 s3, s7;
	s7 =	simm.s32 @!p0 $0x108  }
0x21: {  	s3 =	sadd.s32 s3, s9;
	s6 =	sadd.s32 @!p0 $0x88, s6;
	s7 =	simm.s32 @p2 $0x1082  }
0x22: {  	[simem:s7], [sflag:s8] =	dma.local @!p0 [hbm:s6], $0xF7A  }
0x23: {  	s9 =	sor.u32 $0xD0000000, s2;
	s6 =	simm.s32 $0x108;
	_ =	swait.ge @!p0 [sflag:s8], $0x0  }
0x24: {  	s3 =	sadd.s32 $0x88, s3;
	s6 =	simm.s32 @!p1 $0x1082;
	[sflag:s4] =	ssyncset.s32 $0xFFFFF086  }
0x25: {  	[simem:s6], [sflag:s4] =	dma.local [hbm:s3], $0xF7A  }
0x26: {  	[smem:$0x3F9B] =	sst s1;
	(tag) =	ssettag s2;
	_ =	strace s9  }
0x27: {  	s1 =	sld [smem:$0x3FAB]  }
0x28: {  	s2 =	sld [smem:$0x3FAC]  }
0x29: {  	s4 =	sld [smem:$0x3FAE]  }
0x2a: {  	p0 =	seq.s32 s5, $0x0;
	s5 =	sld [smem:$0x3FAF]  }
0x2b: {  	s6 =	sld [smem:$0x3FB0]  }
0x2c: {  	s7 =	sld [smem:$0x3FB1]  }
0x2d: {  	s3 =	simm.s32 $0x108;
	s8 =	sld [smem:$0x3FB2]  }
0x2e: {  	s3 =	simm.s32 @!p0 $0x1082;
	s9 =	sld [smem:$0x3FB3]  }
0x2f: {  	lr =	sadd.s32 s0, s3;
	s0 =	sld [smem:$0x3FAA]  }
0x30: {  	s3 =	sld [smem:$0x3FAD]  }
0x31: {  	[smem:$0x3FB6] =	sst s10  }
0x32: {  	s10 =	sld [smem:$0x3FB4];
	_ =	sdelay $0x3  }
0x33: {  	p0 =	seq.s32 s10, $0x1;
	s10 =	sld [smem:$0x3FB6];
	_ =	sdelay $0x3  }
0x34: {  	[smem:$0x3FB6] =	sst s10  }
0x35: {  	s10 =	sld [smem:$0x3FB5];
	_ =	sdelay $0x3  }
0x36: {  	p1 =	seq.s32 s10, $0x1;
	s10 =	sld [smem:$0x3FB6];
	_ =	sdelay $0x3  }
0x37: {  	[smem:$0x3FB6] =	sst s10  }
0x38: {  	s10 =	sld [smem:$0x3FB7]  }
0x39: {  	_ = 	snop;
	(pc) =	sbr.ind lr, $3  }
0x3a: {  	_ = 	snop  }
0x3b: {  	_ = 	snop  }
0x3c: {  	p2 =	seq.s32 s10, $0x1;
	s10 =	sld [smem:$0x3FB6]  }
0x3d: {  	_ =	shalt  }
0x3e: {  	_ =	shalt  }
0x3f: {  	_ =	shalt  }
0x40: {  	_ =	shalt  }
0x41: {  	_ =	shalt  }
0x42: {  	_ =	shalt  }
0x43: {  	_ =	shalt  }
0x44: {  	_ =	shalt  }
0x45: {  	_ =	shalt  }
0x46: {  	_ =	shalt  }
0x47: {  	_ =	shalt  }
0x48: {  	_ =	shalt  }
0x49: {  	_ =	shalt  }
0x4a: {  	_ =	shalt  }
0x4b: {  	_ =	shalt  }
0x4c: {  	_ =	shalt  }
0x4d: {  	_ =	shalt  }
0x4e: {  	_ =	shalt  }
0x4f: {  	_ =	shalt  }
0x50: {  	_ =	shalt  }
0x51: {  	_ =	shalt  }
0x52: {  	_ =	shalt  }
0x53: {  	_ =	shalt  }
0x54: {  	_ =	shalt  }
0x55: {  	_ =	shalt  }
0x56: {  	_ =	shalt  }
0x57: {  	_ =	shalt  }
0x58: {  	_ =	shalt  }
0x59: {  	_ =	shalt  }
0x5a: {  	_ =	shalt  }
0x5b: {  	_ =	shalt  }
0x5c: {  	_ =	shalt  }
0x5d: {  	_ =	shalt  }
0x5e: {  	_ =	shalt  }
0x5f: {  	_ =	shalt  }
0x60: {  	_ =	shalt  }
0x61: {  	_ =	shalt  }
0x62: {  	_ =	shalt  }
0x63: {  	_ =	shalt  }
0x64: {  	_ =	shalt  }
0x65: {  	_ =	shalt  }
0x66: {  	_ =	shalt  }
0x67: {  	_ =	shalt  }
0x68: {  	_ =	shalt  }
0x69: {  	_ =	shalt  }
0x6a: {  	_ =	shalt  }
0x6b: {  	_ =	shalt  }
0x6c: {  	_ =	shalt  }
0x6d: {  	_ =	shalt  }
0x6e: {  	_ =	shalt  }
0x6f: {  	_ =	shalt  }
0x70: {  	_ =	shalt  }
0x71: {  	_ =	shalt  }
0x72: {  	_ =	shalt  }
0x73: {  	_ =	shalt  }
0x74: {  	_ =	shalt  }
0x75: {  	_ =	shalt  }
0x76: {  	_ =	shalt  }
0x77: {  	_ =	shalt  }
0x78: {  	_ =	shalt  }
0x79: {  	_ =	shalt  }
0x7a: {  	_ =	shalt  }
0x7b: {  	_ =	shalt  }
0x7c: {  	_ =	shalt  }
0x7d: {  	_ =	shalt  }
0x7e: {  	_ =	shalt  }
0x7f: {  	_ =	shalt  }
0x80: {  	_ =	shalt  }
0x81: {  	_ =	shalt  }
0x82: {  	_ =	shalt  }
0x83: {  	_ =	shalt  }
0x84: {  	_ =	shalt  }
0x85: {  	_ =	shalt  }
0x86: {  	_ =	shalt  }
0x87: {  	_ =	shalt  }
.Lfunc_end0:
.L_simem_size_0:
called_computation_lowered:
.L_overlay_start_0:
0x88: {  	s2 =	sld [smem:$0x3FD9]  }
0x89: {  	s3 =	sld [smem:$0x3FFE];
	_ =	sdelay $0x1  }
0x8a: {  	s1 =	srdreg.scid  }
0x8b: {  	s0 =	sand.u32 $0x1, s1  }
0x8c: {  	s17 =	sshll.u32 s0, $0xA;
	s2 =	sadd.s32 s3, s2  }
0x8d: {  	s2 =	sadd.s32 s2, s17  }
0x8e: {  	[smem:$0x3FC2] =	sst s2  }
0x8f: {  	_ = 	snop  }
0x90: {  	s2 =	sld [smem:$0x3FD0];
	(tm) =	ssettm $0x1  }
0x91: {  	s18 =	sld [smem:$0x3FFB];
	_ =	sdelay $0x3  }
0x92: {  	_ =	strace s18  }
0x93: {  	s3 =	sld [smem:$0x3FFC];
	_ =	sdelay $0x3  }
0x94: {  	_ =	strace s3  }
0x95: {  	s3 =	sld [smem:$0x3FFD];
	_ =	sdelay $0x3  }
0x96: {  	_ =	strace s3  }
0x97: {  	_ =	strace $0x8FFFFFFF  }
0x98: {  	s19 =	sld [smem:$0x3FDB];
	_ =	sdelay $0x1  }
0x99: {  	s4 =	simm.s32 $_scs_section_size  }
0x9a: {  	s5 =	simm.s32 $_size__tile_overlayer_lowered;
	s6 =	simm.s32 $_tile_overlayer_lowered  }
0x9b: {  	s22 =	simm.s32 $0x1BFF;
	s21 =	sshll.u32 s6, $0x1;
	s3 =	sadd.s32 s4, s19  }
0x9c: {  	s7 =	simm.s32 $0x0;
	s20 =	sshll.u32 s5, $0x1;
	s5 =	sadd.s32 s21, s3  }
0x9d: {  	[timem:s7], [sflag:s22] =	dma.local [hbm:s5], s20  }
0x9e: {  	_ =	swait.ge [sflag:s22], s20  }
0x9f: {  	s4 =	ssub.s32 $0x0, s20;
	[sflag:s22] =	ssyncset.done $0x0  }
0xa0: {  	[sflag:s22] =	ssyncadd.s32 s4;
	_ =	sdelay $0x1  }
0xa1: {  	s23 =	simm.s32 $0x1B8B  }
0xa2: {  	_ =	swait.ge [sflag:s23], $0x1  }
0xa3: {  	[sflag:s23] =	ssyncset.done $0x0  }
0xa4: {  	s25 =	simm.s32 $0x1B8E;
	s24 =	sld [smem:$0x3FFE];
	[sflag:s23] =	ssyncadd.s32 $0xFFFFFFFF  }
0xa5: {  	s26 =	simm.s32 $execute0_lowered;
	[smem:$0x3FD2] =	sst s25  }
0xa6: {  	s5 =	sshll.u32 s26, $0x1;
	_ =	strace $0x80000046;
	[dreg:$0x1] =	wrdreg $0xFFFFFFFF  }
0xa7: {  	s28 =	simm.s32 $_size_execute0_lowered;
	s3 =	sadd.s32 s3, s5;
	[dreg:$0x0] =	wrdreg $0x0  }
0xa8: {  	s5 =	sshll.u32 s28, $0x1;
	[dreg:$0x2] =	wrdreg s3  }
0xa9: {  	[dreg:$0x3] =	wrdreg s5  }
0xaa: {  	[dreg:$0x4] =	wrdreg $0xC0  }
0xab: {  	_ =	task [dreg:s7], $0x5FFFF  }
0xac: {  	[dreg:$0x1] =	wrdreg $0xFFFFFFFF  }
0xad: {  	[dreg:$0x0] =	wrdreg $0x60  }
0xae: {  	[dreg:$0x2] =	wrdreg s2  }
0xaf: {  	[dreg:$0x3] =	wrdreg s24  }
0xb0: {  	[dreg:$0x4] =	wrdreg $0x9  }
0xb1: {  	_ =	task.clear_ibuf [dreg:s7], $0x5FFFF;
	_ =	strace $0x90000046  }
0xb2: {  	s29 =	simm.s32 $0x9;
	_ =	strace $0x80000048  }
0xb3: {  	_ =	swait.ge [sflag:s29], $0x1  }
0xb4: {  	[sflag:s29] =	ssyncadd.s32 $0xFFFFFFFF  }
0xb5: {  	_ =	strace $0x90000048  }
0xb6: {  	_ =	sfence  }
0xb7: {  	s30 =	sld [smem:$0x0];
	_ =	sdelay $0x2  }
0xb8: {  	s31 =	sshll.u32 s1, $0xD;
	s1 =	sshrl.u32 s1, $0x2  }
0xb9: {  	s3 =	sand.u32 $0x4000, s31;
	s1 =	sadd.s32 s1, s30  }
0xba: {  	s0 =	sor.u32 s3, s0;
	s1 =	sshll.u32 s1, $0x11  }
0xbb: {  	s0 =	sor.u32 s1, s0  }
0xbc: {  	s0 =	sadd.s32 $0x8F2B, s0  }
0xbd: {  	[sflag:s0] =	ssyncadd.remote.s32 $0x1  }
0xbe: {  	_ =	sfence.sel $0xFFFF  }
0xbf: {  	[dreg:$0x0] =	wrdreg $0xFFFFFFFF;
	(pc) =	sbr.abs _section_cstart, $3  }
0xc0: {  	[dreg:$0x1] =	wrdreg $0xFFFFFFFF  }
0xc1: {  	_ =	task.clear_ibuf [dreg:s7], $0x2FFFF;
	_ =	strace $0x9FFFFFFF  }
0xc2: {  	(tm) =	ssettm $0x7FFFFFFF  }
0xc3: {  	_ =	shalt  }
tec
execute0_lowered:
.L_overlay_start_1:
0x0: {  	(tag) =	ssettag $0x1  }
0x1: {  	s0 =	srdreg.scid  }
0x2: {  	s4 =	rddreg [dreg:$0x0];
	s3 =	sand.u32 $0x1, s0  }
0x3: {  	s5 =	rddreg [dreg:$0x1];
	s0 =	stileid.u32;
	s1 =	sshll.u32 s3, $0x4  }
0x4: {  	s2 =	simm.s32 $0x0;
	s10 =	simm.s32 $0x14000;
	s6 =	sor.u32 s0, s1  }
0x5: {  	s11 =	simm.s32 $0x1;
	[smem:$0x7FF] =	sst s2;
	s6 =	smul.u32 $0x2800, s6  }
0x6: {  	s12 =	simm.s32 $0x0;
	s3 =	ssub.s32 $0x2, s3;
	s1 =	rddreg [dreg:$0x2]  }
0x7: {  	_ =	strace $0x80000047;
	s7 =	sshrl.u32 s3, $0x1;
	s8 =	sshrl.u32 s6, $0x3  }
0x8: {  	s31 =	ssub.s32 s3, s7;
	s5 =	sadd.s32 s6, s5;
	s3 =	sadd.s32 s4, s8  }
0x9: {  	s4 =	sadd.s32 $0xC400, s5;
	s5 =	smax.u32 s31, $0x1;
	s6 =	sadd.s32 $0x100, s3  }
0xa: {  	v0 =	vimm.f32 $0.0e+00;
	v1 =	vimm.f32 $1.000000000e+00;
	s7 =	sadd.s32 $0x200, s3;
	s8 =	sadd.s32 $0x300, s3;
	s9 =	sadd.s32 $0x400, s3  }
.LBB2_1:
0xb: {  	s13 =	simm.s32 $0x200;
	s14 =	simm.s32 $0x0  }
.LBB2_2:
0xc: {  	p0 =	sne.s32 s13, $0x4FE00;
	[tilespmem:s14+$0x0] =	vst v0;
	s14 =	smov.u32 s13;
	s13 =	sadd.s32 $0x200, s13  }
.Ltmp0:
0xd: {  	(pc) =	sbr.rel @p0 .LBB2_2-.Ltmp0, $2  }
0xe: {  	_ =	sdelay $0x2  }
0xf: {  	s14 =	sshra.s32 s14, $0x2  }
0x10: {  	[tilespmem:s14+$0x0] =	vst v0;
	s13 =	simm.s32 $0x0  }
0x11: {  	[tilespmem:s10], [sflag:$0x1] =	stream.linear.gather [hbm4b:s3+s13], $0x800, $0x38;
	[tilespmem:$0x14800] =	vst v63  }
0x12: {  	_ =	swait.ge [sflag:s11], $0x800  }
0x13: {  	[sflag:s11] =	ssyncset.done $0x0  }
0x14: {  	s14 =	simm.s32 $0x0;
	s13 =	simm.s32 $0x40;
	[sflag:s11] =	ssyncadd.s32 $0xFFFFF800  }
.LBB2_4:
0x15: {  	p0 =	sne.s32 s13, $0x1FC0;
	v2 =	vld [tilespmem:s14+$0x14000];
	_ =	sdelay $0x4  }
0x16: {  	v3 =	vshll.u32 v2, $0x3  }
0x17: {  	v2 =	vand.u32 $0xF, v2;
	v3 =	vand.u32 $0xFFFFFF80, v3  }
0x18: {  	v2 =	vor.u32 v2, v3  }
.Ltmp1:
0x19: {  	(pc) =	sbr.rel @p0 .LBB2_4-.Ltmp1, $2  }
0x1a: {  	_ =	sdelay $0x2  }
0x1b: {  	s14 =	sshra.s32 s13, $0x2;
	s13 =	sadd.s32 $0x40, s13;
	[tilespmem:v2+s2+$0x0] =	vst.idx.add.f32.msk $0xffff, v1  }
0x1c: {  	v2 =	vld [tilespmem:s14+$0x14000];
	_ =	sdelay $0x4  }
0x1d: {  	v3 =	vshll.u32 v2, $0x3  }
0x1e: {  	v2 =	vand.u32 $0xF, v2;
	v3 =	vand.u32 $0xFFFFFF80, v3  }
0x1f: {  	v2 =	vor.u32 v2, v3;
	_ =	sdelay $0x4  }
0x20: {  	s13 =	simm.s32 $0x0;
	[tilespmem:v2+s2+$0x0] =	vst.idx.add.f32.msk $0xffff, v1  }
0x21: {  	[tilespmem:s10], [sflag:$0x1] =	stream.linear.gather [hbm4b:s6+s13], $0x800, $0x38;
	[tilespmem:$0x14800] =	vst v63  }
0x22: {  	_ =	swait.ge [sflag:s11], $0x800  }
0x23: {  	[sflag:s11] =	ssyncset.done $0x0  }
0x24: {  	s14 =	simm.s32 $0x0;
	s13 =	simm.s32 $0x40;
	[sflag:s11] =	ssyncadd.s32 $0xFFFFF800  }
.LBB2_6:
0x25: {  	p0 =	sne.s32 s13, $0x1FC0;
	v2 =	vld [tilespmem:s14+$0x14000];
	_ =	sdelay $0x4  }
0x26: {  	v3 =	vshll.u32 v2, $0x3  }
0x27: {  	v2 =	vand.u32 $0xF, v2;
	v3 =	vand.u32 $0xFFFFFF80, v3  }
0x28: {  	v2 =	vor.u32 v2, v3  }
.Ltmp2:
0x29: {  	(pc) =	sbr.rel @p0 .LBB2_6-.Ltmp2, $2  }
0x2a: {  	_ =	sdelay $0x2  }
0x2b: {  	s14 =	sshra.s32 s13, $0x2;
	s13 =	sadd.s32 $0x40, s13;
	[tilespmem:v2+s2+$0x0] =	vst.idx.add.f32.msk $0xffff, v1  }
0x2c: {  	v2 =	vld [tilespmem:s14+$0x14000];
	_ =	sdelay $0x4  }
0x2d: {  	v3 =	vshll.u32 v2, $0x3  }
0x2e: {  	v2 =	vand.u32 $0xF, v2;
	v3 =	vand.u32 $0xFFFFFF80, v3  }
0x2f: {  	v2 =	vor.u32 v2, v3;
	_ =	sdelay $0x4  }
0x30: {  	s13 =	simm.s32 $0x0;
	[tilespmem:v2+s2+$0x0] =	vst.idx.add.f32.msk $0xffff, v1  }
0x31: {  	[tilespmem:s10], [sflag:$0x1] =	stream.linear.gather [hbm4b:s7+s13], $0x800, $0x38;
	[tilespmem:$0x14800] =	vst v63  }
0x32: {  	_ =	swait.ge [sflag:s11], $0x800  }
0x33: {  	[sflag:s11] =	ssyncset.done $0x0  }
0x34: {  	s14 =	simm.s32 $0x0;
	s13 =	simm.s32 $0x40;
	[sflag:s11] =	ssyncadd.s32 $0xFFFFF800  }
.LBB2_8:
0x35: {  	p0 =	sne.s32 s13, $0x1FC0;
	v2 =	vld [tilespmem:s14+$0x14000];
	_ =	sdelay $0x4  }
0x36: {  	v3 =	vshll.u32 v2, $0x3  }
0x37: {  	v2 =	vand.u32 $0xF, v2;
	v3 =	vand.u32 $0xFFFFFF80, v3  }
0x38: {  	v2 =	vor.u32 v2, v3  }
.Ltmp3:
0x39: {  	(pc) =	sbr.rel @p0 .LBB2_8-.Ltmp3, $2  }
0x3a: {  	_ =	sdelay $0x2  }
0x3b: {  	s14 =	sshra.s32 s13, $0x2;
	s13 =	sadd.s32 $0x40, s13;
	[tilespmem:v2+s2+$0x0] =	vst.idx.add.f32.msk $0xffff, v1  }
0x3c: {  	v2 =	vld [tilespmem:s14+$0x14000];
	_ =	sdelay $0x4  }
0x3d: {  	v3 =	vshll.u32 v2, $0x3  }
0x3e: {  	v2 =	vand.u32 $0xF, v2;
	v3 =	vand.u32 $0xFFFFFF80, v3  }
0x3f: {  	v2 =	vor.u32 v2, v3;
	_ =	sdelay $0x4  }
0x40: {  	s13 =	simm.s32 $0x0;
	[tilespmem:v2+s2+$0x0] =	vst.idx.add.f32.msk $0xffff, v1  }
0x41: {  	[tilespmem:s10], [sflag:$0x1] =	stream.linear.gather [hbm4b:s8+s13], $0x800, $0x38;
	[tilespmem:$0x14800] =	vst v63  }
0x42: {  	_ =	swait.ge [sflag:s11], $0x800  }
0x43: {  	[sflag:s11] =	ssyncset.done $0x0  }
0x44: {  	s14 =	simm.s32 $0x0;
	s13 =	simm.s32 $0x40;
	[sflag:s11] =	ssyncadd.s32 $0xFFFFF800  }
.LBB2_10:
0x45: {  	p0 =	sne.s32 s13, $0x1FC0;
	v2 =	vld [tilespmem:s14+$0x14000];
	_ =	sdelay $0x4  }
0x46: {  	v3 =	vshll.u32 v2, $0x3  }
0x47: {  	v2 =	vand.u32 $0xF, v2;
	v3 =	vand.u32 $0xFFFFFF80, v3  }
0x48: {  	v2 =	vor.u32 v2, v3  }
.Ltmp4:
0x49: {  	(pc) =	sbr.rel @p0 .LBB2_10-.Ltmp4, $2  }
0x4a: {  	_ =	sdelay $0x2  }
0x4b: {  	s14 =	sshra.s32 s13, $0x2;
	s13 =	sadd.s32 $0x40, s13;
	[tilespmem:v2+s2+$0x0] =	vst.idx.add.f32.msk $0xffff, v1  }
0x4c: {  	v2 =	vld [tilespmem:s14+$0x14000];
	_ =	sdelay $0x4  }
0x4d: {  	v3 =	vshll.u32 v2, $0x3  }
0x4e: {  	v2 =	vand.u32 $0xF, v2;
	v3 =	vand.u32 $0xFFFFFF80, v3  }
0x4f: {  	v2 =	vor.u32 v2, v3;
	_ =	sdelay $0x4  }
0x50: {  	s13 =	simm.s32 $0x0;
	[tilespmem:v2+s2+$0x0] =	vst.idx.add.f32.msk $0xffff, v1  }
0x51: {  	[tilespmem:s10], [sflag:$0x1] =	stream.linear.gather [hbm4b:s9+s13], $0x800, $0x38;
	[tilespmem:$0x14800] =	vst v63  }
0x52: {  	_ =	swait.ge [sflag:s11], $0x800  }
0x53: {  	[sflag:s11] =	ssyncset.done $0x0  }
0x54: {  	s14 =	simm.s32 $0x0;
	s13 =	simm.s32 $0x40;
	[sflag:s11] =	ssyncadd.s32 $0xFFFFF800  }
.LBB2_12:
0x55: {  	p0 =	sne.s32 s13, $0x1FC0;
	v2 =	vld [tilespmem:s14+$0x14000];
	_ =	sdelay $0x4  }
0x56: {  	v3 =	vshll.u32 v2, $0x3  }
0x57: {  	v2 =	vand.u32 $0xF, v2;
	v3 =	vand.u32 $0xFFFFFF80, v3  }
0x58: {  	v2 =	vor.u32 v2, v3  }
.Ltmp5:
0x59: {  	(pc) =	sbr.rel @p0 .LBB2_12-.Ltmp5, $2  }
0x5a: {  	_ =	sdelay $0x2  }
0x5b: {  	s14 =	sshra.s32 s13, $0x2;
	s13 =	sadd.s32 $0x40, s13;
	[tilespmem:v2+s2+$0x0] =	vst.idx.add.f32.msk $0xffff, v1  }
0x5c: {  	v2 =	vld [tilespmem:s14+$0x14000];
	_ =	sdelay $0x4  }
0x5d: {  	v3 =	vshll.u32 v2, $0x3  }
0x5e: {  	v2 =	vand.u32 $0xF, v2;
	v3 =	vand.u32 $0xFFFFFF80, v3  }
0x5f: {  	v2 =	vor.u32 v2, v3;
	_ =	sdelay $0x2  }
0x60: {  	s12 =	sadd.s32 $0x1, s12  }
0x61: {  	p0 =	sne.s32 s12, s5  }
.Ltmp6:
0x62: {  	[tilespmem:v2+s2+$0x0] =	vst.idx.add.f32.msk $0xffff, v1;
	(pc) =	sbr.rel @p0 .LBB2_1-.Ltmp6, $4  }
0x63: {  	[hbm4b:s4+s2] =	stream.linear.scatter [tilespmem:s2], [sflag:$0x1], $0x14000, $0x38;
	[tilespmem:$0x14800] =	vst v63  }
0x64: {  	_ =	swait.ge [sflag:s11], $0x14000  }
0x65: {  	[sflag:s11] =	ssyncset.done $0x0  }
0x66: {  	[sflag:s11] =	ssyncadd.s32 $0xFFFEC000  }
0x67: {  	_ =	sfence.sel $0x180000  }
0x68: {  	[bflag:$0x0] =	sbarrier.arrive $0xFFFF  }
0x69: {  	p0 =	sne.s32 s0, $0x0;
	_ =	strace $0x90000047  }
0x6a: {  	s0 =	sadd.s32 @!p0 $0x100000, s1;
	[bflag:$0x2] =	sbarrier.arrive $0xFFFF  }
0x6b: {  	[sflag:s0] =	ssyncadd.tile.s32 @!p0 $0x1;
	_ =	shalt  }
.Lfunc_end2:
_tile_overlayer_lowered:
.L_overlay_start_2:
0x6c: {  	(tag) =	ssettag $0x2  }
0x6d: {  	s0 =	rddreg [dreg:$0x0];
	s2 =	stileid.u32  }
0x6e: {  	s1 =	rddreg [dreg:$0x1];
	p0 =	sne.s32 s2, $0x0  }
0x6f: {  	s3 =	rddreg [dreg:$0x2];
	[bflag:$0x3] =	sbarrier.arrive $0xFFFF;
	s2 =	simm.s32 @!p0 $0x1C01  }
0x70: {  	[timem:s3], [sflag:s2] =	dma.local @!p0 [hbm:s0], s1  }
0x71: {  	s0 =	simm.s32 @!p0 $0x1  }
0x72: {  	_ =	swait.ge @!p0 [sflag:s0], s1  }
0x73: {  	s1 =	ssub.s32 @!p0 $0x0, s1;
	[sflag:s0] =	ssyncset.done @!p0 $0x0  }
0x74: {  	[sflag:s0] =	ssyncadd.s32 @!p0 s1  }
0x75: {  	[bflag:$0x3] =	sbarrier.arrive $0xFFFF  }
0x76: {  	_ =	shalt  }

</sc_bundles>
